<compile_context>
chip_gen: v7x
topology: tpu7x:2x2x1
jax: 0.10.2.dev20260603
libtpu: 0.0.44.dev20260713+nightly
codegen_flags: <defaults>
</compile_context>

<pallas_src>
import functools

import jax
import jax.numpy as jnp
from jax import lax
from jax.experimental import pallas as pl
from jax.experimental.pallas import tpu as pltpu
from jax.experimental.pallas import tpu_sc as plsc

N = 10000
E = 320000
D = 128
NPAD = 10240
NC, NS = 2, 16
NW = NC * NS
C = 128
NCHT = 80
NCH = NCHT // 2
EPAD = NW * NCHT * C
ROWS = EPAD // C
ROWSH = ROWS // 2
RPT = NPAD // NS

_mesh = plsc.VectorSubcoreMesh(core_axis_name="c", subcore_axis_name="s")


def _sc_degrees(s0, d0, s1, d1):

  @functools.partial(
      pl.kernel,
      out_type=[jax.ShapeDtypeStruct((2 * NPAD,), jnp.float32)] * 4,
      mesh=_mesh,
      scratch_types=[
          pltpu.VMEM((4 * NCHT, C), jnp.int32),
          pltpu.VMEM((C,), jnp.float32),
          pltpu.VMEM((RPT,), jnp.float32),
          pltpu.VMEM_SHARED((NPAD,), jnp.float32),
          pltpu.VMEM_SHARED((NPAD,), jnp.float32),
          pltpu.VMEM_SHARED((NPAD,), jnp.float32),
          pltpu.VMEM_SHARED((NPAD,), jnp.float32),
      ],
  )
  def deg_kernel(s0_hbm, d0_hbm, s1_hbm, d1_hbm, o0, o1, o2, o3,
                 idx_v, ones_v, zeros_v, h0, h1, h2, h3):
    core = lax.axis_index("c")
    sub = lax.axis_index("s")
    wid = sub * NC + core
    hists = (h0, h1, h2, h3)
    outs = (o0, o1, o2, o3)

    @pl.loop(0, C // 16)
    def _(t):
      ones_v[pl.ds(t * 16, 16)] = jnp.ones((16,), jnp.float32)

    @pl.loop(0, RPT // 16)
    def _(t):
      zeros_v[pl.ds(t * 16, 16)] = jnp.zeros((16,), jnp.float32)

    for h in hists:
      pltpu.sync_copy(zeros_v, h.at[pl.ds(sub * RPT, RPT)])

    for k, src in enumerate((s0_hbm, d0_hbm, s1_hbm, d1_hbm)):
      pltpu.sync_copy(src.at[pl.ds(wid * NCHT, NCHT)],
                      idx_v.at[pl.ds(k * NCHT, NCHT)])

    plsc.subcore_barrier()

    for k, h in enumerate(hists):
      @pl.loop(0, NCHT)
      def _(j, k=k, h=h):
        pltpu.sync_copy(ones_v, h.at[idx_v.at[k * NCHT + j]], add=True)

    plsc.subcore_barrier()

    for h, o in zip(hists, outs):
      pltpu.sync_copy(h.at[pl.ds(sub * RPT, RPT)],
                      o.at[pl.ds(core * NPAD + sub * RPT, RPT)])

  return deg_kernel(s0, d0, s1, d1)


def _sc_aggregate(h, src, dst):

  @functools.partial(
      pl.kernel,
      out_type=jax.ShapeDtypeStruct((2, NPAD, D), jnp.float32),
      mesh=_mesh,
      scratch_types=[
          pltpu.VMEM((NCH, C), jnp.int32),
          pltpu.VMEM((NCH, C), jnp.int32),
          pltpu.VMEM((2 * C, D), jnp.float32),
          pltpu.VMEM_SHARED((NPAD, D), jnp.float32),
          pltpu.SemaphoreType.DMA,
      ],
  )
  def agg_kernel(h_hbm, src_hbm, dst_hbm, out_hbm,
                 sidx, didx, buf, acc, sem0):
    core = lax.axis_index("c")
    sub = lax.axis_index("s")
    wid = sub * NC + core

    pltpu.sync_copy(src_hbm.at[pl.ds(wid * NCH, NCH)], sidx)
    pltpu.sync_copy(dst_hbm.at[pl.ds(wid * NCH, NCH)], didx)

    @pl.loop(0, C)
    def _(r):
      @pl.loop(0, D // 16)
      def _(t):
        buf.at[pl.ds(r, 1), pl.ds(t * 16, 16)][...] = (
            jnp.zeros((1, 16), jnp.float32))

    @pl.loop(0, RPT // C)
    def _(b):
      pltpu.sync_copy(buf.at[pl.ds(0, C)],
                      acc.at[pl.ds(sub * RPT + b * C, C)])

    plsc.subcore_barrier()

    @pl.loop(0, NCH + 1)
    def _(i):
      @pl.when(i < NCH)
      def _():
        pltpu.async_copy(h_hbm.at[sidx.at[i]],
                         buf.at[pl.ds((i % 2) * C, C)], sem0)

      @pl.when(i >= 1)
      def _():
        j = i - 1
        sl = buf.at[pl.ds((j % 2) * C, C)]
        pltpu.make_async_copy(h_hbm.at[sidx.at[0]], sl, sem0).wait()
        pltpu.sync_copy(sl, acc.at[didx.at[j]], add=True)

    plsc.subcore_barrier()

    pltpu.sync_copy(acc.at[pl.ds(sub * RPT, RPT)],
                    out_hbm.at[core, pl.ds(sub * RPT, RPT)])

  return agg_kernel(h, src, dst)


BM = 1024


def _norm(p_ref):
  deg = p_ref[0] + p_ref[1]
  n = jnp.where(deg > 0, lax.rsqrt(jnp.maximum(deg, 1.0)), 0.0)
  return n.reshape(-1, 1)


_DEG_SPEC = pl.BlockSpec((2, BM), lambda i: (0, i))


def _mm1_body(x_ref, w_ref, ds_ref, o_ref):
  o_ref[...] = jnp.dot(x_ref[...], w_ref[...],
                       preferred_element_type=jnp.float32) * _norm(ds_ref)


def _tc_mm1(x, W, degs):
  return pl.pallas_call(
      _mm1_body,
      grid=(NPAD // BM,),
      in_specs=[
          pl.BlockSpec((BM, D), lambda i: (i, 0)),
          pl.BlockSpec((D, D), lambda i: (0, 0)),
          _DEG_SPEC,
      ],
      out_specs=pl.BlockSpec((BM, D), lambda i: (i, 0)),
      out_shape=jax.ShapeDtypeStruct((NPAD, D), jnp.float32),
  )(x, W, degs)


def _mm2_body(pa_ref, pb_ref, dd_ref, b_ref, w_ref, ds_ref, o_ref):
  agg = pa_ref[0] + pa_ref[1] + pb_ref[0] + pb_ref[1]
  x2 = jnp.maximum(agg * _norm(dd_ref) + b_ref[...], 0.0)
  o_ref[...] = jnp.dot(x2, w_ref[...],
                       preferred_element_type=jnp.float32) * _norm(ds_ref)


def _tc_mm2(pa, pb, degd, b, W, degs):
  return pl.pallas_call(
      _mm2_body,
      grid=(NPAD // BM,),
      in_specs=[
          pl.BlockSpec((2, BM, D), lambda i: (0, i, 0)),
          pl.BlockSpec((2, BM, D), lambda i: (0, i, 0)),
          _DEG_SPEC,
          pl.BlockSpec((1, D), lambda i: (0, 0)),
          pl.BlockSpec((D, D), lambda i: (0, 0)),
          _DEG_SPEC,
      ],
      out_specs=pl.BlockSpec((BM, D), lambda i: (i, 0)),
      out_shape=jax.ShapeDtypeStruct((NPAD, D), jnp.float32),
  )(pa, pb, degd, b, W, degs)


def _fin_body(pa_ref, pb_ref, dd_ref, b_ref, o_ref):
  agg = pa_ref[0] + pa_ref[1] + pb_ref[0] + pb_ref[1]
  o_ref[...] = agg * _norm(dd_ref) + b_ref[...]


def _tc_fin(pa, pb, degd, b):
  return pl.pallas_call(
      _fin_body,
      grid=(NPAD // BM,),
      in_specs=[
          pl.BlockSpec((2, BM, D), lambda i: (0, i, 0)),
          pl.BlockSpec((2, BM, D), lambda i: (0, i, 0)),
          _DEG_SPEC,
          pl.BlockSpec((1, D), lambda i: (0, 0)),
      ],
      out_specs=pl.BlockSpec((BM, D), lambda i: (i, 0)),
      out_shape=jax.ShapeDtypeStruct((NPAD, D), jnp.float32),
  )(pa, pb, degd, b)


def kernel(features, edge_index0, edge_index1, W1, b1, W2, b2):
  x = jnp.pad(features, ((0, NPAD - N), (0, 0)))
  pad_ids = (N + jnp.arange(EPAD - E, dtype=jnp.int32) % (NPAD - N))

  def prep(idx):
    return jnp.concatenate([idx, pad_ids]).reshape(ROWS, C)

  s0 = prep(edge_index0[0])
  d0 = prep(edge_index0[1])
  s1 = prep(edge_index1[0])
  d1 = prep(edge_index1[1])

  degp = _sc_degrees(s0, d0, s1, d1)
  dg = [p.reshape(2, NPAD) for p in degp]

  h1 = _tc_mm1(x, W1, dg[0])
  p1a = _sc_aggregate(h1, s0[:ROWSH], d0[:ROWSH])
  p1b = _sc_aggregate(h1, s0[ROWSH:], d0[ROWSH:])
  h2 = _tc_mm2(p1a, p1b, dg[1], b1.reshape(1, D), W2, dg[2])
  p2a = _sc_aggregate(h2, s1[:ROWSH], d1[:ROWSH])
  p2b = _sc_aggregate(h2, s1[ROWSH:], d1[ROWSH:])
  out = _tc_fin(p2a, p2b, dg[3], b2.reshape(1, D))
  return out[:N]

# --- scband reference (transcript-rebuilt; emitter-appended) ---
"""Pipeline reference for scband-gcn-88665304858771 (READ-ONLY COPY).

The authoritative reference and input builder live on the scoring server;
editing this copy changes nothing except your own understanding.
"""

import jax, jax.numpy as jnp
import numpy as np

N = 10000
E = 320000
D_IN = 128
D_H = 128
D_OUT = 128


def setup_inputs(seed: int = 0) -> dict:
    key = jax.random.key(seed)
    k1, k2, k3, k4, k5, k6, k7 = jax.random.split(key, 7)
    features = jax.random.normal(k1, (N, D_IN), dtype=jnp.float32)
    edge_index0 = jax.random.randint(k2, (2, E), 0, N, dtype=jnp.int32)
    edge_index1 = jax.random.randint(k3, (2, E), 0, N, dtype=jnp.int32)
    W1 = jax.random.normal(k4, (D_IN, D_H), dtype=jnp.float32) * (1.0 / np.sqrt(D_IN))
    b1 = jnp.zeros((D_H,), dtype=jnp.float32)
    W2 = jax.random.normal(k5, (D_H, D_OUT), dtype=jnp.float32) * (1.0 / np.sqrt(D_H))
    b2 = jnp.zeros((D_OUT,), dtype=jnp.float32)
    return {"features": features, "edge_index0": edge_index0, "edge_index1": edge_index1,
            "W1": W1, "b1": b1, "W2": W2, "b2": b2}


def _graph_conv(x, W, b, src, dst):
    # DGL GraphConv with norm='both', allow_zero_in_degree=True:
    #   h = D_in^{-1/2} A D_out^{-1/2} (x W) + b, zero-degree norms -> 0
    ones = jnp.ones((E,), dtype=x.dtype)
    out_deg = jax.ops.segment_sum(ones, src, num_segments=N)
    in_deg = jax.ops.segment_sum(ones, dst, num_segments=N)
    norm_src = jnp.where(out_deg > 0, jax.lax.rsqrt(jnp.maximum(out_deg, 1.0)), 0.0)
    norm_dst = jnp.where(in_deg > 0, jax.lax.rsqrt(jnp.maximum(in_deg, 1.0)), 0.0)
    # mult W first (in_feats >= out_feats path in DGL), then aggregate
    h = (x * norm_src[:, None]) @ W
    msgs = jnp.take(h, src, axis=0)
    agg = jax.ops.segment_sum(msgs, dst, num_segments=N)
    return agg * norm_dst[:, None] + b


def reference(features, edge_index0, edge_index1, W1, b1, W2, b2):
    x = jax.nn.relu(_graph_conv(features, W1, b1, edge_index0[0], edge_index0[1]))
    x = _graph_conv(x, W2, b2, edge_index1[0], edge_index1[1])
    return x

if __name__ == "__main__":
    import jax
    _d = setup_inputs()
    print(jax.jit(kernel)(*tuple(_d.values())))

</pallas_src>

<mosaic_0001>
#map = affine_map<(d0, d1) -> (0, 0)>
#map1 = affine_map<(d0, d1) -> (0)>
module attributes {stable_mosaic.version = 14 : i64} {
  func.func @deg_kernel(%arg0: i32, %arg1: i32, %arg2: memref<2560x128xi32, #tpu.memory_space<hbm>>, %arg3: memref<2560x128xi32, #tpu.memory_space<hbm>>, %arg4: memref<2560x128xi32, #tpu.memory_space<hbm>>, %arg5: memref<2560x128xi32, #tpu.memory_space<hbm>>, %arg6: memref<20480xf32, #tpu.memory_space<hbm>>, %arg7: memref<20480xf32, #tpu.memory_space<hbm>>, %arg8: memref<20480xf32, #tpu.memory_space<hbm>>, %arg9: memref<20480xf32, #tpu.memory_space<hbm>>, %arg10: memref<320x128xi32, #tpu.memory_space<vmem>>, %arg11: memref<128xf32, #tpu.memory_space<vmem>>, %arg12: memref<640xf32, #tpu.memory_space<vmem>>, %arg13: memref<10240xf32, #tpu.memory_space<vmem_shared>>, %arg14: memref<10240xf32, #tpu.memory_space<vmem_shared>>, %arg15: memref<10240xf32, #tpu.memory_space<vmem_shared>>, %arg16: memref<10240xf32, #tpu.memory_space<vmem_shared>>) attributes {dimension_semantics = [#tpu.dimension_semantics<core_parallel>, #tpu.dimension_semantics<subcore_parallel>], iteration_bounds = array<i64: 2, 16>, scalar_prefetch = 0 : i64, scratch_operands = 7 : i64, tpu.core_type = #tpu.core_type<sc_vector_subcore>, window_params = [{transform_indices = #map}, {transform_indices = #map}, {transform_indices = #map}, {transform_indices = #map}, {transform_indices = #map1}, {transform_indices = #map1}, {transform_indices = #map1}, {transform_indices = #map1}]} {
    %mul3A = arith.constant 2 : i32
    %mul3A_0 = arith.muli %arg1, %mul3A : i32
    %add3A = arith.addi %mul3A_0, %arg0 : i32
    %scan3A = arith.constant 0 : i32
    %scan3A_1 = arith.constant 8 : i32
    %scan3A_2 = arith.addi %scan3A, %scan3A_1 : i32
    %scan3A_3 = arith.constant 1 : i32
    scf.for %scan3A_75 = %scan3A to %scan3A_2 step %scan3A_3  : i32 {
      %mul3A_76 = arith.constant 1 : i32
      %mul3A_77 = arith.muli %scan3A_75, %mul3A_76 : i32
      %add3A_78 = arith.constant 0 : i32
      %add3A_79 = arith.addi %add3A_78, %mul3A_77 : i32
      %broadcast_in_dim3A = arith.constant 1.000000e+00 : f32
      %broadcast_in_dim3A_80 = vector.broadcast %broadcast_in_dim3A : f32 to vector<16xf32>
      %mul3A_81 = arith.constant 16 : i32
      %mul3A_82 = arith.muli %add3A_79, %mul3A_81 : i32
      %swap3A = arith.index_cast %mul3A_82 : i32 to index
      %swap3A_83 = tpu.vector_load %arg11[%swap3A] {strides = array<i32>} : memref<128xf32, #tpu.memory_space<vmem>>, vector<16xf32>,
      %swap3A_84 = vector.shape_cast %swap3A_83 : vector<16xf32> to vector<16xf32>
      %swap3A_85 = vector.shape_cast %broadcast_in_dim3A_80 : vector<16xf32> to vector<16xf32>
      tpu.vector_store %arg11[%swap3A], %swap3A_85 {strides = array<i32>} : memref<128xf32, #tpu.memory_space<vmem>>, vector<16xf32>,
    }
    %scan3A_4 = arith.constant 8 : i32
    %scan3A_5 = arith.constant 0 : i32
    %scan3A_6 = arith.constant 40 : i32
    %scan3A_7 = arith.addi %scan3A_5, %scan3A_6 : i32
    %scan3A_8 = arith.constant 1 : i32
    scf.for %scan3A_75 = %scan3A_5 to %scan3A_7 step %scan3A_8  : i32 {
      %mul3A_76 = arith.constant 1 : i32
      %mul3A_77 = arith.muli %scan3A_75, %mul3A_76 : i32
      %add3A_78 = arith.constant 0 : i32
      %add3A_79 = arith.addi %add3A_78, %mul3A_77 : i32
      %broadcast_in_dim3A = arith.constant 0.000000e+00 : f32
      %broadcast_in_dim3A_80 = vector.broadcast %broadcast_in_dim3A : f32 to vector<16xf32>
      %mul3A_81 = arith.constant 16 : i32
      %mul3A_82 = arith.muli %add3A_79, %mul3A_81 : i32
      %swap3A = arith.index_cast %mul3A_82 : i32 to index
      %swap3A_83 = tpu.vector_load %arg12[%swap3A] {strides = array<i32>} : memref<640xf32, #tpu.memory_space<vmem>>, vector<16xf32>,
      %swap3A_84 = vector.shape_cast %swap3A_83 : vector<16xf32> to vector<16xf32>
      %swap3A_85 = vector.shape_cast %broadcast_in_dim3A_80 : vector<16xf32> to vector<16xf32>
      tpu.vector_store %arg12[%swap3A], %swap3A_85 {strides = array<i32>} : memref<640xf32, #tpu.memory_space<vmem>>, vector<16xf32>,
    }
    %scan3A_9 = arith.constant 40 : i32
    %mul3A_10 = arith.constant 640 : i32
    %mul3A_11 = arith.muli %arg1, %mul3A_10 : i32
    "tpu.region"() ({
      %run_scoped3A = tpu.sem_alloc : memref<!tpu.dma_semaphore, #tpu.memory_space<semaphore_mem>>
      %dma_start3A = tpu.memref_slice %arg13[%mul3A_11] : memref<10240xf32, #tpu.memory_space<vmem_shared>> -> memref<640xf32, #tpu.memory_space<vmem_shared>>
      %dma_start3A_75 = tpu.memref_slice %arg13[%mul3A_11] : memref<10240xf32, #tpu.memory_space<vmem_shared>> -> memref<640xf32, #tpu.memory_space<vmem_shared>>
      tpu.enqueue_dma source(%arg12 : memref<640xf32, #tpu.memory_space<vmem>>) target(%dma_start3A_75 : memref<640xf32, #tpu.memory_space<vmem_shared>>) target_semaphore(%run_scoped3A : memref<!tpu.dma_semaphore, #tpu.memory_space<semaphore_mem>>)
      %dma_wait3A = tpu.memref_slice %arg13[%mul3A_11] : memref<10240xf32, #tpu.memory_space<vmem_shared>> -> memref<640xf32, #tpu.memory_space<vmem_shared>>
      %dma_wait3A_76 = tpu.memref_slice %arg13[%mul3A_11] : memref<10240xf32, #tpu.memory_space<vmem_shared>> -> memref<640xf32, #tpu.memory_space<vmem_shared>>
      tpu.wait_dma2 semaphore(%run_scoped3A : memref<!tpu.dma_semaphore, #tpu.memory_space<semaphore_mem>>) src(%arg12 : memref<640xf32, #tpu.memory_space<vmem>>) dst(%dma_wait3A_76 : memref<640xf32, #tpu.memory_space<vmem_shared>>)
      tpu.yield
    }) : () -> ()
    %mul3A_12 = arith.constant 640 : i32
    %mul3A_13 = arith.muli %arg1, %mul3A_12 : i32
    "tpu.region"() ({
      %run_scoped3A = tpu.sem_alloc : memref<!tpu.dma_semaphore, #tpu.memory_space<semaphore_mem>>
      %dma_start3A = tpu.memref_slice %arg14[%mul3A_13] : memref<10240xf32, #tpu.memory_space<vmem_shared>> -> memref<640xf32, #tpu.memory_space<vmem_shared>>
      %dma_start3A_75 = tpu.memref_slice %arg14[%mul3A_13] : memref<10240xf32, #tpu.memory_space<vmem_shared>> -> memref<640xf32, #tpu.memory_space<vmem_shared>>
      tpu.enqueue_dma source(%arg12 : memref<640xf32, #tpu.memory_space<vmem>>) target(%dma_start3A_75 : memref<640xf32, #tpu.memory_space<vmem_shared>>) target_semaphore(%run_scoped3A : memref<!tpu.dma_semaphore, #tpu.memory_space<semaphore_mem>>)
      %dma_wait3A = tpu.memref_slice %arg14[%mul3A_13] : memref<10240xf32, #tpu.memory_space<vmem_shared>> -> memref<640xf32, #tpu.memory_space<vmem_shared>>
      %dma_wait3A_76 = tpu.memref_slice %arg14[%mul3A_13] : memref<10240xf32, #tpu.memory_space<vmem_shared>> -> memref<640xf32, #tpu.memory_space<vmem_shared>>
      tpu.wait_dma2 semaphore(%run_scoped3A : memref<!tpu.dma_semaphore, #tpu.memory_space<semaphore_mem>>) src(%arg12 : memref<640xf32, #tpu.memory_space<vmem>>) dst(%dma_wait3A_76 : memref<640xf32, #tpu.memory_space<vmem_shared>>)
      tpu.yield
    }) : () -> ()
    %mul3A_14 = arith.constant 640 : i32
    %mul3A_15 = arith.muli %arg1, %mul3A_14 : i32
    "tpu.region"() ({
      %run_scoped3A = tpu.sem_alloc : memref<!tpu.dma_semaphore, #tpu.memory_space<semaphore_mem>>
      %dma_start3A = tpu.memref_slice %arg15[%mul3A_15] : memref<10240xf32, #tpu.memory_space<vmem_shared>> -> memref<640xf32, #tpu.memory_space<vmem_shared>>
      %dma_start3A_75 = tpu.memref_slice %arg15[%mul3A_15] : memref<10240xf32, #tpu.memory_space<vmem_shared>> -> memref<640xf32, #tpu.memory_space<vmem_shared>>
      tpu.enqueue_dma source(%arg12 : memref<640xf32, #tpu.memory_space<vmem>>) target(%dma_start3A_75 : memref<640xf32, #tpu.memory_space<vmem_shared>>) target_semaphore(%run_scoped3A : memref<!tpu.dma_semaphore, #tpu.memory_space<semaphore_mem>>)
      %dma_wait3A = tpu.memref_slice %arg15[%mul3A_15] : memref<10240xf32, #tpu.memory_space<vmem_shared>> -> memref<640xf32, #tpu.memory_space<vmem_shared>>
      %dma_wait3A_76 = tpu.memref_slice %arg15[%mul3A_15] : memref<10240xf32, #tpu.memory_space<vmem_shared>> -> memref<640xf32, #tpu.memory_space<vmem_shared>>
      tpu.wait_dma2 semaphore(%run_scoped3A : memref<!tpu.dma_semaphore, #tpu.memory_space<semaphore_mem>>) src(%arg12 : memref<640xf32, #tpu.memory_space<vmem>>) dst(%dma_wait3A_76 : memref<640xf32, #tpu.memory_space<vmem_shared>>)
      tpu.yield
    }) : () -> ()
    %mul3A_16 = arith.constant 640 : i32
    %mul3A_17 = arith.muli %arg1, %mul3A_16 : i32
    "tpu.region"() ({
      %run_scoped3A = tpu.sem_alloc : memref<!tpu.dma_semaphore, #tpu.memory_space<semaphore_mem>>
      %dma_start3A = tpu.memref_slice %arg16[%mul3A_17] : memref<10240xf32, #tpu.memory_space<vmem_shared>> -> memref<640xf32, #tpu.memory_space<vmem_shared>>
      %dma_start3A_75 = tpu.memref_slice %arg16[%mul3A_17] : memref<10240xf32, #tpu.memory_space<vmem_shared>> -> memref<640xf32, #tpu.memory_space<vmem_shared>>
      tpu.enqueue_dma source(%arg12 : memref<640xf32, #tpu.memory_space<vmem>>) target(%dma_start3A_75 : memref<640xf32, #tpu.memory_space<vmem_shared>>) target_semaphore(%run_scoped3A : memref<!tpu.dma_semaphore, #tpu.memory_space<semaphore_mem>>)
      %dma_wait3A = tpu.memref_slice %arg16[%mul3A_17] : memref<10240xf32, #tpu.memory_space<vmem_shared>> -> memref<640xf32, #tpu.memory_space<vmem_shared>>
      %dma_wait3A_76 = tpu.memref_slice %arg16[%mul3A_17] : memref<10240xf32, #tpu.memory_space<vmem_shared>> -> memref<640xf32, #tpu.memory_space<vmem_shared>>
      tpu.wait_dma2 semaphore(%run_scoped3A : memref<!tpu.dma_semaphore, #tpu.memory_space<semaphore_mem>>) src(%arg12 : memref<640xf32, #tpu.memory_space<vmem>>) dst(%dma_wait3A_76 : memref<640xf32, #tpu.memory_space<vmem_shared>>)
      tpu.yield
    }) : () -> ()
    %mul3A_18 = arith.constant 80 : i32
    %mul3A_19 = arith.muli %add3A, %mul3A_18 : i32
    "tpu.region"() ({
      %run_scoped3A = tpu.sem_alloc : memref<!tpu.dma_semaphore, #tpu.memory_space<semaphore_mem>>
      %dma_start3A = arith.constant 0 : i32
      %dma_start3A_75 = arith.constant 0 : i32
      %dma_start3A_76 = tpu.memref_slice %arg10[%dma_start3A, %dma_start3A_75] : memref<320x128xi32, #tpu.memory_space<vmem>> -> memref<80x128xi32, #tpu.memory_space<vmem>>
      %dma_start3A_77 = arith.constant 0 : i32
      %dma_start3A_78 = tpu.memref_slice %arg2[%mul3A_19, %dma_start3A_77] : memref<2560x128xi32, #tpu.memory_space<hbm>> -> memref<80x128xi32, #tpu.memory_space<hbm>>
      %dma_start3A_79 = arith.constant 0 : i32
      %dma_start3A_80 = arith.constant 0 : i32
      %dma_start3A_81 = tpu.memref_slice %arg10[%dma_start3A_79, %dma_start3A_80] : memref<320x128xi32, #tpu.memory_space<vmem>> -> memref<80x128xi32, #tpu.memory_space<vmem>>
      %dma_start3A_82 = arith.constant 0 : i32
      %dma_start3A_83 = tpu.memref_slice %arg2[%mul3A_19, %dma_start3A_82] : memref<2560x128xi32, #tpu.memory_space<hbm>> -> memref<80x128xi32, #tpu.memory_space<hbm>>
      tpu.enqueue_dma source(%dma_start3A_83 : memref<80x128xi32, #tpu.memory_space<hbm>>) target(%dma_start3A_81 : memref<80x128xi32, #tpu.memory_space<vmem>>) target_semaphore(%run_scoped3A : memref<!tpu.dma_semaphore, #tpu.memory_space<semaphore_mem>>)
      %dma_wait3A = arith.constant 0 : i32
      %dma_wait3A_84 = arith.constant 0 : i32
      %dma_wait3A_85 = tpu.memref_slice %arg10[%dma_wait3A, %dma_wait3A_84] : memref<320x128xi32, #tpu.memory_space<vmem>> -> memref<80x128xi32, #tpu.memory_space<vmem>>
      %dma_wait3A_86 = arith.constant 0 : i32
      %dma_wait3A_87 = tpu.memref_slice %arg2[%mul3A_19, %dma_wait3A_86] : memref<2560x128xi32, #tpu.memory_space<hbm>> -> memref<80x128xi32, #tpu.memory_space<hbm>>
      %dma_wait3A_88 = arith.constant 0 : i32
      %dma_wait3A_89 = arith.constant 0 : i32
      %dma_wait3A_90 = tpu.memref_slice %arg10[%dma_wait3A_88, %dma_wait3A_89] : memref<320x128xi32, #tpu.memory_space<vmem>> -> memref<80x128xi32, #tpu.memory_space<vmem>>
      %dma_wait3A_91 = arith.constant 0 : i32
      %dma_wait3A_92 = tpu.memref_slice %arg2[%mul3A_19, %dma_wait3A_91] : memref<2560x128xi32, #tpu.memory_space<hbm>> -> memref<80x128xi32, #tpu.memory_space<hbm>>
      tpu.wait_dma2 semaphore(%run_scoped3A : memref<!tpu.dma_semaphore, #tpu.memory_space<semaphore_mem>>) src(%dma_wait3A_92 : memref<80x128xi32, #tpu.memory_space<hbm>>) dst(%dma_wait3A_90 : memref<80x128xi32, #tpu.memory_space<vmem>>)
      tpu.yield
    }) : () -> ()
    %mul3A_20 = arith.constant 80 : i32
    %mul3A_21 = arith.muli %add3A, %mul3A_20 : i32
    "tpu.region"() ({
      %run_scoped3A = tpu.sem_alloc : memref<!tpu.dma_semaphore, #tpu.memory_space<semaphore_mem>>
      %dma_start3A = arith.constant 80 : i32
      %dma_start3A_75 = arith.constant 0 : i32
      %dma_start3A_76 = tpu.memref_slice %arg10[%dma_start3A, %dma_start3A_75] : memref<320x128xi32, #tpu.memory_space<vmem>> -> memref<80x128xi32, #tpu.memory_space<vmem>>
      %dma_start3A_77 = arith.constant 0 : i32
      %dma_start3A_78 = tpu.memref_slice %arg3[%mul3A_21, %dma_start3A_77] : memref<2560x128xi32, #tpu.memory_space<hbm>> -> memref<80x128xi32, #tpu.memory_space<hbm>>
      %dma_start3A_79 = arith.constant 80 : i32
      %dma_start3A_80 = arith.constant 0 : i32
      %dma_start3A_81 = tpu.memref_slice %arg10[%dma_start3A_79, %dma_start3A_80] : memref<320x128xi32, #tpu.memory_space<vmem>> -> memref<80x128xi32, #tpu.memory_space<vmem>>
      %dma_start3A_82 = arith.constant 0 : i32
      %dma_start3A_83 = tpu.memref_slice %arg3[%mul3A_21, %dma_start3A_82] : memref<2560x128xi32, #tpu.memory_space<hbm>> -> memref<80x128xi32, #tpu.memory_space<hbm>>
      tpu.enqueue_dma source(%dma_start3A_83 : memref<80x128xi32, #tpu.memory_space<hbm>>) target(%dma_start3A_81 : memref<80x128xi32, #tpu.memory_space<vmem>>) target_semaphore(%run_scoped3A : memref<!tpu.dma_semaphore, #tpu.memory_space<semaphore_mem>>)
      %dma_wait3A = arith.constant 80 : i32
      %dma_wait3A_84 = arith.constant 0 : i32
      %dma_wait3A_85 = tpu.memref_slice %arg10[%dma_wait3A, %dma_wait3A_84] : memref<320x128xi32, #tpu.memory_space<vmem>> -> memref<80x128xi32, #tpu.memory_space<vmem>>
      %dma_wait3A_86 = arith.constant 0 : i32
      %dma_wait3A_87 = tpu.memref_slice %arg3[%mul3A_21, %dma_wait3A_86] : memref<2560x128xi32, #tpu.memory_space<hbm>> -> memref<80x128xi32, #tpu.memory_space<hbm>>
      %dma_wait3A_88 = arith.constant 80 : i32
      %dma_wait3A_89 = arith.constant 0 : i32
      %dma_wait3A_90 = tpu.memref_slice %arg10[%dma_wait3A_88, %dma_wait3A_89] : memref<320x128xi32, #tpu.memory_space<vmem>> -> memref<80x128xi32, #tpu.memory_space<vmem>>
      %dma_wait3A_91 = arith.constant 0 : i32
      %dma_wait3A_92 = tpu.memref_slice %arg3[%mul3A_21, %dma_wait3A_91] : memref<2560x128xi32, #tpu.memory_space<hbm>> -> memref<80x128xi32, #tpu.memory_space<hbm>>
      tpu.wait_dma2 semaphore(%run_scoped3A : memref<!tpu.dma_semaphore, #tpu.memory_space<semaphore_mem>>) src(%dma_wait3A_92 : memref<80x128xi32, #tpu.memory_space<hbm>>) dst(%dma_wait3A_90 : memref<80x128xi32, #tpu.memory_space<vmem>>)
      tpu.yield
    }) : () -> ()
    %mul3A_22 = arith.constant 80 : i32
    %mul3A_23 = arith.muli %add3A, %mul3A_22 : i32
    "tpu.region"() ({
      %run_scoped3A = tpu.sem_alloc : memref<!tpu.dma_semaphore, #tpu.memory_space<semaphore_mem>>
      %dma_start3A = arith.constant 160 : i32
      %dma_start3A_75 = arith.constant 0 : i32
      %dma_start3A_76 = tpu.memref_slice %arg10[%dma_start3A, %dma_start3A_75] : memref<320x128xi32, #tpu.memory_space<vmem>> -> memref<80x128xi32, #tpu.memory_space<vmem>>
      %dma_start3A_77 = arith.constant 0 : i32
      %dma_start3A_78 = tpu.memref_slice %arg4[%mul3A_23, %dma_start3A_77] : memref<2560x128xi32, #tpu.memory_space<hbm>> -> memref<80x128xi32, #tpu.memory_space<hbm>>
      %dma_start3A_79 = arith.constant 160 : i32
      %dma_start3A_80 = arith.constant 0 : i32
      %dma_start3A_81 = tpu.memref_slice %arg10[%dma_start3A_79, %dma_start3A_80] : memref<320x128xi32, #tpu.memory_space<vmem>> -> memref<80x128xi32, #tpu.memory_space<vmem>>
      %dma_start3A_82 = arith.constant 0 : i32
      %dma_start3A_83 = tpu.memref_slice %arg4[%mul3A_23, %dma_start3A_82] : memref<2560x128xi32, #tpu.memory_space<hbm>> -> memref<80x128xi32, #tpu.memory_space<hbm>>
      tpu.enqueue_dma source(%dma_start3A_83 : memref<80x128xi32, #tpu.memory_space<hbm>>) target(%dma_start3A_81 : memref<80x128xi32, #tpu.memory_space<vmem>>) target_semaphore(%run_scoped3A : memref<!tpu.dma_semaphore, #tpu.memory_space<semaphore_mem>>)
      %dma_wait3A = arith.constant 160 : i32
      %dma_wait3A_84 = arith.constant 0 : i32
      %dma_wait3A_85 = tpu.memref_slice %arg10[%dma_wait3A, %dma_wait3A_84] : memref<320x128xi32, #tpu.memory_space<vmem>> -> memref<80x128xi32, #tpu.memory_space<vmem>>
      %dma_wait3A_86 = arith.constant 0 : i32
      %dma_wait3A_87 = tpu.memref_slice %arg4[%mul3A_23, %dma_wait3A_86] : memref<2560x128xi32, #tpu.memory_space<hbm>> -> memref<80x128xi32, #tpu.memory_space<hbm>>
      %dma_wait3A_88 = arith.constant 160 : i32
      %dma_wait3A_89 = arith.constant 0 : i32
      %dma_wait3A_90 = tpu.memref_slice %arg10[%dma_wait3A_88, %dma_wait3A_89] : memref<320x128xi32, #tpu.memory_space<vmem>> -> memref<80x128xi32, #tpu.memory_space<vmem>>
      %dma_wait3A_91 = arith.constant 0 : i32
      %dma_wait3A_92 = tpu.memref_slice %arg4[%mul3A_23, %dma_wait3A_91] : memref<2560x128xi32, #tpu.memory_space<hbm>> -> memref<80x128xi32, #tpu.memory_space<hbm>>
      tpu.wait_dma2 semaphore(%run_scoped3A : memref<!tpu.dma_semaphore, #tpu.memory_space<semaphore_mem>>) src(%dma_wait3A_92 : memref<80x128xi32, #tpu.memory_space<hbm>>) dst(%dma_wait3A_90 : memref<80x128xi32, #tpu.memory_space<vmem>>)
      tpu.yield
    }) : () -> ()
    %mul3A_24 = arith.constant 80 : i32
    %mul3A_25 = arith.muli %add3A, %mul3A_24 : i32
    "tpu.region"() ({
      %run_scoped3A = tpu.sem_alloc : memref<!tpu.dma_semaphore, #tpu.memory_space<semaphore_mem>>
      %dma_start3A = arith.constant 240 : i32
      %dma_start3A_75 = arith.constant 0 : i32
      %dma_start3A_76 = tpu.memref_slice %arg10[%dma_start3A, %dma_start3A_75] : memref<320x128xi32, #tpu.memory_space<vmem>> -> memref<80x128xi32, #tpu.memory_space<vmem>>
      %dma_start3A_77 = arith.constant 0 : i32
      %dma_start3A_78 = tpu.memref_slice %arg5[%mul3A_25, %dma_start3A_77] : memref<2560x128xi32, #tpu.memory_space<hbm>> -> memref<80x128xi32, #tpu.memory_space<hbm>>
      %dma_start3A_79 = arith.constant 240 : i32
      %dma_start3A_80 = arith.constant 0 : i32
      %dma_start3A_81 = tpu.memref_slice %arg10[%dma_start3A_79, %dma_start3A_80] : memref<320x128xi32, #tpu.memory_space<vmem>> -> memref<80x128xi32, #tpu.memory_space<vmem>>
      %dma_start3A_82 = arith.constant 0 : i32
      %dma_start3A_83 = tpu.memref_slice %arg5[%mul3A_25, %dma_start3A_82] : memref<2560x128xi32, #tpu.memory_space<hbm>> -> memref<80x128xi32, #tpu.memory_space<hbm>>
      tpu.enqueue_dma source(%dma_start3A_83 : memref<80x128xi32, #tpu.memory_space<hbm>>) target(%dma_start3A_81 : memref<80x128xi32, #tpu.memory_space<vmem>>) target_semaphore(%run_scoped3A : memref<!tpu.dma_semaphore, #tpu.memory_space<semaphore_mem>>)
      %dma_wait3A = arith.constant 240 : i32
      %dma_wait3A_84 = arith.constant 0 : i32
      %dma_wait3A_85 = tpu.memref_slice %arg10[%dma_wait3A, %dma_wait3A_84] : memref<320x128xi32, #tpu.memory_space<vmem>> -> memref<80x128xi32, #tpu.memory_space<vmem>>
      %dma_wait3A_86 = arith.constant 0 : i32
      %dma_wait3A_87 = tpu.memref_slice %arg5[%mul3A_25, %dma_wait3A_86] : memref<2560x128xi32, #tpu.memory_space<hbm>> -> memref<80x128xi32, #tpu.memory_space<hbm>>
      %dma_wait3A_88 = arith.constant 240 : i32
      %dma_wait3A_89 = arith.constant 0 : i32
      %dma_wait3A_90 = tpu.memref_slice %arg10[%dma_wait3A_88, %dma_wait3A_89] : memref<320x128xi32, #tpu.memory_space<vmem>> -> memref<80x128xi32, #tpu.memory_space<vmem>>
      %dma_wait3A_91 = arith.constant 0 : i32
      %dma_wait3A_92 = tpu.memref_slice %arg5[%mul3A_25, %dma_wait3A_91] : memref<2560x128xi32, #tpu.memory_space<hbm>> -> memref<80x128xi32, #tpu.memory_space<hbm>>
      tpu.wait_dma2 semaphore(%run_scoped3A : memref<!tpu.dma_semaphore, #tpu.memory_space<semaphore_mem>>) src(%dma_wait3A_92 : memref<80x128xi32, #tpu.memory_space<hbm>>) dst(%dma_wait3A_90 : memref<80x128xi32, #tpu.memory_space<vmem>>)
      tpu.yield
    }) : () -> ()
    %barrier3A = arith.constant 0 : index
    tpu.barrier barrier_id(%barrier3A)
    %scan3A_26 = arith.constant 0 : i32
    %scan3A_27 = arith.constant 80 : i32
    %scan3A_28 = arith.addi %scan3A_26, %scan3A_27 : i32
    %scan3A_29 = arith.constant 1 : i32
    scf.for %scan3A_75 = %scan3A_26 to %scan3A_28 step %scan3A_29  : i32 {
      %mul3A_76 = arith.constant 1 : i32
      %mul3A_77 = arith.muli %scan3A_75, %mul3A_76 : i32
      %add3A_78 = arith.constant 0 : i32
      %add3A_79 = arith.addi %add3A_78, %mul3A_77 : i32
      %add3A_80 = arith.constant 0 : i32
      %add3A_81 = arith.addi %add3A_80, %add3A_79 : i32
      "tpu.region"() ({
        %run_scoped3A = tpu.sem_alloc : memref<!tpu.dma_semaphore, #tpu.memory_space<semaphore_mem>>
        %dma_start3A = arith.constant 0 : i32
        %dma_start3A_82 = tpu.memref_slice %arg10[%add3A_81, %dma_start3A] : memref<320x128xi32, #tpu.memory_space<vmem>> -> memref<1x128xi32, #tpu.memory_space<vmem>>
        %dma_start3A_83 = tpu.memref_squeeze %dma_start3A_82 : memref<1x128xi32, #tpu.memory_space<vmem>> -> memref<128xi32, #tpu.memory_space<vmem>>
        %dma_start3A_84 = arith.constant 0 : i32
        %dma_start3A_85 = tpu.memref_slice %arg13[%dma_start3A_84] : memref<10240xf32, #tpu.memory_space<vmem_shared>> -> memref<10240xf32, #tpu.memory_space<vmem_shared>>
        tpu.enqueue_indirect_dma source(%arg11 : memref<128xf32, #tpu.memory_space<vmem>>) target(%dma_start3A_85 : memref<10240xf32, #tpu.memory_space<vmem_shared>>) offsets(%dma_start3A_83 : memref<128xi32, #tpu.memory_space<vmem>>) semaphore(%run_scoped3A : memref<!tpu.dma_semaphore, #tpu.memory_space<semaphore_mem>>) {add = true}
        %dma_wait3A = arith.constant 0 : i32
        %dma_wait3A_86 = tpu.memref_slice %arg10[%add3A_81, %dma_wait3A] : memref<320x128xi32, #tpu.memory_space<vmem>> -> memref<1x128xi32, #tpu.memory_space<vmem>>
        %dma_wait3A_87 = tpu.memref_squeeze %dma_wait3A_86 : memref<1x128xi32, #tpu.memory_space<vmem>> -> memref<128xi32, #tpu.memory_space<vmem>>
        %dma_wait3A_88 = arith.constant 0 : i32
        %dma_wait3A_89 = tpu.memref_slice %arg13[%dma_wait3A_88] : memref<10240xf32, #tpu.memory_space<vmem_shared>> -> memref<10240xf32, #tpu.memory_space<vmem_shared>>
        tpu.wait_indirect_dma semaphore(%run_scoped3A : memref<!tpu.dma_semaphore, #tpu.memory_space<semaphore_mem>>) src(%arg11 : memref<128xf32, #tpu.memory_space<vmem>>) dst(%dma_wait3A_89 : memref<10240xf32, #tpu.memory_space<vmem_shared>>)
        tpu.yield
      }) : () -> ()
    }
    %scan3A_30 = arith.constant 80 : i32
    %scan3A_31 = arith.constant 0 : i32
    %scan3A_32 = arith.constant 80 : i32
    %scan3A_33 = arith.addi %scan3A_31, %scan3A_32 : i32
    %scan3A_34 = arith.constant 1 : i32
    scf.for %scan3A_75 = %scan3A_31 to %scan3A_33 step %scan3A_34  : i32 {
      %mul3A_76 = arith.constant 1 : i32
      %mul3A_77 = arith.muli %scan3A_75, %mul3A_76 : i32
      %add3A_78 = arith.constant 0 : i32
      %add3A_79 = arith.addi %add3A_78, %mul3A_77 : i32
      %add3A_80 = arith.constant 80 : i32
      %add3A_81 = arith.addi %add3A_80, %add3A_79 : i32
      "tpu.region"() ({
        %run_scoped3A = tpu.sem_alloc : memref<!tpu.dma_semaphore, #tpu.memory_space<semaphore_mem>>
        %dma_start3A = arith.constant 0 : i32
        %dma_start3A_82 = tpu.memref_slice %arg10[%add3A_81, %dma_start3A] : memref<320x128xi32, #tpu.memory_space<vmem>> -> memref<1x128xi32, #tpu.memory_space<vmem>>
        %dma_start3A_83 = tpu.memref_squeeze %dma_start3A_82 : memref<1x128xi32, #tpu.memory_space<vmem>> -> memref<128xi32, #tpu.memory_space<vmem>>
        %dma_start3A_84 = arith.constant 0 : i32
        %dma_start3A_85 = tpu.memref_slice %arg14[%dma_start3A_84] : memref<10240xf32, #tpu.memory_space<vmem_shared>> -> memref<10240xf32, #tpu.memory_space<vmem_shared>>
        tpu.enqueue_indirect_dma source(%arg11 : memref<128xf32, #tpu.memory_space<vmem>>) target(%dma_start3A_85 : memref<10240xf32, #tpu.memory_space<vmem_shared>>) offsets(%dma_start3A_83 : memref<128xi32, #tpu.memory_space<vmem>>) semaphore(%run_scoped3A : memref<!tpu.dma_semaphore, #tpu.memory_space<semaphore_mem>>) {add = true}
        %dma_wait3A = arith.constant 0 : i32
        %dma_wait3A_86 = tpu.memref_slice %arg10[%add3A_81, %dma_wait3A] : memref<320x128xi32, #tpu.memory_space<vmem>> -> memref<1x128xi32, #tpu.memory_space<vmem>>
        %dma_wait3A_87 = tpu.memref_squeeze %dma_wait3A_86 : memref<1x128xi32, #tpu.memory_space<vmem>> -> memref<128xi32, #tpu.memory_space<vmem>>
        %dma_wait3A_88 = arith.constant 0 : i32
        %dma_wait3A_89 = tpu.memref_slice %arg14[%dma_wait3A_88] : memref<10240xf32, #tpu.memory_space<vmem_shared>> -> memref<10240xf32, #tpu.memory_space<vmem_shared>>
        tpu.wait_indirect_dma semaphore(%run_scoped3A : memref<!tpu.dma_semaphore, #tpu.memory_space<semaphore_mem>>) src(%arg11 : memref<128xf32, #tpu.memory_space<vmem>>) dst(%dma_wait3A_89 : memref<10240xf32, #tpu.memory_space<vmem_shared>>)
        tpu.yield
      }) : () -> ()
    }
    %scan3A_35 = arith.constant 80 : i32
    %scan3A_36 = arith.constant 0 : i32
    %scan3A_37 = arith.constant 80 : i32
    %scan3A_38 = arith.addi %scan3A_36, %scan3A_37 : i32
    %scan3A_39 = arith.constant 1 : i32
    scf.for %scan3A_75 = %scan3A_36 to %scan3A_38 step %scan3A_39  : i32 {
      %mul3A_76 = arith.constant 1 : i32
      %mul3A_77 = arith.muli %scan3A_75, %mul3A_76 : i32
      %add3A_78 = arith.constant 0 : i32
      %add3A_79 = arith.addi %add3A_78, %mul3A_77 : i32
      %add3A_80 = arith.constant 160 : i32
      %add3A_81 = arith.addi %add3A_80, %add3A_79 : i32
      "tpu.region"() ({
        %run_scoped3A = tpu.sem_alloc : memref<!tpu.dma_semaphore, #tpu.memory_space<semaphore_mem>>
        %dma_start3A = arith.constant 0 : i32
        %dma_start3A_82 = tpu.memref_slice %arg10[%add3A_81, %dma_start3A] : memref<320x128xi32, #tpu.memory_space<vmem>> -> memref<1x128xi32, #tpu.memory_space<vmem>>
        %dma_start3A_83 = tpu.memref_squeeze %dma_start3A_82 : memref<1x128xi32, #tpu.memory_space<vmem>> -> memref<128xi32, #tpu.memory_space<vmem>>
        %dma_start3A_84 = arith.constant 0 : i32
        %dma_start3A_85 = tpu.memref_slice %arg15[%dma_start3A_84] : memref<10240xf32, #tpu.memory_space<vmem_shared>> -> memref<10240xf32, #tpu.memory_space<vmem_shared>>
        tpu.enqueue_indirect_dma source(%arg11 : memref<128xf32, #tpu.memory_space<vmem>>) target(%dma_start3A_85 : memref<10240xf32, #tpu.memory_space<vmem_shared>>) offsets(%dma_start3A_83 : memref<128xi32, #tpu.memory_space<vmem>>) semaphore(%run_scoped3A : memref<!tpu.dma_semaphore, #tpu.memory_space<semaphore_mem>>) {add = true}
        %dma_wait3A = arith.constant 0 : i32
        %dma_wait3A_86 = tpu.memref_slice %arg10[%add3A_81, %dma_wait3A] : memref<320x128xi32, #tpu.memory_space<vmem>> -> memref<1x128xi32, #tpu.memory_space<vmem>>
        %dma_wait3A_87 = tpu.memref_squeeze %dma_wait3A_86 : memref<1x128xi32, #tpu.memory_space<vmem>> -> memref<128xi32, #tpu.memory_space<vmem>>
        %dma_wait3A_88 = arith.constant 0 : i32
        %dma_wait3A_89 = tpu.memref_slice %arg15[%dma_wait3A_88] : memref<10240xf32, #tpu.memory_space<vmem_shared>> -> memref<10240xf32, #tpu.memory_space<vmem_shared>>
        tpu.wait_indirect_dma semaphore(%run_scoped3A : memref<!tpu.dma_semaphore, #tpu.memory_space<semaphore_mem>>) src(%arg11 : memref<128xf32, #tpu.memory_space<vmem>>) dst(%dma_wait3A_89 : memref<10240xf32, #tpu.memory_space<vmem_shared>>)
        tpu.yield
      }) : () -> ()
    }
    %scan3A_40 = arith.constant 80 : i32
    %scan3A_41 = arith.constant 0 : i32
    %scan3A_42 = arith.constant 80 : i32
    %scan3A_43 = arith.addi %scan3A_41, %scan3A_42 : i32
    %scan3A_44 = arith.constant 1 : i32
    scf.for %scan3A_75 = %scan3A_41 to %scan3A_43 step %scan3A_44  : i32 {
      %mul3A_76 = arith.constant 1 : i32
      %mul3A_77 = arith.muli %scan3A_75, %mul3A_76 : i32
      %add3A_78 = arith.constant 0 : i32
      %add3A_79 = arith.addi %add3A_78, %mul3A_77 : i32
      %add3A_80 = arith.constant 240 : i32
      %add3A_81 = arith.addi %add3A_80, %add3A_79 : i32
      "tpu.region"() ({
        %run_scoped3A = tpu.sem_alloc : memref<!tpu.dma_semaphore, #tpu.memory_space<semaphore_mem>>
        %dma_start3A = arith.constant 0 : i32
        %dma_start3A_82 = tpu.memref_slice %arg10[%add3A_81, %dma_start3A] : memref<320x128xi32, #tpu.memory_space<vmem>> -> memref<1x128xi32, #tpu.memory_space<vmem>>
        %dma_start3A_83 = tpu.memref_squeeze %dma_start3A_82 : memref<1x128xi32, #tpu.memory_space<vmem>> -> memref<128xi32, #tpu.memory_space<vmem>>
        %dma_start3A_84 = arith.constant 0 : i32
        %dma_start3A_85 = tpu.memref_slice %arg16[%dma_start3A_84] : memref<10240xf32, #tpu.memory_space<vmem_shared>> -> memref<10240xf32, #tpu.memory_space<vmem_shared>>
        tpu.enqueue_indirect_dma source(%arg11 : memref<128xf32, #tpu.memory_space<vmem>>) target(%dma_start3A_85 : memref<10240xf32, #tpu.memory_space<vmem_shared>>) offsets(%dma_start3A_83 : memref<128xi32, #tpu.memory_space<vmem>>) semaphore(%run_scoped3A : memref<!tpu.dma_semaphore, #tpu.memory_space<semaphore_mem>>) {add = true}
        %dma_wait3A = arith.constant 0 : i32
        %dma_wait3A_86 = tpu.memref_slice %arg10[%add3A_81, %dma_wait3A] : memref<320x128xi32, #tpu.memory_space<vmem>> -> memref<1x128xi32, #tpu.memory_space<vmem>>
        %dma_wait3A_87 = tpu.memref_squeeze %dma_wait3A_86 : memref<1x128xi32, #tpu.memory_space<vmem>> -> memref<128xi32, #tpu.memory_space<vmem>>
        %dma_wait3A_88 = arith.constant 0 : i32
        %dma_wait3A_89 = tpu.memref_slice %arg16[%dma_wait3A_88] : memref<10240xf32, #tpu.memory_space<vmem_shared>> -> memref<10240xf32, #tpu.memory_space<vmem_shared>>
        tpu.wait_indirect_dma semaphore(%run_scoped3A : memref<!tpu.dma_semaphore, #tpu.memory_space<semaphore_mem>>) src(%arg11 : memref<128xf32, #tpu.memory_space<vmem>>) dst(%dma_wait3A_89 : memref<10240xf32, #tpu.memory_space<vmem_shared>>)
        tpu.yield
      }) : () -> ()
    }
    %scan3A_45 = arith.constant 80 : i32
    %barrier3A_46 = arith.constant 0 : index
    tpu.barrier barrier_id(%barrier3A_46)
    %mul3A_47 = arith.constant 640 : i32
    %mul3A_48 = arith.muli %arg1, %mul3A_47 : i32
    %mul3A_49 = arith.constant 10240 : i32
    %mul3A_50 = arith.muli %arg0, %mul3A_49 : i32
    %mul3A_51 = arith.constant 640 : i32
    %mul3A_52 = arith.muli %arg1, %mul3A_51 : i32
    %add3A_53 = arith.addi %mul3A_50, %mul3A_52 : i32
    "tpu.region"() ({
      %run_scoped3A = tpu.sem_alloc : memref<!tpu.dma_semaphore, #tpu.memory_space<semaphore_mem>>
      %dma_start3A = tpu.memref_slice %arg6[%add3A_53] : memref<20480xf32, #tpu.memory_space<hbm>> -> memref<640xf32, #tpu.memory_space<hbm>>
      %dma_start3A_75 = tpu.memref_slice %arg13[%mul3A_48] : memref<10240xf32, #tpu.memory_space<vmem_shared>> -> memref<640xf32, #tpu.memory_space<vmem_shared>>
      tpu.enqueue_dma source(%dma_start3A_75 : memref<640xf32, #tpu.memory_space<vmem_shared>>) target(%dma_start3A : memref<640xf32, #tpu.memory_space<hbm>>) target_semaphore(%run_scoped3A : memref<!tpu.dma_semaphore, #tpu.memory_space<semaphore_mem>>)
      %dma_wait3A = tpu.memref_slice %arg6[%add3A_53] : memref<20480xf32, #tpu.memory_space<hbm>> -> memref<640xf32, #tpu.memory_space<hbm>>
      %dma_wait3A_76 = tpu.memref_slice %arg13[%mul3A_48] : memref<10240xf32, #tpu.memory_space<vmem_shared>> -> memref<640xf32, #tpu.memory_space<vmem_shared>>
      tpu.wait_dma2 semaphore(%run_scoped3A : memref<!tpu.dma_semaphore, #tpu.memory_space<semaphore_mem>>) src(%dma_wait3A_76 : memref<640xf32, #tpu.memory_space<vmem_shared>>) dst(%dma_wait3A : memref<640xf32, #tpu.memory_space<hbm>>)
      tpu.yield
    }) : () -> ()
    %mul3A_54 = arith.constant 640 : i32
    %mul3A_55 = arith.muli %arg1, %mul3A_54 : i32
    %mul3A_56 = arith.constant 10240 : i32
    %mul3A_57 = arith.muli %arg0, %mul3A_56 : i32
    %mul3A_58 = arith.constant 640 : i32
    %mul3A_59 = arith.muli %arg1, %mul3A_58 : i32
    %add3A_60 = arith.addi %mul3A_57, %mul3A_59 : i32
    "tpu.region"() ({
      %run_scoped3A = tpu.sem_alloc : memref<!tpu.dma_semaphore, #tpu.memory_space<semaphore_mem>>
      %dma_start3A = tpu.memref_slice %arg7[%add3A_60] : memref<20480xf32, #tpu.memory_space<hbm>> -> memref<640xf32, #tpu.memory_space<hbm>>
      %dma_start3A_75 = tpu.memref_slice %arg14[%mul3A_55] : memref<10240xf32, #tpu.memory_space<vmem_shared>> -> memref<640xf32, #tpu.memory_space<vmem_shared>>
      tpu.enqueue_dma source(%dma_start3A_75 : memref<640xf32, #tpu.memory_space<vmem_shared>>) target(%dma_start3A : memref<640xf32, #tpu.memory_space<hbm>>) target_semaphore(%run_scoped3A : memref<!tpu.dma_semaphore, #tpu.memory_space<semaphore_mem>>)
      %dma_wait3A = tpu.memref_slice %arg7[%add3A_60] : memref<20480xf32, #tpu.memory_space<hbm>> -> memref<640xf32, #tpu.memory_space<hbm>>
      %dma_wait3A_76 = tpu.memref_slice %arg14[%mul3A_55] : memref<10240xf32, #tpu.memory_space<vmem_shared>> -> memref<640xf32, #tpu.memory_space<vmem_shared>>
      tpu.wait_dma2 semaphore(%run_scoped3A : memref<!tpu.dma_semaphore, #tpu.memory_space<semaphore_mem>>) src(%dma_wait3A_76 : memref<640xf32, #tpu.memory_space<vmem_shared>>) dst(%dma_wait3A : memref<640xf32, #tpu.memory_space<hbm>>)
      tpu.yield
    }) : () -> ()
    %mul3A_61 = arith.constant 640 : i32
    %mul3A_62 = arith.muli %arg1, %mul3A_61 : i32
    %mul3A_63 = arith.constant 10240 : i32
    %mul3A_64 = arith.muli %arg0, %mul3A_63 : i32
    %mul3A_65 = arith.constant 640 : i32
    %mul3A_66 = arith.muli %arg1, %mul3A_65 : i32
    %add3A_67 = arith.addi %mul3A_64, %mul3A_66 : i32
    "tpu.region"() ({
      %run_scoped3A = tpu.sem_alloc : memref<!tpu.dma_semaphore, #tpu.memory_space<semaphore_mem>>
      %dma_start3A = tpu.memref_slice %arg8[%add3A_67] : memref<20480xf32, #tpu.memory_space<hbm>> -> memref<640xf32, #tpu.memory_space<hbm>>
      %dma_start3A_75 = tpu.memref_slice %arg15[%mul3A_62] : memref<10240xf32, #tpu.memory_space<vmem_shared>> -> memref<640xf32, #tpu.memory_space<vmem_shared>>
      tpu.enqueue_dma source(%dma_start3A_75 : memref<640xf32, #tpu.memory_space<vmem_shared>>) target(%dma_start3A : memref<640xf32, #tpu.memory_space<hbm>>) target_semaphore(%run_scoped3A : memref<!tpu.dma_semaphore, #tpu.memory_space<semaphore_mem>>)
      %dma_wait3A = tpu.memref_slice %arg8[%add3A_67] : memref<20480xf32, #tpu.memory_space<hbm>> -> memref<640xf32, #tpu.memory_space<hbm>>
      %dma_wait3A_76 = tpu.memref_slice %arg15[%mul3A_62] : memref<10240xf32, #tpu.memory_space<vmem_shared>> -> memref<640xf32, #tpu.memory_space<vmem_shared>>
      tpu.wait_dma2 semaphore(%run_scoped3A : memref<!tpu.dma_semaphore, #tpu.memory_space<semaphore_mem>>) src(%dma_wait3A_76 : memref<640xf32, #tpu.memory_space<vmem_shared>>) dst(%dma_wait3A : memref<640xf32, #tpu.memory_space<hbm>>)
      tpu.yield
    }) : () -> ()
    %mul3A_68 = arith.constant 640 : i32
    %mul3A_69 = arith.muli %arg1, %mul3A_68 : i32
    %mul3A_70 = arith.constant 10240 : i32
    %mul3A_71 = arith.muli %arg0, %mul3A_70 : i32
    %mul3A_72 = arith.constant 640 : i32
    %mul3A_73 = arith.muli %arg1, %mul3A_72 : i32
    %add3A_74 = arith.addi %mul3A_71, %mul3A_73 : i32
    "tpu.region"() ({
      %run_scoped3A = tpu.sem_alloc : memref<!tpu.dma_semaphore, #tpu.memory_space<semaphore_mem>>
      %dma_start3A = tpu.memref_slice %arg9[%add3A_74] : memref<20480xf32, #tpu.memory_space<hbm>> -> memref<640xf32, #tpu.memory_space<hbm>>
      %dma_start3A_75 = tpu.memref_slice %arg16[%mul3A_69] : memref<10240xf32, #tpu.memory_space<vmem_shared>> -> memref<640xf32, #tpu.memory_space<vmem_shared>>
      tpu.enqueue_dma source(%dma_start3A_75 : memref<640xf32, #tpu.memory_space<vmem_shared>>) target(%dma_start3A : memref<640xf32, #tpu.memory_space<hbm>>) target_semaphore(%run_scoped3A : memref<!tpu.dma_semaphore, #tpu.memory_space<semaphore_mem>>)
      %dma_wait3A = tpu.memref_slice %arg9[%add3A_74] : memref<20480xf32, #tpu.memory_space<hbm>> -> memref<640xf32, #tpu.memory_space<hbm>>
      %dma_wait3A_76 = tpu.memref_slice %arg16[%mul3A_69] : memref<10240xf32, #tpu.memory_space<vmem_shared>> -> memref<640xf32, #tpu.memory_space<vmem_shared>>
      tpu.wait_dma2 semaphore(%run_scoped3A : memref<!tpu.dma_semaphore, #tpu.memory_space<semaphore_mem>>) src(%dma_wait3A_76 : memref<640xf32, #tpu.memory_space<vmem_shared>>) dst(%dma_wait3A : memref<640xf32, #tpu.memory_space<hbm>>)
      tpu.yield
    }) : () -> ()
    return
  }
}

#map = affine_map<(d0, d1) -> (0, 0)>
#map1 = affine_map<(d0, d1) -> (0, 0, 0)>
module attributes {stable_mosaic.version = 14 : i64} {
  func.func @agg_kernel(%arg0: i32, %arg1: i32, %arg2: memref<10240x128xf32, #tpu.memory_space<hbm>>, %arg3: memref<1280x128xi32, #tpu.memory_space<hbm>>, %arg4: memref<1280x128xi32, #tpu.memory_space<hbm>>, %arg5: memref<2x10240x128xf32, #tpu.memory_space<hbm>>, %arg6: memref<40x128xi32, #tpu.memory_space<vmem>>, %arg7: memref<40x128xi32, #tpu.memory_space<vmem>>, %arg8: memref<256x128xf32, #tpu.memory_space<vmem>>, %arg9: memref<10240x128xf32, #tpu.memory_space<vmem_shared>>, %arg10: memref<!tpu.dma_semaphore, #tpu.memory_space<semaphore_mem>>) attributes {dimension_semantics = [#tpu.dimension_semantics<core_parallel>, #tpu.dimension_semantics<subcore_parallel>], iteration_bounds = array<i64: 2, 16>, scalar_prefetch = 0 : i64, scratch_operands = 5 : i64, tpu.core_type = #tpu.core_type<sc_vector_subcore>, window_params = [{transform_indices = #map}, {transform_indices = #map}, {transform_indices = #map}, {transform_indices = #map1}]} {
    %mul3A = arith.constant 2 : i32
    %mul3A_0 = arith.muli %arg1, %mul3A : i32
    %add3A = arith.addi %mul3A_0, %arg0 : i32
    %mul3A_1 = arith.constant 40 : i32
    %mul3A_2 = arith.muli %add3A, %mul3A_1 : i32
    "tpu.region"() ({
      %run_scoped3A = tpu.sem_alloc : memref<!tpu.dma_semaphore, #tpu.memory_space<semaphore_mem>>
      %dma_start3A = arith.constant 0 : i32
      %dma_start3A_24 = tpu.memref_slice %arg3[%mul3A_2, %dma_start3A] : memref<1280x128xi32, #tpu.memory_space<hbm>> -> memref<40x128xi32, #tpu.memory_space<hbm>>
      %dma_start3A_25 = arith.constant 0 : i32
      %dma_start3A_26 = tpu.memref_slice %arg3[%mul3A_2, %dma_start3A_25] : memref<1280x128xi32, #tpu.memory_space<hbm>> -> memref<40x128xi32, #tpu.memory_space<hbm>>
      tpu.enqueue_dma source(%dma_start3A_26 : memref<40x128xi32, #tpu.memory_space<hbm>>) target(%arg6 : memref<40x128xi32, #tpu.memory_space<vmem>>) target_semaphore(%run_scoped3A : memref<!tpu.dma_semaphore, #tpu.memory_space<semaphore_mem>>)
      %dma_wait3A = arith.constant 0 : i32
      %dma_wait3A_27 = tpu.memref_slice %arg3[%mul3A_2, %dma_wait3A] : memref<1280x128xi32, #tpu.memory_space<hbm>> -> memref<40x128xi32, #tpu.memory_space<hbm>>
      %dma_wait3A_28 = arith.constant 0 : i32
      %dma_wait3A_29 = tpu.memref_slice %arg3[%mul3A_2, %dma_wait3A_28] : memref<1280x128xi32, #tpu.memory_space<hbm>> -> memref<40x128xi32, #tpu.memory_space<hbm>>
      tpu.wait_dma2 semaphore(%run_scoped3A : memref<!tpu.dma_semaphore, #tpu.memory_space<semaphore_mem>>) src(%dma_wait3A_29 : memref<40x128xi32, #tpu.memory_space<hbm>>) dst(%arg6 : memref<40x128xi32, #tpu.memory_space<vmem>>)
      tpu.yield
    }) : () -> ()
    %mul3A_3 = arith.constant 40 : i32
    %mul3A_4 = arith.muli %add3A, %mul3A_3 : i32
    "tpu.region"() ({
      %run_scoped3A = tpu.sem_alloc : memref<!tpu.dma_semaphore, #tpu.memory_space<semaphore_mem>>
      %dma_start3A = arith.constant 0 : i32
      %dma_start3A_24 = tpu.memref_slice %arg4[%mul3A_4, %dma_start3A] : memref<1280x128xi32, #tpu.memory_space<hbm>> -> memref<40x128xi32, #tpu.memory_space<hbm>>
      %dma_start3A_25 = arith.constant 0 : i32
      %dma_start3A_26 = tpu.memref_slice %arg4[%mul3A_4, %dma_start3A_25] : memref<1280x128xi32, #tpu.memory_space<hbm>> -> memref<40x128xi32, #tpu.memory_space<hbm>>
      tpu.enqueue_dma source(%dma_start3A_26 : memref<40x128xi32, #tpu.memory_space<hbm>>) target(%arg7 : memref<40x128xi32, #tpu.memory_space<vmem>>) target_semaphore(%run_scoped3A : memref<!tpu.dma_semaphore, #tpu.memory_space<semaphore_mem>>)
      %dma_wait3A = arith.constant 0 : i32
      %dma_wait3A_27 = tpu.memref_slice %arg4[%mul3A_4, %dma_wait3A] : memref<1280x128xi32, #tpu.memory_space<hbm>> -> memref<40x128xi32, #tpu.memory_space<hbm>>
      %dma_wait3A_28 = arith.constant 0 : i32
      %dma_wait3A_29 = tpu.memref_slice %arg4[%mul3A_4, %dma_wait3A_28] : memref<1280x128xi32, #tpu.memory_space<hbm>> -> memref<40x128xi32, #tpu.memory_space<hbm>>
      tpu.wait_dma2 semaphore(%run_scoped3A : memref<!tpu.dma_semaphore, #tpu.memory_space<semaphore_mem>>) src(%dma_wait3A_29 : memref<40x128xi32, #tpu.memory_space<hbm>>) dst(%arg7 : memref<40x128xi32, #tpu.memory_space<vmem>>)
      tpu.yield
    }) : () -> ()
    %scan3A = arith.constant 0 : i32
    %scan3A_5 = arith.constant 128 : i32
    %scan3A_6 = arith.addi %scan3A, %scan3A_5 : i32
    %scan3A_7 = arith.constant 1 : i32
    scf.for %scan3A_24 = %scan3A to %scan3A_6 step %scan3A_7  : i32 {
      %mul3A_25 = arith.constant 1 : i32
      %mul3A_26 = arith.muli %scan3A_24, %mul3A_25 : i32
      %add3A_27 = arith.constant 0 : i32
      %add3A_28 = arith.addi %add3A_27, %mul3A_26 : i32
      %scan3A_29 = arith.constant 0 : i32
      %scan3A_30 = arith.constant 8 : i32
      %scan3A_31 = arith.addi %scan3A_29, %scan3A_30 : i32
      %scan3A_32 = arith.constant 1 : i32
      scf.for %scan3A_34 = %scan3A_29 to %scan3A_31 step %scan3A_32  : i32 {
        %mul3A_35 = arith.constant 1 : i32
        %mul3A_36 = arith.muli %scan3A_34, %mul3A_35 : i32
        %add3A_37 = arith.constant 0 : i32
        %add3A_38 = arith.addi %add3A_37, %mul3A_36 : i32
        %broadcast_in_dim3A = arith.constant 0.000000e+00 : f32
        %broadcast_in_dim3A_39 = vector.broadcast %broadcast_in_dim3A : f32 to vector<1x16xf32>
        %mul3A_40 = arith.constant 16 : i32
        %mul3A_41 = arith.muli %add3A_38, %mul3A_40 : i32
        %swap3A = arith.index_cast %add3A_28 : i32 to index
        %swap3A_42 = arith.index_cast %mul3A_41 : i32 to index
        %swap3A_43 = tpu.vector_load %arg8[%swap3A, %swap3A_42] {strides = array<i32>} : memref<256x128xf32, #tpu.memory_space<vmem>>, vector<1x16xf32>,
        %swap3A_44 = vector.shape_cast %swap3A_43 : vector<1x16xf32> to vector<1x16xf32>
        %swap3A_45 = vector.shape_cast %broadcast_in_dim3A_39 : vector<1x16xf32> to vector<1x16xf32>
        tpu.vector_store %arg8[%swap3A, %swap3A_42], %swap3A_45 {strides = array<i32>} : memref<256x128xf32, #tpu.memory_space<vmem>>, vector<1x16xf32>,
      }
      %scan3A_33 = arith.constant 8 : i32
    }
    %scan3A_8 = arith.constant 128 : i32
    %scan3A_9 = arith.constant 0 : i32
    %scan3A_10 = arith.constant 5 : i32
    %scan3A_11 = arith.addi %scan3A_9, %scan3A_10 : i32
    %scan3A_12 = arith.constant 1 : i32
    scf.for %scan3A_24 = %scan3A_9 to %scan3A_11 step %scan3A_12  : i32 {
      %mul3A_25 = arith.constant 1 : i32
      %mul3A_26 = arith.muli %scan3A_24, %mul3A_25 : i32
      %add3A_27 = arith.constant 0 : i32
      %add3A_28 = arith.addi %add3A_27, %mul3A_26 : i32
      %mul3A_29 = arith.constant 640 : i32
      %mul3A_30 = arith.muli %arg1, %mul3A_29 : i32
      %mul3A_31 = arith.constant 128 : i32
      %mul3A_32 = arith.muli %add3A_28, %mul3A_31 : i32
      %add3A_33 = arith.addi %mul3A_30, %mul3A_32 : i32
      "tpu.region"() ({
        %run_scoped3A = tpu.sem_alloc : memref<!tpu.dma_semaphore, #tpu.memory_space<semaphore_mem>>
        %dma_start3A = arith.constant 0 : i32
        %dma_start3A_34 = arith.constant 0 : i32
        %dma_start3A_35 = tpu.memref_slice %arg8[%dma_start3A, %dma_start3A_34] : memref<256x128xf32, #tpu.memory_space<vmem>> -> memref<128x128xf32, #tpu.memory_space<vmem>>
        %dma_start3A_36 = arith.constant 0 : i32
        %dma_start3A_37 = tpu.memref_slice %arg9[%add3A_33, %dma_start3A_36] : memref<10240x128xf32, #tpu.memory_space<vmem_shared>> -> memref<128x128xf32, #tpu.memory_space<vmem_shared>>
        %dma_start3A_38 = arith.constant 0 : i32
        %dma_start3A_39 = tpu.memref_slice %arg9[%add3A_33, %dma_start3A_38] : memref<10240x128xf32, #tpu.memory_space<vmem_shared>> -> memref<128x128xf32, #tpu.memory_space<vmem_shared>>
        %dma_start3A_40 = arith.constant 0 : i32
        %dma_start3A_41 = arith.constant 0 : i32
        %dma_start3A_42 = tpu.memref_slice %arg8[%dma_start3A_40, %dma_start3A_41] : memref<256x128xf32, #tpu.memory_space<vmem>> -> memref<128x128xf32, #tpu.memory_space<vmem>>
        tpu.enqueue_dma source(%dma_start3A_42 : memref<128x128xf32, #tpu.memory_space<vmem>>) target(%dma_start3A_39 : memref<128x128xf32, #tpu.memory_space<vmem_shared>>) target_semaphore(%run_scoped3A : memref<!tpu.dma_semaphore, #tpu.memory_space<semaphore_mem>>)
        %dma_wait3A = arith.constant 0 : i32
        %dma_wait3A_43 = arith.constant 0 : i32
        %dma_wait3A_44 = tpu.memref_slice %arg8[%dma_wait3A, %dma_wait3A_43] : memref<256x128xf32, #tpu.memory_space<vmem>> -> memref<128x128xf32, #tpu.memory_space<vmem>>
        %dma_wait3A_45 = arith.constant 0 : i32
        %dma_wait3A_46 = tpu.memref_slice %arg9[%add3A_33, %dma_wait3A_45] : memref<10240x128xf32, #tpu.memory_space<vmem_shared>> -> memref<128x128xf32, #tpu.memory_space<vmem_shared>>
        %dma_wait3A_47 = arith.constant 0 : i32
        %dma_wait3A_48 = tpu.memref_slice %arg9[%add3A_33, %dma_wait3A_47] : memref<10240x128xf32, #tpu.memory_space<vmem_shared>> -> memref<128x128xf32, #tpu.memory_space<vmem_shared>>
        %dma_wait3A_49 = arith.constant 0 : i32
        %dma_wait3A_50 = arith.constant 0 : i32
        %dma_wait3A_51 = tpu.memref_slice %arg8[%dma_wait3A_49, %dma_wait3A_50] : memref<256x128xf32, #tpu.memory_space<vmem>> -> memref<128x128xf32, #tpu.memory_space<vmem>>
        tpu.wait_dma2 semaphore(%run_scoped3A : memref<!tpu.dma_semaphore, #tpu.memory_space<semaphore_mem>>) src(%dma_wait3A_51 : memref<128x128xf32, #tpu.memory_space<vmem>>) dst(%dma_wait3A_48 : memref<128x128xf32, #tpu.memory_space<vmem_shared>>)
        tpu.yield
      }) : () -> ()
    }
    %scan3A_13 = arith.constant 5 : i32
    %barrier3A = arith.constant 0 : index
    tpu.barrier barrier_id(%barrier3A)
    %scan3A_14 = arith.constant 0 : i32
    %scan3A_15 = arith.constant 41 : i32
    %scan3A_16 = arith.addi %scan3A_14, %scan3A_15 : i32
    %scan3A_17 = arith.constant 1 : i32
    scf.for %scan3A_24 = %scan3A_14 to %scan3A_16 step %scan3A_17  : i32 {
      %mul3A_25 = arith.constant 1 : i32
      %mul3A_26 = arith.muli %scan3A_24, %mul3A_25 : i32
      %add3A_27 = arith.constant 0 : i32
      %add3A_28 = arith.addi %add3A_27, %mul3A_26 : i32
      %lt3A = arith.constant 40 : i32
      %lt3A_29 = arith.cmpi slt, %add3A_28, %lt3A : i32
      %convert_element_type3A = arith.extui %lt3A_29 : i1 to i32
      %cond3A = arith.constant 0 : i32
      %cond3A_30 = arith.cmpi ne, %convert_element_type3A, %cond3A : i32
      scf.if %cond3A_30 {
        %jit3A = arith.constant 2 : i32
        %eq3A = arith.constant 0 : i32
        %eq3A_35 = arith.cmpi eq, %jit3A, %eq3A : i32
        %jit3A_36 = arith.constant 1 : i32
        %select_n3A = arith.select %eq3A_35, %jit3A_36, %jit3A : i32
        %rem3A = arith.remsi %add3A_28, %select_n3A : i32
        %ne3A = arith.constant 0 : i32
        %ne3A_37 = arith.cmpi ne, %rem3A, %ne3A : i32
        %lt3A_38 = arith.constant 0 : i32
        %lt3A_39 = arith.cmpi slt, %rem3A, %lt3A_38 : i32
        %lt3A_40 = arith.constant 0 : i32
        %lt3A_41 = arith.cmpi slt, %select_n3A, %lt3A_40 : i32
        %ne3A_42 = arith.xori %lt3A_39, %lt3A_41 : i1
        %and3A = arith.andi %ne3A_42, %ne3A_37 : i1
        %add3A_43 = arith.addi %rem3A, %select_n3A : i32
        %select_n3A_44 = arith.select %and3A, %add3A_43, %rem3A : i32
        %mul3A_45 = arith.constant 128 : i32
        %mul3A_46 = arith.muli %select_n3A_44, %mul3A_45 : i32
        %dma_start3A = arith.constant 0 : i32
        %dma_start3A_47 = tpu.memref_slice %arg8[%mul3A_46, %dma_start3A] : memref<256x128xf32, #tpu.memory_space<vmem>> -> memref<128x128xf32, #tpu.memory_space<vmem>>
        %dma_start3A_48 = arith.constant 0 : i32
        %dma_start3A_49 = tpu.memref_slice %arg6[%add3A_28, %dma_start3A_48] : memref<40x128xi32, #tpu.memory_space<vmem>> -> memref<1x128xi32, #tpu.memory_space<vmem>>
        %dma_start3A_50 = tpu.memref_squeeze %dma_start3A_49 : memref<1x128xi32, #tpu.memory_space<vmem>> -> memref<128xi32, #tpu.memory_space<vmem>>
        %dma_start3A_51 = arith.constant 0 : i32
        %dma_start3A_52 = arith.constant 0 : i32
        %dma_start3A_53 = tpu.memref_slice %arg2[%dma_start3A_51, %dma_start3A_52] : memref<10240x128xf32, #tpu.memory_space<hbm>> -> memref<10240x128xf32, #tpu.memory_space<hbm>>
        tpu.enqueue_indirect_dma source(%dma_start3A_53 : memref<10240x128xf32, #tpu.memory_space<hbm>>) target(%dma_start3A_47 : memref<128x128xf32, #tpu.memory_space<vmem>>) offsets(%dma_start3A_50 : memref<128xi32, #tpu.memory_space<vmem>>) semaphore(%arg10 : memref<!tpu.dma_semaphore, #tpu.memory_space<semaphore_mem>>)
      } else {
      }
      %ge3A = arith.constant 1 : i32
      %ge3A_31 = arith.cmpi sge, %add3A_28, %ge3A : i32
      %convert_element_type3A_32 = arith.extui %ge3A_31 : i1 to i32
      %cond3A_33 = arith.constant 0 : i32
      %cond3A_34 = arith.cmpi ne, %convert_element_type3A_32, %cond3A_33 : i32
      scf.if %cond3A_34 {
        %sub3A = arith.constant 1 : i32
        %sub3A_35 = arith.subi %add3A_28, %sub3A : i32
        %jit3A = arith.constant 2 : i32
        %eq3A = arith.constant 0 : i32
        %eq3A_36 = arith.cmpi eq, %jit3A, %eq3A : i32
        %jit3A_37 = arith.constant 1 : i32
        %select_n3A = arith.select %eq3A_36, %jit3A_37, %jit3A : i32
        %rem3A = arith.remsi %sub3A_35, %select_n3A : i32
        %ne3A = arith.constant 0 : i32
        %ne3A_38 = arith.cmpi ne, %rem3A, %ne3A : i32
        %lt3A_39 = arith.constant 0 : i32
        %lt3A_40 = arith.cmpi slt, %rem3A, %lt3A_39 : i32
        %lt3A_41 = arith.constant 0 : i32
        %lt3A_42 = arith.cmpi slt, %select_n3A, %lt3A_41 : i32
        %ne3A_43 = arith.xori %lt3A_40, %lt3A_42 : i1
        %and3A = arith.andi %ne3A_43, %ne3A_38 : i1
        %add3A_44 = arith.addi %rem3A, %select_n3A : i32
        %select_n3A_45 = arith.select %and3A, %add3A_44, %rem3A : i32
        %mul3A_46 = arith.constant 128 : i32
        %mul3A_47 = arith.muli %select_n3A_45, %mul3A_46 : i32
        %dma_wait3A = arith.constant 0 : i32
        %dma_wait3A_48 = arith.constant 0 : i32
        %dma_wait3A_49 = tpu.memref_slice %arg8[%mul3A_47, %dma_wait3A_48] : memref<256x128xf32, #tpu.memory_space<vmem>> -> memref<128x128xf32, #tpu.memory_space<vmem>>
        %dma_wait3A_50 = arith.constant 0 : i32
        %dma_wait3A_51 = tpu.memref_slice %arg6[%dma_wait3A, %dma_wait3A_50] : memref<40x128xi32, #tpu.memory_space<vmem>> -> memref<1x128xi32, #tpu.memory_space<vmem>>
        %dma_wait3A_52 = tpu.memref_squeeze %dma_wait3A_51 : memref<1x128xi32, #tpu.memory_space<vmem>> -> memref<128xi32, #tpu.memory_space<vmem>>
        %dma_wait3A_53 = arith.constant 0 : i32
        %dma_wait3A_54 = arith.constant 0 : i32
        %dma_wait3A_55 = tpu.memref_slice %arg2[%dma_wait3A_53, %dma_wait3A_54] : memref<10240x128xf32, #tpu.memory_space<hbm>> -> memref<10240x128xf32, #tpu.memory_space<hbm>>
        tpu.wait_indirect_dma semaphore(%arg10 : memref<!tpu.dma_semaphore, #tpu.memory_space<semaphore_mem>>) src(%dma_wait3A_55 : memref<10240x128xf32, #tpu.memory_space<hbm>>) dst(%dma_wait3A_49 : memref<128x128xf32, #tpu.memory_space<vmem>>)
        "tpu.region"() ({
          %run_scoped3A = tpu.sem_alloc : memref<!tpu.dma_semaphore, #tpu.memory_space<semaphore_mem>>
          %dma_start3A = arith.constant 0 : i32
          %dma_start3A_56 = tpu.memref_slice %arg8[%mul3A_47, %dma_start3A] : memref<256x128xf32, #tpu.memory_space<vmem>> -> memref<128x128xf32, #tpu.memory_space<vmem>>
          %dma_start3A_57 = arith.constant 0 : i32
          %dma_start3A_58 = tpu.memref_slice %arg7[%sub3A_35, %dma_start3A_57] : memref<40x128xi32, #tpu.memory_space<vmem>> -> memref<1x128xi32, #tpu.memory_space<vmem>>
          %dma_start3A_59 = tpu.memref_squeeze %dma_start3A_58 : memref<1x128xi32, #tpu.memory_space<vmem>> -> memref<128xi32, #tpu.memory_space<vmem>>
          %dma_start3A_60 = arith.constant 0 : i32
          %dma_start3A_61 = arith.constant 0 : i32
          %dma_start3A_62 = tpu.memref_slice %arg9[%dma_start3A_60, %dma_start3A_61] : memref<10240x128xf32, #tpu.memory_space<vmem_shared>> -> memref<10240x128xf32, #tpu.memory_space<vmem_shared>>
          tpu.enqueue_indirect_dma source(%dma_start3A_56 : memref<128x128xf32, #tpu.memory_space<vmem>>) target(%dma_start3A_62 : memref<10240x128xf32, #tpu.memory_space<vmem_shared>>) offsets(%dma_start3A_59 : memref<128xi32, #tpu.memory_space<vmem>>) semaphore(%run_scoped3A : memref<!tpu.dma_semaphore, #tpu.memory_space<semaphore_mem>>) {add = true}
          %dma_wait3A_63 = arith.constant 0 : i32
          %dma_wait3A_64 = tpu.memref_slice %arg8[%mul3A_47, %dma_wait3A_63] : memref<256x128xf32, #tpu.memory_space<vmem>> -> memref<128x128xf32, #tpu.memory_space<vmem>>
          %dma_wait3A_65 = arith.constant 0 : i32
          %dma_wait3A_66 = tpu.memref_slice %arg7[%sub3A_35, %dma_wait3A_65] : memref<40x128xi32, #tpu.memory_space<vmem>> -> memref<1x128xi32, #tpu.memory_space<vmem>>
          %dma_wait3A_67 = tpu.memref_squeeze %dma_wait3A_66 : memref<1x128xi32, #tpu.memory_space<vmem>> -> memref<128xi32, #tpu.memory_space<vmem>>
          %dma_wait3A_68 = arith.constant 0 : i32
          %dma_wait3A_69 = arith.constant 0 : i32
          %dma_wait3A_70 = tpu.memref_slice %arg9[%dma_wait3A_68, %dma_wait3A_69] : memref<10240x128xf32, #tpu.memory_space<vmem_shared>> -> memref<10240x128xf32, #tpu.memory_space<vmem_shared>>
          tpu.wait_indirect_dma semaphore(%run_scoped3A : memref<!tpu.dma_semaphore, #tpu.memory_space<semaphore_mem>>) src(%dma_wait3A_64 : memref<128x128xf32, #tpu.memory_space<vmem>>) dst(%dma_wait3A_70 : memref<10240x128xf32, #tpu.memory_space<vmem_shared>>)
          tpu.yield
        }) : () -> ()
      } else {
      }
    }
    %scan3A_18 = arith.constant 41 : i32
    %barrier3A_19 = arith.constant 0 : index
    tpu.barrier barrier_id(%barrier3A_19)
    %mul3A_20 = arith.constant 640 : i32
    %mul3A_21 = arith.muli %arg1, %mul3A_20 : i32
    %mul3A_22 = arith.constant 640 : i32
    %mul3A_23 = arith.muli %arg1, %mul3A_22 : i32
    "tpu.region"() ({
      %run_scoped3A = tpu.sem_alloc : memref<!tpu.dma_semaphore, #tpu.memory_space<semaphore_mem>>
      %dma_start3A = arith.constant 0 : i32
      %dma_start3A_24 = tpu.memref_slice %arg5[%arg0, %mul3A_23, %dma_start3A] : memref<2x10240x128xf32, #tpu.memory_space<hbm>> -> memref<1x640x128xf32, #tpu.memory_space<hbm>>
      %dma_start3A_25 = tpu.memref_squeeze %dma_start3A_24 : memref<1x640x128xf32, #tpu.memory_space<hbm>> -> memref<640x128xf32, #tpu.memory_space<hbm>>
      %dma_start3A_26 = arith.constant 0 : i32
      %dma_start3A_27 = tpu.memref_slice %arg9[%mul3A_21, %dma_start3A_26] : memref<10240x128xf32, #tpu.memory_space<vmem_shared>> -> memref<640x128xf32, #tpu.memory_space<vmem_shared>>
      tpu.enqueue_dma source(%dma_start3A_27 : memref<640x128xf32, #tpu.memory_space<vmem_shared>>) target(%dma_start3A_25 : memref<640x128xf32, #tpu.memory_space<hbm>>) target_semaphore(%run_scoped3A : memref<!tpu.dma_semaphore, #tpu.memory_space<semaphore_mem>>)
      %dma_wait3A = arith.constant 0 : i32
      %dma_wait3A_28 = tpu.memref_slice %arg5[%arg0, %mul3A_23, %dma_wait3A] : memref<2x10240x128xf32, #tpu.memory_space<hbm>> -> memref<1x640x128xf32, #tpu.memory_space<hbm>>
      %dma_wait3A_29 = tpu.memref_squeeze %dma_wait3A_28 : memref<1x640x128xf32, #tpu.memory_space<hbm>> -> memref<640x128xf32, #tpu.memory_space<hbm>>
      %dma_wait3A_30 = arith.constant 0 : i32
      %dma_wait3A_31 = tpu.memref_slice %arg9[%mul3A_21, %dma_wait3A_30] : memref<10240x128xf32, #tpu.memory_space<vmem_shared>> -> memref<640x128xf32, #tpu.memory_space<vmem_shared>>
      tpu.wait_dma2 semaphore(%run_scoped3A : memref<!tpu.dma_semaphore, #tpu.memory_space<semaphore_mem>>) src(%dma_wait3A_31 : memref<640x128xf32, #tpu.memory_space<vmem_shared>>) dst(%dma_wait3A_29 : memref<640x128xf32, #tpu.memory_space<hbm>>)
      tpu.yield
    }) : () -> ()
    return
  }
}

#map = affine_map<(d0, d1) -> (0, 0)>
#map1 = affine_map<(d0, d1) -> (0, 0, 0)>
module attributes {stable_mosaic.version = 14 : i64} {
  func.func @agg_kernel(%arg0: i32, %arg1: i32, %arg2: memref<10240x128xf32, #tpu.memory_space<hbm>>, %arg3: memref<1280x128xi32, #tpu.memory_space<hbm>>, %arg4: memref<1280x128xi32, #tpu.memory_space<hbm>>, %arg5: memref<2x10240x128xf32, #tpu.memory_space<hbm>>, %arg6: memref<40x128xi32, #tpu.memory_space<vmem>>, %arg7: memref<40x128xi32, #tpu.memory_space<vmem>>, %arg8: memref<256x128xf32, #tpu.memory_space<vmem>>, %arg9: memref<10240x128xf32, #tpu.memory_space<vmem_shared>>, %arg10: memref<!tpu.dma_semaphore, #tpu.memory_space<semaphore_mem>>) attributes {dimension_semantics = [#tpu.dimension_semantics<core_parallel>, #tpu.dimension_semantics<subcore_parallel>], iteration_bounds = array<i64: 2, 16>, scalar_prefetch = 0 : i64, scratch_operands = 5 : i64, tpu.core_type = #tpu.core_type<sc_vector_subcore>, window_params = [{transform_indices = #map}, {transform_indices = #map}, {transform_indices = #map}, {transform_indices = #map1}]} {
    %mul3A = arith.constant 2 : i32
    %mul3A_0 = arith.muli %arg1, %mul3A : i32
    %add3A = arith.addi %mul3A_0, %arg0 : i32
    %mul3A_1 = arith.constant 40 : i32
    %mul3A_2 = arith.muli %add3A, %mul3A_1 : i32
    "tpu.region"() ({
      %run_scoped3A = tpu.sem_alloc : memref<!tpu.dma_semaphore, #tpu.memory_space<semaphore_mem>>
      %dma_start3A = arith.constant 0 : i32
      %dma_start3A_24 = tpu.memref_slice %arg3[%mul3A_2, %dma_start3A] : memref<1280x128xi32, #tpu.memory_space<hbm>> -> memref<40x128xi32, #tpu.memory_space<hbm>>
      %dma_start3A_25 = arith.constant 0 : i32
      %dma_start3A_26 = tpu.memref_slice %arg3[%mul3A_2, %dma_start3A_25] : memref<1280x128xi32, #tpu.memory_space<hbm>> -> memref<40x128xi32, #tpu.memory_space<hbm>>
      tpu.enqueue_dma source(%dma_start3A_26 : memref<40x128xi32, #tpu.memory_space<hbm>>) target(%arg6 : memref<40x128xi32, #tpu.memory_space<vmem>>) target_semaphore(%run_scoped3A : memref<!tpu.dma_semaphore, #tpu.memory_space<semaphore_mem>>)
      %dma_wait3A = arith.constant 0 : i32
      %dma_wait3A_27 = tpu.memref_slice %arg3[%mul3A_2, %dma_wait3A] : memref<1280x128xi32, #tpu.memory_space<hbm>> -> memref<40x128xi32, #tpu.memory_space<hbm>>
      %dma_wait3A_28 = arith.constant 0 : i32
      %dma_wait3A_29 = tpu.memref_slice %arg3[%mul3A_2, %dma_wait3A_28] : memref<1280x128xi32, #tpu.memory_space<hbm>> -> memref<40x128xi32, #tpu.memory_space<hbm>>
      tpu.wait_dma2 semaphore(%run_scoped3A : memref<!tpu.dma_semaphore, #tpu.memory_space<semaphore_mem>>) src(%dma_wait3A_29 : memref<40x128xi32, #tpu.memory_space<hbm>>) dst(%arg6 : memref<40x128xi32, #tpu.memory_space<vmem>>)
      tpu.yield
    }) : () -> ()
    %mul3A_3 = arith.constant 40 : i32
    %mul3A_4 = arith.muli %add3A, %mul3A_3 : i32
    "tpu.region"() ({
      %run_scoped3A = tpu.sem_alloc : memref<!tpu.dma_semaphore, #tpu.memory_space<semaphore_mem>>
      %dma_start3A = arith.constant 0 : i32
      %dma_start3A_24 = tpu.memref_slice %arg4[%mul3A_4, %dma_start3A] : memref<1280x128xi32, #tpu.memory_space<hbm>> -> memref<40x128xi32, #tpu.memory_space<hbm>>
      %dma_start3A_25 = arith.constant 0 : i32
      %dma_start3A_26 = tpu.memref_slice %arg4[%mul3A_4, %dma_start3A_25] : memref<1280x128xi32, #tpu.memory_space<hbm>> -> memref<40x128xi32, #tpu.memory_space<hbm>>
      tpu.enqueue_dma source(%dma_start3A_26 : memref<40x128xi32, #tpu.memory_space<hbm>>) target(%arg7 : memref<40x128xi32, #tpu.memory_space<vmem>>) target_semaphore(%run_scoped3A : memref<!tpu.dma_semaphore, #tpu.memory_space<semaphore_mem>>)
      %dma_wait3A = arith.constant 0 : i32
      %dma_wait3A_27 = tpu.memref_slice %arg4[%mul3A_4, %dma_wait3A] : memref<1280x128xi32, #tpu.memory_space<hbm>> -> memref<40x128xi32, #tpu.memory_space<hbm>>
      %dma_wait3A_28 = arith.constant 0 : i32
      %dma_wait3A_29 = tpu.memref_slice %arg4[%mul3A_4, %dma_wait3A_28] : memref<1280x128xi32, #tpu.memory_space<hbm>> -> memref<40x128xi32, #tpu.memory_space<hbm>>
      tpu.wait_dma2 semaphore(%run_scoped3A : memref<!tpu.dma_semaphore, #tpu.memory_space<semaphore_mem>>) src(%dma_wait3A_29 : memref<40x128xi32, #tpu.memory_space<hbm>>) dst(%arg7 : memref<40x128xi32, #tpu.memory_space<vmem>>)
      tpu.yield
    }) : () -> ()
    %scan3A = arith.constant 0 : i32
    %scan3A_5 = arith.constant 128 : i32
    %scan3A_6 = arith.addi %scan3A, %scan3A_5 : i32
    %scan3A_7 = arith.constant 1 : i32
    scf.for %scan3A_24 = %scan3A to %scan3A_6 step %scan3A_7  : i32 {
      %mul3A_25 = arith.constant 1 : i32
      %mul3A_26 = arith.muli %scan3A_24, %mul3A_25 : i32
      %add3A_27 = arith.constant 0 : i32
      %add3A_28 = arith.addi %add3A_27, %mul3A_26 : i32
      %scan3A_29 = arith.constant 0 : i32
      %scan3A_30 = arith.constant 8 : i32
      %scan3A_31 = arith.addi %scan3A_29, %scan3A_30 : i32
      %scan3A_32 = arith.constant 1 : i32
      scf.for %scan3A_34 = %scan3A_29 to %scan3A_31 step %scan3A_32  : i32 {
        %mul3A_35 = arith.constant 1 : i32
        %mul3A_36 = arith.muli %scan3A_34, %mul3A_35 : i32
        %add3A_37 = arith.constant 0 : i32
        %add3A_38 = arith.addi %add3A_37, %mul3A_36 : i32
        %broadcast_in_dim3A = arith.constant 0.000000e+00 : f32
        %broadcast_in_dim3A_39 = vector.broadcast %broadcast_in_dim3A : f32 to vector<1x16xf32>
        %mul3A_40 = arith.constant 16 : i32
        %mul3A_41 = arith.muli %add3A_38, %mul3A_40 : i32
        %swap3A = arith.index_cast %add3A_28 : i32 to index
        %swap3A_42 = arith.index_cast %mul3A_41 : i32 to index
        %swap3A_43 = tpu.vector_load %arg8[%swap3A, %swap3A_42] {strides = array<i32>} : memref<256x128xf32, #tpu.memory_space<vmem>>, vector<1x16xf32>,
        %swap3A_44 = vector.shape_cast %swap3A_43 : vector<1x16xf32> to vector<1x16xf32>
        %swap3A_45 = vector.shape_cast %broadcast_in_dim3A_39 : vector<1x16xf32> to vector<1x16xf32>
        tpu.vector_store %arg8[%swap3A, %swap3A_42], %swap3A_45 {strides = array<i32>} : memref<256x128xf32, #tpu.memory_space<vmem>>, vector<1x16xf32>,
      }
      %scan3A_33 = arith.constant 8 : i32
    }
    %scan3A_8 = arith.constant 128 : i32
    %scan3A_9 = arith.constant 0 : i32
    %scan3A_10 = arith.constant 5 : i32
    %scan3A_11 = arith.addi %scan3A_9, %scan3A_10 : i32
    %scan3A_12 = arith.constant 1 : i32
    scf.for %scan3A_24 = %scan3A_9 to %scan3A_11 step %scan3A_12  : i32 {
      %mul3A_25 = arith.constant 1 : i32
      %mul3A_26 = arith.muli %scan3A_24, %mul3A_25 : i32
      %add3A_27 = arith.constant 0 : i32
      %add3A_28 = arith.addi %add3A_27, %mul3A_26 : i32
      %mul3A_29 = arith.constant 640 : i32
      %mul3A_30 = arith.muli %arg1, %mul3A_29 : i32
      %mul3A_31 = arith.constant 128 : i32
      %mul3A_32 = arith.muli %add3A_28, %mul3A_31 : i32
      %add3A_33 = arith.addi %mul3A_30, %mul3A_32 : i32
      "tpu.region"() ({
        %run_scoped3A = tpu.sem_alloc : memref<!tpu.dma_semaphore, #tpu.memory_space<semaphore_mem>>
        %dma_start3A = arith.constant 0 : i32
        %dma_start3A_34 = arith.constant 0 : i32
        %dma_start3A_35 = tpu.memref_slice %arg8[%dma_start3A, %dma_start3A_34] : memref<256x128xf32, #tpu.memory_space<vmem>> -> memref<128x128xf32, #tpu.memory_space<vmem>>
        %dma_start3A_36 = arith.constant 0 : i32
        %dma_start3A_37 = tpu.memref_slice %arg9[%add3A_33, %dma_start3A_36] : memref<10240x128xf32, #tpu.memory_space<vmem_shared>> -> memref<128x128xf32, #tpu.memory_space<vmem_shared>>
        %dma_start3A_38 = arith.constant 0 : i32
        %dma_start3A_39 = tpu.memref_slice %arg9[%add3A_33, %dma_start3A_38] : memref<10240x128xf32, #tpu.memory_space<vmem_shared>> -> memref<128x128xf32, #tpu.memory_space<vmem_shared>>
        %dma_start3A_40 = arith.constant 0 : i32
        %dma_start3A_41 = arith.constant 0 : i32
        %dma_start3A_42 = tpu.memref_slice %arg8[%dma_start3A_40, %dma_start3A_41] : memref<256x128xf32, #tpu.memory_space<vmem>> -> memref<128x128xf32, #tpu.memory_space<vmem>>
        tpu.enqueue_dma source(%dma_start3A_42 : memref<128x128xf32, #tpu.memory_space<vmem>>) target(%dma_start3A_39 : memref<128x128xf32, #tpu.memory_space<vmem_shared>>) target_semaphore(%run_scoped3A : memref<!tpu.dma_semaphore, #tpu.memory_space<semaphore_mem>>)
        %dma_wait3A = arith.constant 0 : i32
        %dma_wait3A_43 = arith.constant 0 : i32
        %dma_wait3A_44 = tpu.memref_slice %arg8[%dma_wait3A, %dma_wait3A_43] : memref<256x128xf32, #tpu.memory_space<vmem>> -> memref<128x128xf32, #tpu.memory_space<vmem>>
        %dma_wait3A_45 = arith.constant 0 : i32
        %dma_wait3A_46 = tpu.memref_slice %arg9[%add3A_33, %dma_wait3A_45] : memref<10240x128xf32, #tpu.memory_space<vmem_shared>> -> memref<128x128xf32, #tpu.memory_space<vmem_shared>>
        %dma_wait3A_47 = arith.constant 0 : i32
        %dma_wait3A_48 = tpu.memref_slice %arg9[%add3A_33, %dma_wait3A_47] : memref<10240x128xf32, #tpu.memory_space<vmem_shared>> -> memref<128x128xf32, #tpu.memory_space<vmem_shared>>
        %dma_wait3A_49 = arith.constant 0 : i32
        %dma_wait3A_50 = arith.constant 0 : i32
        %dma_wait3A_51 = tpu.memref_slice %arg8[%dma_wait3A_49, %dma_wait3A_50] : memref<256x128xf32, #tpu.memory_space<vmem>> -> memref<128x128xf32, #tpu.memory_space<vmem>>
        tpu.wait_dma2 semaphore(%run_scoped3A : memref<!tpu.dma_semaphore, #tpu.memory_space<semaphore_mem>>) src(%dma_wait3A_51 : memref<128x128xf32, #tpu.memory_space<vmem>>) dst(%dma_wait3A_48 : memref<128x128xf32, #tpu.memory_space<vmem_shared>>)
        tpu.yield
      }) : () -> ()
    }
    %scan3A_13 = arith.constant 5 : i32
    %barrier3A = arith.constant 0 : index
    tpu.barrier barrier_id(%barrier3A)
    %scan3A_14 = arith.constant 0 : i32
    %scan3A_15 = arith.constant 41 : i32
    %scan3A_16 = arith.addi %scan3A_14, %scan3A_15 : i32
    %scan3A_17 = arith.constant 1 : i32
    scf.for %scan3A_24 = %scan3A_14 to %scan3A_16 step %scan3A_17  : i32 {
      %mul3A_25 = arith.constant 1 : i32
      %mul3A_26 = arith.muli %scan3A_24, %mul3A_25 : i32
      %add3A_27 = arith.constant 0 : i32
      %add3A_28 = arith.addi %add3A_27, %mul3A_26 : i32
      %lt3A = arith.constant 40 : i32
      %lt3A_29 = arith.cmpi slt, %add3A_28, %lt3A : i32
      %convert_element_type3A = arith.extui %lt3A_29 : i1 to i32
      %cond3A = arith.constant 0 : i32
      %cond3A_30 = arith.cmpi ne, %convert_element_type3A, %cond3A : i32
      scf.if %cond3A_30 {
        %jit3A = arith.constant 2 : i32
        %eq3A = arith.constant 0 : i32
        %eq3A_35 = arith.cmpi eq, %jit3A, %eq3A : i32
        %jit3A_36 = arith.constant 1 : i32
        %select_n3A = arith.select %eq3A_35, %jit3A_36, %jit3A : i32
        %rem3A = arith.remsi %add3A_28, %select_n3A : i32
        %ne3A = arith.constant 0 : i32
        %ne3A_37 = arith.cmpi ne, %rem3A, %ne3A : i32
        %lt3A_38 = arith.constant 0 : i32
        %lt3A_39 = arith.cmpi slt, %rem3A, %lt3A_38 : i32
        %lt3A_40 = arith.constant 0 : i32
        %lt3A_41 = arith.cmpi slt, %select_n3A, %lt3A_40 : i32
        %ne3A_42 = arith.xori %lt3A_39, %lt3A_41 : i1
        %and3A = arith.andi %ne3A_42, %ne3A_37 : i1
        %add3A_43 = arith.addi %rem3A, %select_n3A : i32
        %select_n3A_44 = arith.select %and3A, %add3A_43, %rem3A : i32
        %mul3A_45 = arith.constant 128 : i32
        %mul3A_46 = arith.muli %select_n3A_44, %mul3A_45 : i32
        %dma_start3A = arith.constant 0 : i32
        %dma_start3A_47 = tpu.memref_slice %arg8[%mul3A_46, %dma_start3A] : memref<256x128xf32, #tpu.memory_space<vmem>> -> memref<128x128xf32, #tpu.memory_space<vmem>>
        %dma_start3A_48 = arith.constant 0 : i32
        %dma_start3A_49 = tpu.memref_slice %arg6[%add3A_28, %dma_start3A_48] : memref<40x128xi32, #tpu.memory_space<vmem>> -> memref<1x128xi32, #tpu.memory_space<vmem>>
        %dma_start3A_50 = tpu.memref_squeeze %dma_start3A_49 : memref<1x128xi32, #tpu.memory_space<vmem>> -> memref<128xi32, #tpu.memory_space<vmem>>
        %dma_start3A_51 = arith.constant 0 : i32
        %dma_start3A_52 = arith.constant 0 : i32
        %dma_start3A_53 = tpu.memref_slice %arg2[%dma_start3A_51, %dma_start3A_52] : memref<10240x128xf32, #tpu.memory_space<hbm>> -> memref<10240x128xf32, #tpu.memory_space<hbm>>
        tpu.enqueue_indirect_dma source(%dma_start3A_53 : memref<10240x128xf32, #tpu.memory_space<hbm>>) target(%dma_start3A_47 : memref<128x128xf32, #tpu.memory_space<vmem>>) offsets(%dma_start3A_50 : memref<128xi32, #tpu.memory_space<vmem>>) semaphore(%arg10 : memref<!tpu.dma_semaphore, #tpu.memory_space<semaphore_mem>>)
      } else {
      }
      %ge3A = arith.constant 1 : i32
      %ge3A_31 = arith.cmpi sge, %add3A_28, %ge3A : i32
      %convert_element_type3A_32 = arith.extui %ge3A_31 : i1 to i32
      %cond3A_33 = arith.constant 0 : i32
      %cond3A_34 = arith.cmpi ne, %convert_element_type3A_32, %cond3A_33 : i32
      scf.if %cond3A_34 {
        %sub3A = arith.constant 1 : i32
        %sub3A_35 = arith.subi %add3A_28, %sub3A : i32
        %jit3A = arith.constant 2 : i32
        %eq3A = arith.constant 0 : i32
        %eq3A_36 = arith.cmpi eq, %jit3A, %eq3A : i32
        %jit3A_37 = arith.constant 1 : i32
        %select_n3A = arith.select %eq3A_36, %jit3A_37, %jit3A : i32
        %rem3A = arith.remsi %sub3A_35, %select_n3A : i32
        %ne3A = arith.constant 0 : i32
        %ne3A_38 = arith.cmpi ne, %rem3A, %ne3A : i32
        %lt3A_39 = arith.constant 0 : i32
        %lt3A_40 = arith.cmpi slt, %rem3A, %lt3A_39 : i32
        %lt3A_41 = arith.constant 0 : i32
        %lt3A_42 = arith.cmpi slt, %select_n3A, %lt3A_41 : i32
        %ne3A_43 = arith.xori %lt3A_40, %lt3A_42 : i1
        %and3A = arith.andi %ne3A_43, %ne3A_38 : i1
        %add3A_44 = arith.addi %rem3A, %select_n3A : i32
        %select_n3A_45 = arith.select %and3A, %add3A_44, %rem3A : i32
        %mul3A_46 = arith.constant 128 : i32
        %mul3A_47 = arith.muli %select_n3A_45, %mul3A_46 : i32
        %dma_wait3A = arith.constant 0 : i32
        %dma_wait3A_48 = arith.constant 0 : i32
        %dma_wait3A_49 = tpu.memref_slice %arg8[%mul3A_47, %dma_wait3A_48] : memref<256x128xf32, #tpu.memory_space<vmem>> -> memref<128x128xf32, #tpu.memory_space<vmem>>
        %dma_wait3A_50 = arith.constant 0 : i32
        %dma_wait3A_51 = tpu.memref_slice %arg6[%dma_wait3A, %dma_wait3A_50] : memref<40x128xi32, #tpu.memory_space<vmem>> -> memref<1x128xi32, #tpu.memory_space<vmem>>
        %dma_wait3A_52 = tpu.memref_squeeze %dma_wait3A_51 : memref<1x128xi32, #tpu.memory_space<vmem>> -> memref<128xi32, #tpu.memory_space<vmem>>
        %dma_wait3A_53 = arith.constant 0 : i32
        %dma_wait3A_54 = arith.constant 0 : i32
        %dma_wait3A_55 = tpu.memref_slice %arg2[%dma_wait3A_53, %dma_wait3A_54] : memref<10240x128xf32, #tpu.memory_space<hbm>> -> memref<10240x128xf32, #tpu.memory_space<hbm>>
        tpu.wait_indirect_dma semaphore(%arg10 : memref<!tpu.dma_semaphore, #tpu.memory_space<semaphore_mem>>) src(%dma_wait3A_55 : memref<10240x128xf32, #tpu.memory_space<hbm>>) dst(%dma_wait3A_49 : memref<128x128xf32, #tpu.memory_space<vmem>>)
        "tpu.region"() ({
          %run_scoped3A = tpu.sem_alloc : memref<!tpu.dma_semaphore, #tpu.memory_space<semaphore_mem>>
          %dma_start3A = arith.constant 0 : i32
          %dma_start3A_56 = tpu.memref_slice %arg8[%mul3A_47, %dma_start3A] : memref<256x128xf32, #tpu.memory_space<vmem>> -> memref<128x128xf32, #tpu.memory_space<vmem>>
          %dma_start3A_57 = arith.constant 0 : i32
          %dma_start3A_58 = tpu.memref_slice %arg7[%sub3A_35, %dma_start3A_57] : memref<40x128xi32, #tpu.memory_space<vmem>> -> memref<1x128xi32, #tpu.memory_space<vmem>>
          %dma_start3A_59 = tpu.memref_squeeze %dma_start3A_58 : memref<1x128xi32, #tpu.memory_space<vmem>> -> memref<128xi32, #tpu.memory_space<vmem>>
          %dma_start3A_60 = arith.constant 0 : i32
          %dma_start3A_61 = arith.constant 0 : i32
          %dma_start3A_62 = tpu.memref_slice %arg9[%dma_start3A_60, %dma_start3A_61] : memref<10240x128xf32, #tpu.memory_space<vmem_shared>> -> memref<10240x128xf32, #tpu.memory_space<vmem_shared>>
          tpu.enqueue_indirect_dma source(%dma_start3A_56 : memref<128x128xf32, #tpu.memory_space<vmem>>) target(%dma_start3A_62 : memref<10240x128xf32, #tpu.memory_space<vmem_shared>>) offsets(%dma_start3A_59 : memref<128xi32, #tpu.memory_space<vmem>>) semaphore(%run_scoped3A : memref<!tpu.dma_semaphore, #tpu.memory_space<semaphore_mem>>) {add = true}
          %dma_wait3A_63 = arith.constant 0 : i32
          %dma_wait3A_64 = tpu.memref_slice %arg8[%mul3A_47, %dma_wait3A_63] : memref<256x128xf32, #tpu.memory_space<vmem>> -> memref<128x128xf32, #tpu.memory_space<vmem>>
          %dma_wait3A_65 = arith.constant 0 : i32
          %dma_wait3A_66 = tpu.memref_slice %arg7[%sub3A_35, %dma_wait3A_65] : memref<40x128xi32, #tpu.memory_space<vmem>> -> memref<1x128xi32, #tpu.memory_space<vmem>>
          %dma_wait3A_67 = tpu.memref_squeeze %dma_wait3A_66 : memref<1x128xi32, #tpu.memory_space<vmem>> -> memref<128xi32, #tpu.memory_space<vmem>>
          %dma_wait3A_68 = arith.constant 0 : i32
          %dma_wait3A_69 = arith.constant 0 : i32
          %dma_wait3A_70 = tpu.memref_slice %arg9[%dma_wait3A_68, %dma_wait3A_69] : memref<10240x128xf32, #tpu.memory_space<vmem_shared>> -> memref<10240x128xf32, #tpu.memory_space<vmem_shared>>
          tpu.wait_indirect_dma semaphore(%run_scoped3A : memref<!tpu.dma_semaphore, #tpu.memory_space<semaphore_mem>>) src(%dma_wait3A_64 : memref<128x128xf32, #tpu.memory_space<vmem>>) dst(%dma_wait3A_70 : memref<10240x128xf32, #tpu.memory_space<vmem_shared>>)
          tpu.yield
        }) : () -> ()
      } else {
      }
    }
    %scan3A_18 = arith.constant 41 : i32
    %barrier3A_19 = arith.constant 0 : index
    tpu.barrier barrier_id(%barrier3A_19)
    %mul3A_20 = arith.constant 640 : i32
    %mul3A_21 = arith.muli %arg1, %mul3A_20 : i32
    %mul3A_22 = arith.constant 640 : i32
    %mul3A_23 = arith.muli %arg1, %mul3A_22 : i32
    "tpu.region"() ({
      %run_scoped3A = tpu.sem_alloc : memref<!tpu.dma_semaphore, #tpu.memory_space<semaphore_mem>>
      %dma_start3A = arith.constant 0 : i32
      %dma_start3A_24 = tpu.memref_slice %arg5[%arg0, %mul3A_23, %dma_start3A] : memref<2x10240x128xf32, #tpu.memory_space<hbm>> -> memref<1x640x128xf32, #tpu.memory_space<hbm>>
      %dma_start3A_25 = tpu.memref_squeeze %dma_start3A_24 : memref<1x640x128xf32, #tpu.memory_space<hbm>> -> memref<640x128xf32, #tpu.memory_space<hbm>>
      %dma_start3A_26 = arith.constant 0 : i32
      %dma_start3A_27 = tpu.memref_slice %arg9[%mul3A_21, %dma_start3A_26] : memref<10240x128xf32, #tpu.memory_space<vmem_shared>> -> memref<640x128xf32, #tpu.memory_space<vmem_shared>>
      tpu.enqueue_dma source(%dma_start3A_27 : memref<640x128xf32, #tpu.memory_space<vmem_shared>>) target(%dma_start3A_25 : memref<640x128xf32, #tpu.memory_space<hbm>>) target_semaphore(%run_scoped3A : memref<!tpu.dma_semaphore, #tpu.memory_space<semaphore_mem>>)
      %dma_wait3A = arith.constant 0 : i32
      %dma_wait3A_28 = tpu.memref_slice %arg5[%arg0, %mul3A_23, %dma_wait3A] : memref<2x10240x128xf32, #tpu.memory_space<hbm>> -> memref<1x640x128xf32, #tpu.memory_space<hbm>>
      %dma_wait3A_29 = tpu.memref_squeeze %dma_wait3A_28 : memref<1x640x128xf32, #tpu.memory_space<hbm>> -> memref<640x128xf32, #tpu.memory_space<hbm>>
      %dma_wait3A_30 = arith.constant 0 : i32
      %dma_wait3A_31 = tpu.memref_slice %arg9[%mul3A_21, %dma_wait3A_30] : memref<10240x128xf32, #tpu.memory_space<vmem_shared>> -> memref<640x128xf32, #tpu.memory_space<vmem_shared>>
      tpu.wait_dma2 semaphore(%run_scoped3A : memref<!tpu.dma_semaphore, #tpu.memory_space<semaphore_mem>>) src(%dma_wait3A_31 : memref<640x128xf32, #tpu.memory_space<vmem_shared>>) dst(%dma_wait3A_29 : memref<640x128xf32, #tpu.memory_space<hbm>>)
      tpu.yield
    }) : () -> ()
    return
  }
}

#map = affine_map<(d0, d1) -> (0, 0)>
#map1 = affine_map<(d0, d1) -> (0, 0, 0)>
module attributes {stable_mosaic.version = 14 : i64} {
  func.func @agg_kernel(%arg0: i32, %arg1: i32, %arg2: memref<10240x128xf32, #tpu.memory_space<hbm>>, %arg3: memref<1280x128xi32, #tpu.memory_space<hbm>>, %arg4: memref<1280x128xi32, #tpu.memory_space<hbm>>, %arg5: memref<2x10240x128xf32, #tpu.memory_space<hbm>>, %arg6: memref<40x128xi32, #tpu.memory_space<vmem>>, %arg7: memref<40x128xi32, #tpu.memory_space<vmem>>, %arg8: memref<256x128xf32, #tpu.memory_space<vmem>>, %arg9: memref<10240x128xf32, #tpu.memory_space<vmem_shared>>, %arg10: memref<!tpu.dma_semaphore, #tpu.memory_space<semaphore_mem>>) attributes {dimension_semantics = [#tpu.dimension_semantics<core_parallel>, #tpu.dimension_semantics<subcore_parallel>], iteration_bounds = array<i64: 2, 16>, scalar_prefetch = 0 : i64, scratch_operands = 5 : i64, tpu.core_type = #tpu.core_type<sc_vector_subcore>, window_params = [{transform_indices = #map}, {transform_indices = #map}, {transform_indices = #map}, {transform_indices = #map1}]} {
    %mul3A = arith.constant 2 : i32
    %mul3A_0 = arith.muli %arg1, %mul3A : i32
    %add3A = arith.addi %mul3A_0, %arg0 : i32
    %mul3A_1 = arith.constant 40 : i32
    %mul3A_2 = arith.muli %add3A, %mul3A_1 : i32
    "tpu.region"() ({
      %run_scoped3A = tpu.sem_alloc : memref<!tpu.dma_semaphore, #tpu.memory_space<semaphore_mem>>
      %dma_start3A = arith.constant 0 : i32
      %dma_start3A_24 = tpu.memref_slice %arg3[%mul3A_2, %dma_start3A] : memref<1280x128xi32, #tpu.memory_space<hbm>> -> memref<40x128xi32, #tpu.memory_space<hbm>>
      %dma_start3A_25 = arith.constant 0 : i32
      %dma_start3A_26 = tpu.memref_slice %arg3[%mul3A_2, %dma_start3A_25] : memref<1280x128xi32, #tpu.memory_space<hbm>> -> memref<40x128xi32, #tpu.memory_space<hbm>>
      tpu.enqueue_dma source(%dma_start3A_26 : memref<40x128xi32, #tpu.memory_space<hbm>>) target(%arg6 : memref<40x128xi32, #tpu.memory_space<vmem>>) target_semaphore(%run_scoped3A : memref<!tpu.dma_semaphore, #tpu.memory_space<semaphore_mem>>)
      %dma_wait3A = arith.constant 0 : i32
      %dma_wait3A_27 = tpu.memref_slice %arg3[%mul3A_2, %dma_wait3A] : memref<1280x128xi32, #tpu.memory_space<hbm>> -> memref<40x128xi32, #tpu.memory_space<hbm>>
      %dma_wait3A_28 = arith.constant 0 : i32
      %dma_wait3A_29 = tpu.memref_slice %arg3[%mul3A_2, %dma_wait3A_28] : memref<1280x128xi32, #tpu.memory_space<hbm>> -> memref<40x128xi32, #tpu.memory_space<hbm>>
      tpu.wait_dma2 semaphore(%run_scoped3A : memref<!tpu.dma_semaphore, #tpu.memory_space<semaphore_mem>>) src(%dma_wait3A_29 : memref<40x128xi32, #tpu.memory_space<hbm>>) dst(%arg6 : memref<40x128xi32, #tpu.memory_space<vmem>>)
      tpu.yield
    }) : () -> ()
    %mul3A_3 = arith.constant 40 : i32
    %mul3A_4 = arith.muli %add3A, %mul3A_3 : i32
    "tpu.region"() ({
      %run_scoped3A = tpu.sem_alloc : memref<!tpu.dma_semaphore, #tpu.memory_space<semaphore_mem>>
      %dma_start3A = arith.constant 0 : i32
      %dma_start3A_24 = tpu.memref_slice %arg4[%mul3A_4, %dma_start3A] : memref<1280x128xi32, #tpu.memory_space<hbm>> -> memref<40x128xi32, #tpu.memory_space<hbm>>
      %dma_start3A_25 = arith.constant 0 : i32
      %dma_start3A_26 = tpu.memref_slice %arg4[%mul3A_4, %dma_start3A_25] : memref<1280x128xi32, #tpu.memory_space<hbm>> -> memref<40x128xi32, #tpu.memory_space<hbm>>
      tpu.enqueue_dma source(%dma_start3A_26 : memref<40x128xi32, #tpu.memory_space<hbm>>) target(%arg7 : memref<40x128xi32, #tpu.memory_space<vmem>>) target_semaphore(%run_scoped3A : memref<!tpu.dma_semaphore, #tpu.memory_space<semaphore_mem>>)
      %dma_wait3A = arith.constant 0 : i32
      %dma_wait3A_27 = tpu.memref_slice %arg4[%mul3A_4, %dma_wait3A] : memref<1280x128xi32, #tpu.memory_space<hbm>> -> memref<40x128xi32, #tpu.memory_space<hbm>>
      %dma_wait3A_28 = arith.constant 0 : i32
      %dma_wait3A_29 = tpu.memref_slice %arg4[%mul3A_4, %dma_wait3A_28] : memref<1280x128xi32, #tpu.memory_space<hbm>> -> memref<40x128xi32, #tpu.memory_space<hbm>>
      tpu.wait_dma2 semaphore(%run_scoped3A : memref<!tpu.dma_semaphore, #tpu.memory_space<semaphore_mem>>) src(%dma_wait3A_29 : memref<40x128xi32, #tpu.memory_space<hbm>>) dst(%arg7 : memref<40x128xi32, #tpu.memory_space<vmem>>)
      tpu.yield
    }) : () -> ()
    %scan3A = arith.constant 0 : i32
    %scan3A_5 = arith.constant 128 : i32
    %scan3A_6 = arith.addi %scan3A, %scan3A_5 : i32
    %scan3A_7 = arith.constant 1 : i32
    scf.for %scan3A_24 = %scan3A to %scan3A_6 step %scan3A_7  : i32 {
      %mul3A_25 = arith.constant 1 : i32
      %mul3A_26 = arith.muli %scan3A_24, %mul3A_25 : i32
      %add3A_27 = arith.constant 0 : i32
      %add3A_28 = arith.addi %add3A_27, %mul3A_26 : i32
      %scan3A_29 = arith.constant 0 : i32
      %scan3A_30 = arith.constant 8 : i32
      %scan3A_31 = arith.addi %scan3A_29, %scan3A_30 : i32
      %scan3A_32 = arith.constant 1 : i32
      scf.for %scan3A_34 = %scan3A_29 to %scan3A_31 step %scan3A_32  : i32 {
        %mul3A_35 = arith.constant 1 : i32
        %mul3A_36 = arith.muli %scan3A_34, %mul3A_35 : i32
        %add3A_37 = arith.constant 0 : i32
        %add3A_38 = arith.addi %add3A_37, %mul3A_36 : i32
        %broadcast_in_dim3A = arith.constant 0.000000e+00 : f32
        %broadcast_in_dim3A_39 = vector.broadcast %broadcast_in_dim3A : f32 to vector<1x16xf32>
        %mul3A_40 = arith.constant 16 : i32
        %mul3A_41 = arith.muli %add3A_38, %mul3A_40 : i32
        %swap3A = arith.index_cast %add3A_28 : i32 to index
        %swap3A_42 = arith.index_cast %mul3A_41 : i32 to index
        %swap3A_43 = tpu.vector_load %arg8[%swap3A, %swap3A_42] {strides = array<i32>} : memref<256x128xf32, #tpu.memory_space<vmem>>, vector<1x16xf32>,
        %swap3A_44 = vector.shape_cast %swap3A_43 : vector<1x16xf32> to vector<1x16xf32>
        %swap3A_45 = vector.shape_cast %broadcast_in_dim3A_39 : vector<1x16xf32> to vector<1x16xf32>
        tpu.vector_store %arg8[%swap3A, %swap3A_42], %swap3A_45 {strides = array<i32>} : memref<256x128xf32, #tpu.memory_space<vmem>>, vector<1x16xf32>,
      }
      %scan3A_33 = arith.constant 8 : i32
    }
    %scan3A_8 = arith.constant 128 : i32
    %scan3A_9 = arith.constant 0 : i32
    %scan3A_10 = arith.constant 5 : i32
    %scan3A_11 = arith.addi %scan3A_9, %scan3A_10 : i32
    %scan3A_12 = arith.constant 1 : i32
    scf.for %scan3A_24 = %scan3A_9 to %scan3A_11 step %scan3A_12  : i32 {
      %mul3A_25 = arith.constant 1 : i32
      %mul3A_26 = arith.muli %scan3A_24, %mul3A_25 : i32
      %add3A_27 = arith.constant 0 : i32
      %add3A_28 = arith.addi %add3A_27, %mul3A_26 : i32
      %mul3A_29 = arith.constant 640 : i32
      %mul3A_30 = arith.muli %arg1, %mul3A_29 : i32
      %mul3A_31 = arith.constant 128 : i32
      %mul3A_32 = arith.muli %add3A_28, %mul3A_31 : i32
      %add3A_33 = arith.addi %mul3A_30, %mul3A_32 : i32
      "tpu.region"() ({
        %run_scoped3A = tpu.sem_alloc : memref<!tpu.dma_semaphore, #tpu.memory_space<semaphore_mem>>
        %dma_start3A = arith.constant 0 : i32
        %dma_start3A_34 = arith.constant 0 : i32
        %dma_start3A_35 = tpu.memref_slice %arg8[%dma_start3A, %dma_start3A_34] : memref<256x128xf32, #tpu.memory_space<vmem>> -> memref<128x128xf32, #tpu.memory_space<vmem>>
        %dma_start3A_36 = arith.constant 0 : i32
        %dma_start3A_37 = tpu.memref_slice %arg9[%add3A_33, %dma_start3A_36] : memref<10240x128xf32, #tpu.memory_space<vmem_shared>> -> memref<128x128xf32, #tpu.memory_space<vmem_shared>>
        %dma_start3A_38 = arith.constant 0 : i32
        %dma_start3A_39 = tpu.memref_slice %arg9[%add3A_33, %dma_start3A_38] : memref<10240x128xf32, #tpu.memory_space<vmem_shared>> -> memref<128x128xf32, #tpu.memory_space<vmem_shared>>
        %dma_start3A_40 = arith.constant 0 : i32
        %dma_start3A_41 = arith.constant 0 : i32
        %dma_start3A_42 = tpu.memref_slice %arg8[%dma_start3A_40, %dma_start3A_41] : memref<256x128xf32, #tpu.memory_space<vmem>> -> memref<128x128xf32, #tpu.memory_space<vmem>>
        tpu.enqueue_dma source(%dma_start3A_42 : memref<128x128xf32, #tpu.memory_space<vmem>>) target(%dma_start3A_39 : memref<128x128xf32, #tpu.memory_space<vmem_shared>>) target_semaphore(%run_scoped3A : memref<!tpu.dma_semaphore, #tpu.memory_space<semaphore_mem>>)
        %dma_wait3A = arith.constant 0 : i32
        %dma_wait3A_43 = arith.constant 0 : i32
        %dma_wait3A_44 = tpu.memref_slice %arg8[%dma_wait3A, %dma_wait3A_43] : memref<256x128xf32, #tpu.memory_space<vmem>> -> memref<128x128xf32, #tpu.memory_space<vmem>>
        %dma_wait3A_45 = arith.constant 0 : i32
        %dma_wait3A_46 = tpu.memref_slice %arg9[%add3A_33, %dma_wait3A_45] : memref<10240x128xf32, #tpu.memory_space<vmem_shared>> -> memref<128x128xf32, #tpu.memory_space<vmem_shared>>
        %dma_wait3A_47 = arith.constant 0 : i32
        %dma_wait3A_48 = tpu.memref_slice %arg9[%add3A_33, %dma_wait3A_47] : memref<10240x128xf32, #tpu.memory_space<vmem_shared>> -> memref<128x128xf32, #tpu.memory_space<vmem_shared>>
        %dma_wait3A_49 = arith.constant 0 : i32
        %dma_wait3A_50 = arith.constant 0 : i32
        %dma_wait3A_51 = tpu.memref_slice %arg8[%dma_wait3A_49, %dma_wait3A_50] : memref<256x128xf32, #tpu.memory_space<vmem>> -> memref<128x128xf32, #tpu.memory_space<vmem>>
        tpu.wait_dma2 semaphore(%run_scoped3A : memref<!tpu.dma_semaphore, #tpu.memory_space<semaphore_mem>>) src(%dma_wait3A_51 : memref<128x128xf32, #tpu.memory_space<vmem>>) dst(%dma_wait3A_48 : memref<128x128xf32, #tpu.memory_space<vmem_shared>>)
        tpu.yield
      }) : () -> ()
    }
    %scan3A_13 = arith.constant 5 : i32
    %barrier3A = arith.constant 0 : index
    tpu.barrier barrier_id(%barrier3A)
    %scan3A_14 = arith.constant 0 : i32
    %scan3A_15 = arith.constant 41 : i32
    %scan3A_16 = arith.addi %scan3A_14, %scan3A_15 : i32
    %scan3A_17 = arith.constant 1 : i32
    scf.for %scan3A_24 = %scan3A_14 to %scan3A_16 step %scan3A_17  : i32 {
      %mul3A_25 = arith.constant 1 : i32
      %mul3A_26 = arith.muli %scan3A_24, %mul3A_25 : i32
      %add3A_27 = arith.constant 0 : i32
      %add3A_28 = arith.addi %add3A_27, %mul3A_26 : i32
      %lt3A = arith.constant 40 : i32
      %lt3A_29 = arith.cmpi slt, %add3A_28, %lt3A : i32
      %convert_element_type3A = arith.extui %lt3A_29 : i1 to i32
      %cond3A = arith.constant 0 : i32
      %cond3A_30 = arith.cmpi ne, %convert_element_type3A, %cond3A : i32
      scf.if %cond3A_30 {
        %jit3A = arith.constant 2 : i32
        %eq3A = arith.constant 0 : i32
        %eq3A_35 = arith.cmpi eq, %jit3A, %eq3A : i32
        %jit3A_36 = arith.constant 1 : i32
        %select_n3A = arith.select %eq3A_35, %jit3A_36, %jit3A : i32
        %rem3A = arith.remsi %add3A_28, %select_n3A : i32
        %ne3A = arith.constant 0 : i32
        %ne3A_37 = arith.cmpi ne, %rem3A, %ne3A : i32
        %lt3A_38 = arith.constant 0 : i32
        %lt3A_39 = arith.cmpi slt, %rem3A, %lt3A_38 : i32
        %lt3A_40 = arith.constant 0 : i32
        %lt3A_41 = arith.cmpi slt, %select_n3A, %lt3A_40 : i32
        %ne3A_42 = arith.xori %lt3A_39, %lt3A_41 : i1
        %and3A = arith.andi %ne3A_42, %ne3A_37 : i1
        %add3A_43 = arith.addi %rem3A, %select_n3A : i32
        %select_n3A_44 = arith.select %and3A, %add3A_43, %rem3A : i32
        %mul3A_45 = arith.constant 128 : i32
        %mul3A_46 = arith.muli %select_n3A_44, %mul3A_45 : i32
        %dma_start3A = arith.constant 0 : i32
        %dma_start3A_47 = tpu.memref_slice %arg8[%mul3A_46, %dma_start3A] : memref<256x128xf32, #tpu.memory_space<vmem>> -> memref<128x128xf32, #tpu.memory_space<vmem>>
        %dma_start3A_48 = arith.constant 0 : i32
        %dma_start3A_49 = tpu.memref_slice %arg6[%add3A_28, %dma_start3A_48] : memref<40x128xi32, #tpu.memory_space<vmem>> -> memref<1x128xi32, #tpu.memory_space<vmem>>
        %dma_start3A_50 = tpu.memref_squeeze %dma_start3A_49 : memref<1x128xi32, #tpu.memory_space<vmem>> -> memref<128xi32, #tpu.memory_space<vmem>>
        %dma_start3A_51 = arith.constant 0 : i32
        %dma_start3A_52 = arith.constant 0 : i32
        %dma_start3A_53 = tpu.memref_slice %arg2[%dma_start3A_51, %dma_start3A_52] : memref<10240x128xf32, #tpu.memory_space<hbm>> -> memref<10240x128xf32, #tpu.memory_space<hbm>>
        tpu.enqueue_indirect_dma source(%dma_start3A_53 : memref<10240x128xf32, #tpu.memory_space<hbm>>) target(%dma_start3A_47 : memref<128x128xf32, #tpu.memory_space<vmem>>) offsets(%dma_start3A_50 : memref<128xi32, #tpu.memory_space<vmem>>) semaphore(%arg10 : memref<!tpu.dma_semaphore, #tpu.memory_space<semaphore_mem>>)
      } else {
      }
      %ge3A = arith.constant 1 : i32
      %ge3A_31 = arith.cmpi sge, %add3A_28, %ge3A : i32
      %convert_element_type3A_32 = arith.extui %ge3A_31 : i1 to i32
      %cond3A_33 = arith.constant 0 : i32
      %cond3A_34 = arith.cmpi ne, %convert_element_type3A_32, %cond3A_33 : i32
      scf.if %cond3A_34 {
        %sub3A = arith.constant 1 : i32
        %sub3A_35 = arith.subi %add3A_28, %sub3A : i32
        %jit3A = arith.constant 2 : i32
        %eq3A = arith.constant 0 : i32
        %eq3A_36 = arith.cmpi eq, %jit3A, %eq3A : i32
        %jit3A_37 = arith.constant 1 : i32
        %select_n3A = arith.select %eq3A_36, %jit3A_37, %jit3A : i32
        %rem3A = arith.remsi %sub3A_35, %select_n3A : i32
        %ne3A = arith.constant 0 : i32
        %ne3A_38 = arith.cmpi ne, %rem3A, %ne3A : i32
        %lt3A_39 = arith.constant 0 : i32
        %lt3A_40 = arith.cmpi slt, %rem3A, %lt3A_39 : i32
        %lt3A_41 = arith.constant 0 : i32
        %lt3A_42 = arith.cmpi slt, %select_n3A, %lt3A_41 : i32
        %ne3A_43 = arith.xori %lt3A_40, %lt3A_42 : i1
        %and3A = arith.andi %ne3A_43, %ne3A_38 : i1
        %add3A_44 = arith.addi %rem3A, %select_n3A : i32
        %select_n3A_45 = arith.select %and3A, %add3A_44, %rem3A : i32
        %mul3A_46 = arith.constant 128 : i32
        %mul3A_47 = arith.muli %select_n3A_45, %mul3A_46 : i32
        %dma_wait3A = arith.constant 0 : i32
        %dma_wait3A_48 = arith.constant 0 : i32
        %dma_wait3A_49 = tpu.memref_slice %arg8[%mul3A_47, %dma_wait3A_48] : memref<256x128xf32, #tpu.memory_space<vmem>> -> memref<128x128xf32, #tpu.memory_space<vmem>>
        %dma_wait3A_50 = arith.constant 0 : i32
        %dma_wait3A_51 = tpu.memref_slice %arg6[%dma_wait3A, %dma_wait3A_50] : memref<40x128xi32, #tpu.memory_space<vmem>> -> memref<1x128xi32, #tpu.memory_space<vmem>>
        %dma_wait3A_52 = tpu.memref_squeeze %dma_wait3A_51 : memref<1x128xi32, #tpu.memory_space<vmem>> -> memref<128xi32, #tpu.memory_space<vmem>>
        %dma_wait3A_53 = arith.constant 0 : i32
        %dma_wait3A_54 = arith.constant 0 : i32
        %dma_wait3A_55 = tpu.memref_slice %arg2[%dma_wait3A_53, %dma_wait3A_54] : memref<10240x128xf32, #tpu.memory_space<hbm>> -> memref<10240x128xf32, #tpu.memory_space<hbm>>
        tpu.wait_indirect_dma semaphore(%arg10 : memref<!tpu.dma_semaphore, #tpu.memory_space<semaphore_mem>>) src(%dma_wait3A_55 : memref<10240x128xf32, #tpu.memory_space<hbm>>) dst(%dma_wait3A_49 : memref<128x128xf32, #tpu.memory_space<vmem>>)
        "tpu.region"() ({
          %run_scoped3A = tpu.sem_alloc : memref<!tpu.dma_semaphore, #tpu.memory_space<semaphore_mem>>
          %dma_start3A = arith.constant 0 : i32
          %dma_start3A_56 = tpu.memref_slice %arg8[%mul3A_47, %dma_start3A] : memref<256x128xf32, #tpu.memory_space<vmem>> -> memref<128x128xf32, #tpu.memory_space<vmem>>
          %dma_start3A_57 = arith.constant 0 : i32
          %dma_start3A_58 = tpu.memref_slice %arg7[%sub3A_35, %dma_start3A_57] : memref<40x128xi32, #tpu.memory_space<vmem>> -> memref<1x128xi32, #tpu.memory_space<vmem>>
          %dma_start3A_59 = tpu.memref_squeeze %dma_start3A_58 : memref<1x128xi32, #tpu.memory_space<vmem>> -> memref<128xi32, #tpu.memory_space<vmem>>
          %dma_start3A_60 = arith.constant 0 : i32
          %dma_start3A_61 = arith.constant 0 : i32
          %dma_start3A_62 = tpu.memref_slice %arg9[%dma_start3A_60, %dma_start3A_61] : memref<10240x128xf32, #tpu.memory_space<vmem_shared>> -> memref<10240x128xf32, #tpu.memory_space<vmem_shared>>
          tpu.enqueue_indirect_dma source(%dma_start3A_56 : memref<128x128xf32, #tpu.memory_space<vmem>>) target(%dma_start3A_62 : memref<10240x128xf32, #tpu.memory_space<vmem_shared>>) offsets(%dma_start3A_59 : memref<128xi32, #tpu.memory_space<vmem>>) semaphore(%run_scoped3A : memref<!tpu.dma_semaphore, #tpu.memory_space<semaphore_mem>>) {add = true}
          %dma_wait3A_63 = arith.constant 0 : i32
          %dma_wait3A_64 = tpu.memref_slice %arg8[%mul3A_47, %dma_wait3A_63] : memref<256x128xf32, #tpu.memory_space<vmem>> -> memref<128x128xf32, #tpu.memory_space<vmem>>
          %dma_wait3A_65 = arith.constant 0 : i32
          %dma_wait3A_66 = tpu.memref_slice %arg7[%sub3A_35, %dma_wait3A_65] : memref<40x128xi32, #tpu.memory_space<vmem>> -> memref<1x128xi32, #tpu.memory_space<vmem>>
          %dma_wait3A_67 = tpu.memref_squeeze %dma_wait3A_66 : memref<1x128xi32, #tpu.memory_space<vmem>> -> memref<128xi32, #tpu.memory_space<vmem>>
          %dma_wait3A_68 = arith.constant 0 : i32
          %dma_wait3A_69 = arith.constant 0 : i32
          %dma_wait3A_70 = tpu.memref_slice %arg9[%dma_wait3A_68, %dma_wait3A_69] : memref<10240x128xf32, #tpu.memory_space<vmem_shared>> -> memref<10240x128xf32, #tpu.memory_space<vmem_shared>>
          tpu.wait_indirect_dma semaphore(%run_scoped3A : memref<!tpu.dma_semaphore, #tpu.memory_space<semaphore_mem>>) src(%dma_wait3A_64 : memref<128x128xf32, #tpu.memory_space<vmem>>) dst(%dma_wait3A_70 : memref<10240x128xf32, #tpu.memory_space<vmem_shared>>)
          tpu.yield
        }) : () -> ()
      } else {
      }
    }
    %scan3A_18 = arith.constant 41 : i32
    %barrier3A_19 = arith.constant 0 : index
    tpu.barrier barrier_id(%barrier3A_19)
    %mul3A_20 = arith.constant 640 : i32
    %mul3A_21 = arith.muli %arg1, %mul3A_20 : i32
    %mul3A_22 = arith.constant 640 : i32
    %mul3A_23 = arith.muli %arg1, %mul3A_22 : i32
    "tpu.region"() ({
      %run_scoped3A = tpu.sem_alloc : memref<!tpu.dma_semaphore, #tpu.memory_space<semaphore_mem>>
      %dma_start3A = arith.constant 0 : i32
      %dma_start3A_24 = tpu.memref_slice %arg5[%arg0, %mul3A_23, %dma_start3A] : memref<2x10240x128xf32, #tpu.memory_space<hbm>> -> memref<1x640x128xf32, #tpu.memory_space<hbm>>
      %dma_start3A_25 = tpu.memref_squeeze %dma_start3A_24 : memref<1x640x128xf32, #tpu.memory_space<hbm>> -> memref<640x128xf32, #tpu.memory_space<hbm>>
      %dma_start3A_26 = arith.constant 0 : i32
      %dma_start3A_27 = tpu.memref_slice %arg9[%mul3A_21, %dma_start3A_26] : memref<10240x128xf32, #tpu.memory_space<vmem_shared>> -> memref<640x128xf32, #tpu.memory_space<vmem_shared>>
      tpu.enqueue_dma source(%dma_start3A_27 : memref<640x128xf32, #tpu.memory_space<vmem_shared>>) target(%dma_start3A_25 : memref<640x128xf32, #tpu.memory_space<hbm>>) target_semaphore(%run_scoped3A : memref<!tpu.dma_semaphore, #tpu.memory_space<semaphore_mem>>)
      %dma_wait3A = arith.constant 0 : i32
      %dma_wait3A_28 = tpu.memref_slice %arg5[%arg0, %mul3A_23, %dma_wait3A] : memref<2x10240x128xf32, #tpu.memory_space<hbm>> -> memref<1x640x128xf32, #tpu.memory_space<hbm>>
      %dma_wait3A_29 = tpu.memref_squeeze %dma_wait3A_28 : memref<1x640x128xf32, #tpu.memory_space<hbm>> -> memref<640x128xf32, #tpu.memory_space<hbm>>
      %dma_wait3A_30 = arith.constant 0 : i32
      %dma_wait3A_31 = tpu.memref_slice %arg9[%mul3A_21, %dma_wait3A_30] : memref<10240x128xf32, #tpu.memory_space<vmem_shared>> -> memref<640x128xf32, #tpu.memory_space<vmem_shared>>
      tpu.wait_dma2 semaphore(%run_scoped3A : memref<!tpu.dma_semaphore, #tpu.memory_space<semaphore_mem>>) src(%dma_wait3A_31 : memref<640x128xf32, #tpu.memory_space<vmem_shared>>) dst(%dma_wait3A_29 : memref<640x128xf32, #tpu.memory_space<hbm>>)
      tpu.yield
    }) : () -> ()
    return
  }
}

#map = affine_map<(d0, d1) -> (0, 0)>
#map1 = affine_map<(d0, d1) -> (0, 0, 0)>
module attributes {stable_mosaic.version = 14 : i64} {
  func.func @agg_kernel(%arg0: i32, %arg1: i32, %arg2: memref<10240x128xf32, #tpu.memory_space<hbm>>, %arg3: memref<1280x128xi32, #tpu.memory_space<hbm>>, %arg4: memref<1280x128xi32, #tpu.memory_space<hbm>>, %arg5: memref<2x10240x128xf32, #tpu.memory_space<hbm>>, %arg6: memref<40x128xi32, #tpu.memory_space<vmem>>, %arg7: memref<40x128xi32, #tpu.memory_space<vmem>>, %arg8: memref<256x128xf32, #tpu.memory_space<vmem>>, %arg9: memref<10240x128xf32, #tpu.memory_space<vmem_shared>>, %arg10: memref<!tpu.dma_semaphore, #tpu.memory_space<semaphore_mem>>) attributes {dimension_semantics = [#tpu.dimension_semantics<core_parallel>, #tpu.dimension_semantics<subcore_parallel>], iteration_bounds = array<i64: 2, 16>, scalar_prefetch = 0 : i64, scratch_operands = 5 : i64, tpu.core_type = #tpu.core_type<sc_vector_subcore>, window_params = [{transform_indices = #map}, {transform_indices = #map}, {transform_indices = #map}, {transform_indices = #map1}]} {
    %mul3A = arith.constant 2 : i32
    %mul3A_0 = arith.muli %arg1, %mul3A : i32
    %add3A = arith.addi %mul3A_0, %arg0 : i32
    %mul3A_1 = arith.constant 40 : i32
    %mul3A_2 = arith.muli %add3A, %mul3A_1 : i32
    "tpu.region"() ({
      %run_scoped3A = tpu.sem_alloc : memref<!tpu.dma_semaphore, #tpu.memory_space<semaphore_mem>>
      %dma_start3A = arith.constant 0 : i32
      %dma_start3A_24 = tpu.memref_slice %arg3[%mul3A_2, %dma_start3A] : memref<1280x128xi32, #tpu.memory_space<hbm>> -> memref<40x128xi32, #tpu.memory_space<hbm>>
      %dma_start3A_25 = arith.constant 0 : i32
      %dma_start3A_26 = tpu.memref_slice %arg3[%mul3A_2, %dma_start3A_25] : memref<1280x128xi32, #tpu.memory_space<hbm>> -> memref<40x128xi32, #tpu.memory_space<hbm>>
      tpu.enqueue_dma source(%dma_start3A_26 : memref<40x128xi32, #tpu.memory_space<hbm>>) target(%arg6 : memref<40x128xi32, #tpu.memory_space<vmem>>) target_semaphore(%run_scoped3A : memref<!tpu.dma_semaphore, #tpu.memory_space<semaphore_mem>>)
      %dma_wait3A = arith.constant 0 : i32
      %dma_wait3A_27 = tpu.memref_slice %arg3[%mul3A_2, %dma_wait3A] : memref<1280x128xi32, #tpu.memory_space<hbm>> -> memref<40x128xi32, #tpu.memory_space<hbm>>
      %dma_wait3A_28 = arith.constant 0 : i32
      %dma_wait3A_29 = tpu.memref_slice %arg3[%mul3A_2, %dma_wait3A_28] : memref<1280x128xi32, #tpu.memory_space<hbm>> -> memref<40x128xi32, #tpu.memory_space<hbm>>
      tpu.wait_dma2 semaphore(%run_scoped3A : memref<!tpu.dma_semaphore, #tpu.memory_space<semaphore_mem>>) src(%dma_wait3A_29 : memref<40x128xi32, #tpu.memory_space<hbm>>) dst(%arg6 : memref<40x128xi32, #tpu.memory_space<vmem>>)
      tpu.yield
    }) : () -> ()
    %mul3A_3 = arith.constant 40 : i32
    %mul3A_4 = arith.muli %add3A, %mul3A_3 : i32
    "tpu.region"() ({
      %run_scoped3A = tpu.sem_alloc : memref<!tpu.dma_semaphore, #tpu.memory_space<semaphore_mem>>
      %dma_start3A = arith.constant 0 : i32
      %dma_start3A_24 = tpu.memref_slice %arg4[%mul3A_4, %dma_start3A] : memref<1280x128xi32, #tpu.memory_space<hbm>> -> memref<40x128xi32, #tpu.memory_space<hbm>>
      %dma_start3A_25 = arith.constant 0 : i32
      %dma_start3A_26 = tpu.memref_slice %arg4[%mul3A_4, %dma_start3A_25] : memref<1280x128xi32, #tpu.memory_space<hbm>> -> memref<40x128xi32, #tpu.memory_space<hbm>>
      tpu.enqueue_dma source(%dma_start3A_26 : memref<40x128xi32, #tpu.memory_space<hbm>>) target(%arg7 : memref<40x128xi32, #tpu.memory_space<vmem>>) target_semaphore(%run_scoped3A : memref<!tpu.dma_semaphore, #tpu.memory_space<semaphore_mem>>)
      %dma_wait3A = arith.constant 0 : i32
      %dma_wait3A_27 = tpu.memref_slice %arg4[%mul3A_4, %dma_wait3A] : memref<1280x128xi32, #tpu.memory_space<hbm>> -> memref<40x128xi32, #tpu.memory_space<hbm>>
      %dma_wait3A_28 = arith.constant 0 : i32
      %dma_wait3A_29 = tpu.memref_slice %arg4[%mul3A_4, %dma_wait3A_28] : memref<1280x128xi32, #tpu.memory_space<hbm>> -> memref<40x128xi32, #tpu.memory_space<hbm>>
      tpu.wait_dma2 semaphore(%run_scoped3A : memref<!tpu.dma_semaphore, #tpu.memory_space<semaphore_mem>>) src(%dma_wait3A_29 : memref<40x128xi32, #tpu.memory_space<hbm>>) dst(%arg7 : memref<40x128xi32, #tpu.memory_space<vmem>>)
      tpu.yield
    }) : () -> ()
    %scan3A = arith.constant 0 : i32
    %scan3A_5 = arith.constant 128 : i32
    %scan3A_6 = arith.addi %scan3A, %scan3A_5 : i32
    %scan3A_7 = arith.constant 1 : i32
    scf.for %scan3A_24 = %scan3A to %scan3A_6 step %scan3A_7  : i32 {
      %mul3A_25 = arith.constant 1 : i32
      %mul3A_26 = arith.muli %scan3A_24, %mul3A_25 : i32
      %add3A_27 = arith.constant 0 : i32
      %add3A_28 = arith.addi %add3A_27, %mul3A_26 : i32
      %scan3A_29 = arith.constant 0 : i32
      %scan3A_30 = arith.constant 8 : i32
      %scan3A_31 = arith.addi %scan3A_29, %scan3A_30 : i32
      %scan3A_32 = arith.constant 1 : i32
      scf.for %scan3A_34 = %scan3A_29 to %scan3A_31 step %scan3A_32  : i32 {
        %mul3A_35 = arith.constant 1 : i32
        %mul3A_36 = arith.muli %scan3A_34, %mul3A_35 : i32
        %add3A_37 = arith.constant 0 : i32
        %add3A_38 = arith.addi %add3A_37, %mul3A_36 : i32
        %broadcast_in_dim3A = arith.constant 0.000000e+00 : f32
        %broadcast_in_dim3A_39 = vector.broadcast %broadcast_in_dim3A : f32 to vector<1x16xf32>
        %mul3A_40 = arith.constant 16 : i32
        %mul3A_41 = arith.muli %add3A_38, %mul3A_40 : i32
        %swap3A = arith.index_cast %add3A_28 : i32 to index
        %swap3A_42 = arith.index_cast %mul3A_41 : i32 to index
        %swap3A_43 = tpu.vector_load %arg8[%swap3A, %swap3A_42] {strides = array<i32>} : memref<256x128xf32, #tpu.memory_space<vmem>>, vector<1x16xf32>,
        %swap3A_44 = vector.shape_cast %swap3A_43 : vector<1x16xf32> to vector<1x16xf32>
        %swap3A_45 = vector.shape_cast %broadcast_in_dim3A_39 : vector<1x16xf32> to vector<1x16xf32>
        tpu.vector_store %arg8[%swap3A, %swap3A_42], %swap3A_45 {strides = array<i32>} : memref<256x128xf32, #tpu.memory_space<vmem>>, vector<1x16xf32>,
      }
      %scan3A_33 = arith.constant 8 : i32
    }
    %scan3A_8 = arith.constant 128 : i32
    %scan3A_9 = arith.constant 0 : i32
    %scan3A_10 = arith.constant 5 : i32
    %scan3A_11 = arith.addi %scan3A_9, %scan3A_10 : i32
    %scan3A_12 = arith.constant 1 : i32
    scf.for %scan3A_24 = %scan3A_9 to %scan3A_11 step %scan3A_12  : i32 {
      %mul3A_25 = arith.constant 1 : i32
      %mul3A_26 = arith.muli %scan3A_24, %mul3A_25 : i32
      %add3A_27 = arith.constant 0 : i32
      %add3A_28 = arith.addi %add3A_27, %mul3A_26 : i32
      %mul3A_29 = arith.constant 640 : i32
      %mul3A_30 = arith.muli %arg1, %mul3A_29 : i32
      %mul3A_31 = arith.constant 128 : i32
      %mul3A_32 = arith.muli %add3A_28, %mul3A_31 : i32
      %add3A_33 = arith.addi %mul3A_30, %mul3A_32 : i32
      "tpu.region"() ({
        %run_scoped3A = tpu.sem_alloc : memref<!tpu.dma_semaphore, #tpu.memory_space<semaphore_mem>>
        %dma_start3A = arith.constant 0 : i32
        %dma_start3A_34 = arith.constant 0 : i32
        %dma_start3A_35 = tpu.memref_slice %arg8[%dma_start3A, %dma_start3A_34] : memref<256x128xf32, #tpu.memory_space<vmem>> -> memref<128x128xf32, #tpu.memory_space<vmem>>
        %dma_start3A_36 = arith.constant 0 : i32
        %dma_start3A_37 = tpu.memref_slice %arg9[%add3A_33, %dma_start3A_36] : memref<10240x128xf32, #tpu.memory_space<vmem_shared>> -> memref<128x128xf32, #tpu.memory_space<vmem_shared>>
        %dma_start3A_38 = arith.constant 0 : i32
        %dma_start3A_39 = tpu.memref_slice %arg9[%add3A_33, %dma_start3A_38] : memref<10240x128xf32, #tpu.memory_space<vmem_shared>> -> memref<128x128xf32, #tpu.memory_space<vmem_shared>>
        %dma_start3A_40 = arith.constant 0 : i32
        %dma_start3A_41 = arith.constant 0 : i32
        %dma_start3A_42 = tpu.memref_slice %arg8[%dma_start3A_40, %dma_start3A_41] : memref<256x128xf32, #tpu.memory_space<vmem>> -> memref<128x128xf32, #tpu.memory_space<vmem>>
        tpu.enqueue_dma source(%dma_start3A_42 : memref<128x128xf32, #tpu.memory_space<vmem>>) target(%dma_start3A_39 : memref<128x128xf32, #tpu.memory_space<vmem_shared>>) target_semaphore(%run_scoped3A : memref<!tpu.dma_semaphore, #tpu.memory_space<semaphore_mem>>)
        %dma_wait3A = arith.constant 0 : i32
        %dma_wait3A_43 = arith.constant 0 : i32
        %dma_wait3A_44 = tpu.memref_slice %arg8[%dma_wait3A, %dma_wait3A_43] : memref<256x128xf32, #tpu.memory_space<vmem>> -> memref<128x128xf32, #tpu.memory_space<vmem>>
        %dma_wait3A_45 = arith.constant 0 : i32
        %dma_wait3A_46 = tpu.memref_slice %arg9[%add3A_33, %dma_wait3A_45] : memref<10240x128xf32, #tpu.memory_space<vmem_shared>> -> memref<128x128xf32, #tpu.memory_space<vmem_shared>>
        %dma_wait3A_47 = arith.constant 0 : i32
        %dma_wait3A_48 = tpu.memref_slice %arg9[%add3A_33, %dma_wait3A_47] : memref<10240x128xf32, #tpu.memory_space<vmem_shared>> -> memref<128x128xf32, #tpu.memory_space<vmem_shared>>
        %dma_wait3A_49 = arith.constant 0 : i32
        %dma_wait3A_50 = arith.constant 0 : i32
        %dma_wait3A_51 = tpu.memref_slice %arg8[%dma_wait3A_49, %dma_wait3A_50] : memref<256x128xf32, #tpu.memory_space<vmem>> -> memref<128x128xf32, #tpu.memory_space<vmem>>
        tpu.wait_dma2 semaphore(%run_scoped3A : memref<!tpu.dma_semaphore, #tpu.memory_space<semaphore_mem>>) src(%dma_wait3A_51 : memref<128x128xf32, #tpu.memory_space<vmem>>) dst(%dma_wait3A_48 : memref<128x128xf32, #tpu.memory_space<vmem_shared>>)
        tpu.yield
      }) : () -> ()
    }
    %scan3A_13 = arith.constant 5 : i32
    %barrier3A = arith.constant 0 : index
    tpu.barrier barrier_id(%barrier3A)
    %scan3A_14 = arith.constant 0 : i32
    %scan3A_15 = arith.constant 41 : i32
    %scan3A_16 = arith.addi %scan3A_14, %scan3A_15 : i32
    %scan3A_17 = arith.constant 1 : i32
    scf.for %scan3A_24 = %scan3A_14 to %scan3A_16 step %scan3A_17  : i32 {
      %mul3A_25 = arith.constant 1 : i32
      %mul3A_26 = arith.muli %scan3A_24, %mul3A_25 : i32
      %add3A_27 = arith.constant 0 : i32
      %add3A_28 = arith.addi %add3A_27, %mul3A_26 : i32
      %lt3A = arith.constant 40 : i32
      %lt3A_29 = arith.cmpi slt, %add3A_28, %lt3A : i32
      %convert_element_type3A = arith.extui %lt3A_29 : i1 to i32
      %cond3A = arith.constant 0 : i32
      %cond3A_30 = arith.cmpi ne, %convert_element_type3A, %cond3A : i32
      scf.if %cond3A_30 {
        %jit3A = arith.constant 2 : i32
        %eq3A = arith.constant 0 : i32
        %eq3A_35 = arith.cmpi eq, %jit3A, %eq3A : i32
        %jit3A_36 = arith.constant 1 : i32
        %select_n3A = arith.select %eq3A_35, %jit3A_36, %jit3A : i32
        %rem3A = arith.remsi %add3A_28, %select_n3A : i32
        %ne3A = arith.constant 0 : i32
        %ne3A_37 = arith.cmpi ne, %rem3A, %ne3A : i32
        %lt3A_38 = arith.constant 0 : i32
        %lt3A_39 = arith.cmpi slt, %rem3A, %lt3A_38 : i32
        %lt3A_40 = arith.constant 0 : i32
        %lt3A_41 = arith.cmpi slt, %select_n3A, %lt3A_40 : i32
        %ne3A_42 = arith.xori %lt3A_39, %lt3A_41 : i1
        %and3A = arith.andi %ne3A_42, %ne3A_37 : i1
        %add3A_43 = arith.addi %rem3A, %select_n3A : i32
        %select_n3A_44 = arith.select %and3A, %add3A_43, %rem3A : i32
        %mul3A_45 = arith.constant 128 : i32
        %mul3A_46 = arith.muli %select_n3A_44, %mul3A_45 : i32
        %dma_start3A = arith.constant 0 : i32
        %dma_start3A_47 = tpu.memref_slice %arg8[%mul3A_46, %dma_start3A] : memref<256x128xf32, #tpu.memory_space<vmem>> -> memref<128x128xf32, #tpu.memory_space<vmem>>
        %dma_start3A_48 = arith.constant 0 : i32
        %dma_start3A_49 = tpu.memref_slice %arg6[%add3A_28, %dma_start3A_48] : memref<40x128xi32, #tpu.memory_space<vmem>> -> memref<1x128xi32, #tpu.memory_space<vmem>>
        %dma_start3A_50 = tpu.memref_squeeze %dma_start3A_49 : memref<1x128xi32, #tpu.memory_space<vmem>> -> memref<128xi32, #tpu.memory_space<vmem>>
        %dma_start3A_51 = arith.constant 0 : i32
        %dma_start3A_52 = arith.constant 0 : i32
        %dma_start3A_53 = tpu.memref_slice %arg2[%dma_start3A_51, %dma_start3A_52] : memref<10240x128xf32, #tpu.memory_space<hbm>> -> memref<10240x128xf32, #tpu.memory_space<hbm>>
        tpu.enqueue_indirect_dma source(%dma_start3A_53 : memref<10240x128xf32, #tpu.memory_space<hbm>>) target(%dma_start3A_47 : memref<128x128xf32, #tpu.memory_space<vmem>>) offsets(%dma_start3A_50 : memref<128xi32, #tpu.memory_space<vmem>>) semaphore(%arg10 : memref<!tpu.dma_semaphore, #tpu.memory_space<semaphore_mem>>)
      } else {
      }
      %ge3A = arith.constant 1 : i32
      %ge3A_31 = arith.cmpi sge, %add3A_28, %ge3A : i32
      %convert_element_type3A_32 = arith.extui %ge3A_31 : i1 to i32
      %cond3A_33 = arith.constant 0 : i32
      %cond3A_34 = arith.cmpi ne, %convert_element_type3A_32, %cond3A_33 : i32
      scf.if %cond3A_34 {
        %sub3A = arith.constant 1 : i32
        %sub3A_35 = arith.subi %add3A_28, %sub3A : i32
        %jit3A = arith.constant 2 : i32
        %eq3A = arith.constant 0 : i32
        %eq3A_36 = arith.cmpi eq, %jit3A, %eq3A : i32
        %jit3A_37 = arith.constant 1 : i32
        %select_n3A = arith.select %eq3A_36, %jit3A_37, %jit3A : i32
        %rem3A = arith.remsi %sub3A_35, %select_n3A : i32
        %ne3A = arith.constant 0 : i32
        %ne3A_38 = arith.cmpi ne, %rem3A, %ne3A : i32
        %lt3A_39 = arith.constant 0 : i32
        %lt3A_40 = arith.cmpi slt, %rem3A, %lt3A_39 : i32
        %lt3A_41 = arith.constant 0 : i32
        %lt3A_42 = arith.cmpi slt, %select_n3A, %lt3A_41 : i32
        %ne3A_43 = arith.xori %lt3A_40, %lt3A_42 : i1
        %and3A = arith.andi %ne3A_43, %ne3A_38 : i1
        %add3A_44 = arith.addi %rem3A, %select_n3A : i32
        %select_n3A_45 = arith.select %and3A, %add3A_44, %rem3A : i32
        %mul3A_46 = arith.constant 128 : i32
        %mul3A_47 = arith.muli %select_n3A_45, %mul3A_46 : i32
        %dma_wait3A = arith.constant 0 : i32
        %dma_wait3A_48 = arith.constant 0 : i32
        %dma_wait3A_49 = tpu.memref_slice %arg8[%mul3A_47, %dma_wait3A_48] : memref<256x128xf32, #tpu.memory_space<vmem>> -> memref<128x128xf32, #tpu.memory_space<vmem>>
        %dma_wait3A_50 = arith.constant 0 : i32
        %dma_wait3A_51 = tpu.memref_slice %arg6[%dma_wait3A, %dma_wait3A_50] : memref<40x128xi32, #tpu.memory_space<vmem>> -> memref<1x128xi32, #tpu.memory_space<vmem>>
        %dma_wait3A_52 = tpu.memref_squeeze %dma_wait3A_51 : memref<1x128xi32, #tpu.memory_space<vmem>> -> memref<128xi32, #tpu.memory_space<vmem>>
        %dma_wait3A_53 = arith.constant 0 : i32
        %dma_wait3A_54 = arith.constant 0 : i32
        %dma_wait3A_55 = tpu.memref_slice %arg2[%dma_wait3A_53, %dma_wait3A_54] : memref<10240x128xf32, #tpu.memory_space<hbm>> -> memref<10240x128xf32, #tpu.memory_space<hbm>>
        tpu.wait_indirect_dma semaphore(%arg10 : memref<!tpu.dma_semaphore, #tpu.memory_space<semaphore_mem>>) src(%dma_wait3A_55 : memref<10240x128xf32, #tpu.memory_space<hbm>>) dst(%dma_wait3A_49 : memref<128x128xf32, #tpu.memory_space<vmem>>)
        "tpu.region"() ({
          %run_scoped3A = tpu.sem_alloc : memref<!tpu.dma_semaphore, #tpu.memory_space<semaphore_mem>>
          %dma_start3A = arith.constant 0 : i32
          %dma_start3A_56 = tpu.memref_slice %arg8[%mul3A_47, %dma_start3A] : memref<256x128xf32, #tpu.memory_space<vmem>> -> memref<128x128xf32, #tpu.memory_space<vmem>>
          %dma_start3A_57 = arith.constant 0 : i32
          %dma_start3A_58 = tpu.memref_slice %arg7[%sub3A_35, %dma_start3A_57] : memref<40x128xi32, #tpu.memory_space<vmem>> -> memref<1x128xi32, #tpu.memory_space<vmem>>
          %dma_start3A_59 = tpu.memref_squeeze %dma_start3A_58 : memref<1x128xi32, #tpu.memory_space<vmem>> -> memref<128xi32, #tpu.memory_space<vmem>>
          %dma_start3A_60 = arith.constant 0 : i32
          %dma_start3A_61 = arith.constant 0 : i32
          %dma_start3A_62 = tpu.memref_slice %arg9[%dma_start3A_60, %dma_start3A_61] : memref<10240x128xf32, #tpu.memory_space<vmem_shared>> -> memref<10240x128xf32, #tpu.memory_space<vmem_shared>>
          tpu.enqueue_indirect_dma source(%dma_start3A_56 : memref<128x128xf32, #tpu.memory_space<vmem>>) target(%dma_start3A_62 : memref<10240x128xf32, #tpu.memory_space<vmem_shared>>) offsets(%dma_start3A_59 : memref<128xi32, #tpu.memory_space<vmem>>) semaphore(%run_scoped3A : memref<!tpu.dma_semaphore, #tpu.memory_space<semaphore_mem>>) {add = true}
          %dma_wait3A_63 = arith.constant 0 : i32
          %dma_wait3A_64 = tpu.memref_slice %arg8[%mul3A_47, %dma_wait3A_63] : memref<256x128xf32, #tpu.memory_space<vmem>> -> memref<128x128xf32, #tpu.memory_space<vmem>>
          %dma_wait3A_65 = arith.constant 0 : i32
          %dma_wait3A_66 = tpu.memref_slice %arg7[%sub3A_35, %dma_wait3A_65] : memref<40x128xi32, #tpu.memory_space<vmem>> -> memref<1x128xi32, #tpu.memory_space<vmem>>
          %dma_wait3A_67 = tpu.memref_squeeze %dma_wait3A_66 : memref<1x128xi32, #tpu.memory_space<vmem>> -> memref<128xi32, #tpu.memory_space<vmem>>
          %dma_wait3A_68 = arith.constant 0 : i32
          %dma_wait3A_69 = arith.constant 0 : i32
          %dma_wait3A_70 = tpu.memref_slice %arg9[%dma_wait3A_68, %dma_wait3A_69] : memref<10240x128xf32, #tpu.memory_space<vmem_shared>> -> memref<10240x128xf32, #tpu.memory_space<vmem_shared>>
          tpu.wait_indirect_dma semaphore(%run_scoped3A : memref<!tpu.dma_semaphore, #tpu.memory_space<semaphore_mem>>) src(%dma_wait3A_64 : memref<128x128xf32, #tpu.memory_space<vmem>>) dst(%dma_wait3A_70 : memref<10240x128xf32, #tpu.memory_space<vmem_shared>>)
          tpu.yield
        }) : () -> ()
      } else {
      }
    }
    %scan3A_18 = arith.constant 41 : i32
    %barrier3A_19 = arith.constant 0 : index
    tpu.barrier barrier_id(%barrier3A_19)
    %mul3A_20 = arith.constant 640 : i32
    %mul3A_21 = arith.muli %arg1, %mul3A_20 : i32
    %mul3A_22 = arith.constant 640 : i32
    %mul3A_23 = arith.muli %arg1, %mul3A_22 : i32
    "tpu.region"() ({
      %run_scoped3A = tpu.sem_alloc : memref<!tpu.dma_semaphore, #tpu.memory_space<semaphore_mem>>
      %dma_start3A = arith.constant 0 : i32
      %dma_start3A_24 = tpu.memref_slice %arg5[%arg0, %mul3A_23, %dma_start3A] : memref<2x10240x128xf32, #tpu.memory_space<hbm>> -> memref<1x640x128xf32, #tpu.memory_space<hbm>>
      %dma_start3A_25 = tpu.memref_squeeze %dma_start3A_24 : memref<1x640x128xf32, #tpu.memory_space<hbm>> -> memref<640x128xf32, #tpu.memory_space<hbm>>
      %dma_start3A_26 = arith.constant 0 : i32
      %dma_start3A_27 = tpu.memref_slice %arg9[%mul3A_21, %dma_start3A_26] : memref<10240x128xf32, #tpu.memory_space<vmem_shared>> -> memref<640x128xf32, #tpu.memory_space<vmem_shared>>
      tpu.enqueue_dma source(%dma_start3A_27 : memref<640x128xf32, #tpu.memory_space<vmem_shared>>) target(%dma_start3A_25 : memref<640x128xf32, #tpu.memory_space<hbm>>) target_semaphore(%run_scoped3A : memref<!tpu.dma_semaphore, #tpu.memory_space<semaphore_mem>>)
      %dma_wait3A = arith.constant 0 : i32
      %dma_wait3A_28 = tpu.memref_slice %arg5[%arg0, %mul3A_23, %dma_wait3A] : memref<2x10240x128xf32, #tpu.memory_space<hbm>> -> memref<1x640x128xf32, #tpu.memory_space<hbm>>
      %dma_wait3A_29 = tpu.memref_squeeze %dma_wait3A_28 : memref<1x640x128xf32, #tpu.memory_space<hbm>> -> memref<640x128xf32, #tpu.memory_space<hbm>>
      %dma_wait3A_30 = arith.constant 0 : i32
      %dma_wait3A_31 = tpu.memref_slice %arg9[%mul3A_21, %dma_wait3A_30] : memref<10240x128xf32, #tpu.memory_space<vmem_shared>> -> memref<640x128xf32, #tpu.memory_space<vmem_shared>>
      tpu.wait_dma2 semaphore(%run_scoped3A : memref<!tpu.dma_semaphore, #tpu.memory_space<semaphore_mem>>) src(%dma_wait3A_31 : memref<640x128xf32, #tpu.memory_space<vmem_shared>>) dst(%dma_wait3A_29 : memref<640x128xf32, #tpu.memory_space<hbm>>)
      tpu.yield
    }) : () -> ()
    return
  }
}

module attributes {stable_mosaic.version = 14 : i64} {
  func.func @_mm1_body(%arg0: i32, %arg1: memref<1024x128xf32, #tpu.memory_space<vmem>>, %arg2: memref<128x128xf32, #tpu.memory_space<vmem>>, %arg3: memref<2x1024xf32, #tpu.memory_space<vmem>>, %arg4: memref<1024x128xf32, #tpu.memory_space<vmem>>) attributes {dimension_semantics = [#tpu.dimension_semantics<arbitrary>], iteration_bounds = array<i64: 10>, scalar_prefetch = 0 : i64, scratch_operands = 0 : i64, tpu.core_type = #tpu.core_type<tc>, window_params = [{transform_indices = @transform_0, window_bounds = array<i64: 1024, 128>}, {pipeline_mode = #tpu.pipeline_mode<synchronous>, transform_indices = @transform_1, window_bounds = array<i64: 128, 128>}, {transform_indices = @transform_2, window_bounds = array<i64: 2, 1024>}, {transform_indices = @transform_3, window_bounds = array<i64: 1024, 128>}]} {
    %get3A = arith.constant 0 : index
    %get3A_0 = arith.constant 0 : index
    %get3A_1 = vector.load %arg1[%get3A, %get3A_0] : memref<1024x128xf32, #tpu.memory_space<vmem>>, vector<1024x128xf32>
    %get3A_2 = arith.constant 0 : index
    %get3A_3 = arith.constant 0 : index
    %get3A_4 = vector.load %arg2[%get3A_2, %get3A_3] : memref<128x128xf32, #tpu.memory_space<vmem>>, vector<128x128xf32>
    %dot_general3A = arith.constant dense<0.000000e+00> : vector<1024x128xf32>
    %dot_general3A_5 = tpu.matmul %get3A_1, %get3A_4, %dot_general3A {dimension_numbers = #tpu.dot_dimension_numbers<[1], [0], [0], [1], [0, 0, 1, 1], [], []>, transpose_lhs_hint = false} : vector<1024x128xf32>, vector<128x128xf32>, vector<1024x128xf32> -> vector<1024x128xf32>
    %get3A_6 = arith.constant 0 : index
    %get3A_7 = arith.constant 0 : index
    %get3A_8 = vector.load %arg3[%get3A_6, %get3A_7] : memref<2x1024xf32, #tpu.memory_space<vmem>>, vector<1x1024xf32>
    %get3A_9 = vector.shape_cast %get3A_8 : vector<1x1024xf32> to vector<1024xf32>
    %get3A_10 = arith.constant 1 : index
    %get3A_11 = arith.constant 0 : index
    %get3A_12 = vector.load %arg3[%get3A_10, %get3A_11] : memref<2x1024xf32, #tpu.memory_space<vmem>>, vector<1x1024xf32>
    %get3A_13 = vector.shape_cast %get3A_12 : vector<1x1024xf32> to vector<1024xf32>
    %add3A = arith.addf %get3A_9, %get3A_13 : vector<1024xf32>
    %gt3A = arith.constant 0.000000e+00 : f32
    %gt3A_14 = vector.broadcast %gt3A : f32 to vector<1024xf32>
    %gt3A_15 = arith.cmpf ogt, %add3A, %gt3A_14 : vector<1024xf32>
    %max3A = arith.constant 1.000000e+00 : f32
    %max3A_16 = vector.broadcast %max3A : f32 to vector<1024xf32>
    %max3A_17 = arith.maximumf %add3A, %max3A_16 : vector<1024xf32>
    %rsqrt3A = math.rsqrt %max3A_17 : vector<1024xf32>
    %jit3A = arith.constant 0.000000e+00 : f32
    %broadcast_in_dim3A = vector.broadcast %jit3A : f32 to vector<1024xf32>
    %select_n3A = arith.select %gt3A_15, %rsqrt3A, %broadcast_in_dim3A : vector<1024xi1>, vector<1024xf32>
    %reshape3A = vector.shape_cast %select_n3A : vector<1024xf32> to vector<1024x1xf32>
    %mul3A = vector.broadcast %reshape3A : vector<1024x1xf32> to vector<1024x128xf32>
    %mul3A_18 = arith.mulf %dot_general3A_5, %mul3A : vector<1024x128xf32>
    %swap3A = arith.constant 0 : index
    %swap3A_19 = arith.constant 0 : index
    %swap3A_20 = vector.load %arg4[%swap3A, %swap3A_19] : memref<1024x128xf32, #tpu.memory_space<vmem>>, vector<1024x128xf32>
    tpu.vector_store %arg4[%swap3A, %swap3A_19], %mul3A_18 {strides = array<i32>} : memref<1024x128xf32, #tpu.memory_space<vmem>>, vector<1024x128xf32>,
    return
  }
  func.func @transform_0(%arg0: i32) -> (i32, i32) {
    %c0_i32 = arith.constant 0 : i32
    %c0_i32_0 = arith.constant 0 : i32
    return %arg0, %c0_i32 : i32, i32
  }
  func.func @transform_1(%arg0: i32) -> (i32, i32) {
    %c0_i32 = arith.constant 0 : i32
    %c0_i32_0 = arith.constant 0 : i32
    %c0_i32_1 = arith.constant 0 : i32
    return %c0_i32, %c0_i32_0 : i32, i32
  }
  func.func @transform_2(%arg0: i32) -> (i32, i32) {
    %c0_i32 = arith.constant 0 : i32
    %c0_i32_0 = arith.constant 0 : i32
    return %c0_i32, %arg0 : i32, i32
  }
  func.func @transform_3(%arg0: i32) -> (i32, i32) {
    %c0_i32 = arith.constant 0 : i32
    %c0_i32_0 = arith.constant 0 : i32
    return %arg0, %c0_i32 : i32, i32
  }
}

module attributes {stable_mosaic.version = 14 : i64} {
  func.func @_mm2_body(%arg0: i32, %arg1: memref<2x1024x128xf32, #tpu.memory_space<vmem>>, %arg2: memref<2x1024x128xf32, #tpu.memory_space<vmem>>, %arg3: memref<2x1024xf32, #tpu.memory_space<vmem>>, %arg4: memref<1x128xf32, #tpu.memory_space<vmem>>, %arg5: memref<128x128xf32, #tpu.memory_space<vmem>>, %arg6: memref<2x1024xf32, #tpu.memory_space<vmem>>, %arg7: memref<1024x128xf32, #tpu.memory_space<vmem>>) attributes {dimension_semantics = [#tpu.dimension_semantics<arbitrary>], iteration_bounds = array<i64: 10>, scalar_prefetch = 0 : i64, scratch_operands = 0 : i64, tpu.core_type = #tpu.core_type<tc>, window_params = [{transform_indices = @transform_0, window_bounds = array<i64: 2, 1024, 128>}, {transform_indices = @transform_1, window_bounds = array<i64: 2, 1024, 128>}, {transform_indices = @transform_2, window_bounds = array<i64: 2, 1024>}, {pipeline_mode = #tpu.pipeline_mode<synchronous>, transform_indices = @transform_3, window_bounds = array<i64: 1, 128>}, {pipeline_mode = #tpu.pipeline_mode<synchronous>, transform_indices = @transform_4, window_bounds = array<i64: 128, 128>}, {transform_indices = @transform_5, window_bounds = array<i64: 2, 1024>}, {transform_indices = @transform_6, window_bounds = array<i64: 1024, 128>}]} {
    %get3A = arith.constant 0 : index
    %get3A_0 = arith.constant 0 : index
    %get3A_1 = arith.constant 0 : index
    %get3A_2 = vector.load %arg1[%get3A, %get3A_0, %get3A_1] : memref<2x1024x128xf32, #tpu.memory_space<vmem>>, vector<1x1024x128xf32>
    %get3A_3 = vector.shape_cast %get3A_2 : vector<1x1024x128xf32> to vector<1024x128xf32>
    %get3A_4 = arith.constant 1 : index
    %get3A_5 = arith.constant 0 : index
    %get3A_6 = arith.constant 0 : index
    %get3A_7 = vector.load %arg1[%get3A_4, %get3A_5, %get3A_6] : memref<2x1024x128xf32, #tpu.memory_space<vmem>>, vector<1x1024x128xf32>
    %get3A_8 = vector.shape_cast %get3A_7 : vector<1x1024x128xf32> to vector<1024x128xf32>
    %add3A = arith.addf %get3A_3, %get3A_8 : vector<1024x128xf32>
    %get3A_9 = arith.constant 0 : index
    %get3A_10 = arith.constant 0 : index
    %get3A_11 = arith.constant 0 : index
    %get3A_12 = vector.load %arg2[%get3A_9, %get3A_10, %get3A_11] : memref<2x1024x128xf32, #tpu.memory_space<vmem>>, vector<1x1024x128xf32>
    %get3A_13 = vector.shape_cast %get3A_12 : vector<1x1024x128xf32> to vector<1024x128xf32>
    %add3A_14 = arith.addf %add3A, %get3A_13 : vector<1024x128xf32>
    %get3A_15 = arith.constant 1 : index
    %get3A_16 = arith.constant 0 : index
    %get3A_17 = arith.constant 0 : index
    %get3A_18 = vector.load %arg2[%get3A_15, %get3A_16, %get3A_17] : memref<2x1024x128xf32, #tpu.memory_space<vmem>>, vector<1x1024x128xf32>
    %get3A_19 = vector.shape_cast %get3A_18 : vector<1x1024x128xf32> to vector<1024x128xf32>
    %add3A_20 = arith.addf %add3A_14, %get3A_19 : vector<1024x128xf32>
    %get3A_21 = arith.constant 0 : index
    %get3A_22 = arith.constant 0 : index
    %get3A_23 = vector.load %arg3[%get3A_21, %get3A_22] : memref<2x1024xf32, #tpu.memory_space<vmem>>, vector<1x1024xf32>
    %get3A_24 = vector.shape_cast %get3A_23 : vector<1x1024xf32> to vector<1024xf32>
    %get3A_25 = arith.constant 1 : index
    %get3A_26 = arith.constant 0 : index
    %get3A_27 = vector.load %arg3[%get3A_25, %get3A_26] : memref<2x1024xf32, #tpu.memory_space<vmem>>, vector<1x1024xf32>
    %get3A_28 = vector.shape_cast %get3A_27 : vector<1x1024xf32> to vector<1024xf32>
    %add3A_29 = arith.addf %get3A_24, %get3A_28 : vector<1024xf32>
    %gt3A = arith.constant 0.000000e+00 : f32
    %gt3A_30 = vector.broadcast %gt3A : f32 to vector<1024xf32>
    %gt3A_31 = arith.cmpf ogt, %add3A_29, %gt3A_30 : vector<1024xf32>
    %max3A = arith.constant 1.000000e+00 : f32
    %max3A_32 = vector.broadcast %max3A : f32 to vector<1024xf32>
    %max3A_33 = arith.maximumf %add3A_29, %max3A_32 : vector<1024xf32>
    %rsqrt3A = math.rsqrt %max3A_33 : vector<1024xf32>
    %jit3A = arith.constant 0.000000e+00 : f32
    %broadcast_in_dim3A = vector.broadcast %jit3A : f32 to vector<1024xf32>
    %select_n3A = arith.select %gt3A_31, %rsqrt3A, %broadcast_in_dim3A : vector<1024xi1>, vector<1024xf32>
    %reshape3A = vector.shape_cast %select_n3A : vector<1024xf32> to vector<1024x1xf32>
    %mul3A = vector.broadcast %reshape3A : vector<1024x1xf32> to vector<1024x128xf32>
    %mul3A_34 = arith.mulf %add3A_20, %mul3A : vector<1024x128xf32>
    %get3A_35 = arith.constant 0 : index
    %get3A_36 = arith.constant 0 : index
    %get3A_37 = vector.load %arg4[%get3A_35, %get3A_36] : memref<1x128xf32, #tpu.memory_space<vmem>>, vector<1x128xf32>
    %add3A_38 = vector.broadcast %get3A_37 : vector<1x128xf32> to vector<1024x128xf32>
    %add3A_39 = arith.addf %mul3A_34, %add3A_38 : vector<1024x128xf32>
    %max3A_40 = arith.constant 0.000000e+00 : f32
    %max3A_41 = vector.broadcast %max3A_40 : f32 to vector<1024x128xf32>
    %max3A_42 = arith.maximumf %add3A_39, %max3A_41 : vector<1024x128xf32>
    %get3A_43 = arith.constant 0 : index
    %get3A_44 = arith.constant 0 : index
    %get3A_45 = vector.load %arg5[%get3A_43, %get3A_44] : memref<128x128xf32, #tpu.memory_space<vmem>>, vector<128x128xf32>
    %dot_general3A = arith.constant dense<0.000000e+00> : vector<1024x128xf32>
    %dot_general3A_46 = tpu.matmul %max3A_42, %get3A_45, %dot_general3A {dimension_numbers = #tpu.dot_dimension_numbers<[1], [0], [0], [1], [0, 0, 1, 1], [], []>, transpose_lhs_hint = false} : vector<1024x128xf32>, vector<128x128xf32>, vector<1024x128xf32> -> vector<1024x128xf32>
    %get3A_47 = arith.constant 0 : index
    %get3A_48 = arith.constant 0 : index
    %get3A_49 = vector.load %arg6[%get3A_47, %get3A_48] : memref<2x1024xf32, #tpu.memory_space<vmem>>, vector<1x1024xf32>
    %get3A_50 = vector.shape_cast %get3A_49 : vector<1x1024xf32> to vector<1024xf32>
    %get3A_51 = arith.constant 1 : index
    %get3A_52 = arith.constant 0 : index
    %get3A_53 = vector.load %arg6[%get3A_51, %get3A_52] : memref<2x1024xf32, #tpu.memory_space<vmem>>, vector<1x1024xf32>
    %get3A_54 = vector.shape_cast %get3A_53 : vector<1x1024xf32> to vector<1024xf32>
    %add3A_55 = arith.addf %get3A_50, %get3A_54 : vector<1024xf32>
    %gt3A_56 = arith.constant 0.000000e+00 : f32
    %gt3A_57 = vector.broadcast %gt3A_56 : f32 to vector<1024xf32>
    %gt3A_58 = arith.cmpf ogt, %add3A_55, %gt3A_57 : vector<1024xf32>
    %max3A_59 = arith.constant 1.000000e+00 : f32
    %max3A_60 = vector.broadcast %max3A_59 : f32 to vector<1024xf32>
    %max3A_61 = arith.maximumf %add3A_55, %max3A_60 : vector<1024xf32>
    %rsqrt3A_62 = math.rsqrt %max3A_61 : vector<1024xf32>
    %jit3A_63 = arith.constant 0.000000e+00 : f32
    %broadcast_in_dim3A_64 = vector.broadcast %jit3A_63 : f32 to vector<1024xf32>
    %select_n3A_65 = arith.select %gt3A_58, %rsqrt3A_62, %broadcast_in_dim3A_64 : vector<1024xi1>, vector<1024xf32>
    %reshape3A_66 = vector.shape_cast %select_n3A_65 : vector<1024xf32> to vector<1024x1xf32>
    %mul3A_67 = vector.broadcast %reshape3A_66 : vector<1024x1xf32> to vector<1024x128xf32>
    %mul3A_68 = arith.mulf %dot_general3A_46, %mul3A_67 : vector<1024x128xf32>
    %swap3A = arith.constant 0 : index
    %swap3A_69 = arith.constant 0 : index
    %swap3A_70 = vector.load %arg7[%swap3A, %swap3A_69] : memref<1024x128xf32, #tpu.memory_space<vmem>>, vector<1024x128xf32>
    tpu.vector_store %arg7[%swap3A, %swap3A_69], %mul3A_68 {strides = array<i32>} : memref<1024x128xf32, #tpu.memory_space<vmem>>, vector<1024x128xf32>,
    return
  }
  func.func @transform_0(%arg0: i32) -> (i32, i32, i32) {
    %c0_i32 = arith.constant 0 : i32
    %c0_i32_0 = arith.constant 0 : i32
    %c0_i32_1 = arith.constant 0 : i32
    return %c0_i32, %arg0, %c0_i32_0 : i32, i32, i32
  }
  func.func @transform_1(%arg0: i32) -> (i32, i32, i32) {
    %c0_i32 = arith.constant 0 : i32
    %c0_i32_0 = arith.constant 0 : i32
    %c0_i32_1 = arith.constant 0 : i32
    return %c0_i32, %arg0, %c0_i32_0 : i32, i32, i32
  }
  func.func @transform_2(%arg0: i32) -> (i32, i32) {
    %c0_i32 = arith.constant 0 : i32
    %c0_i32_0 = arith.constant 0 : i32
    return %c0_i32, %arg0 : i32, i32
  }
  func.func @transform_3(%arg0: i32) -> (i32, i32) {
    %c0_i32 = arith.constant 0 : i32
    %c0_i32_0 = arith.constant 0 : i32
    %c0_i32_1 = arith.constant 0 : i32
    return %c0_i32, %c0_i32_0 : i32, i32
  }
  func.func @transform_4(%arg0: i32) -> (i32, i32) {
    %c0_i32 = arith.constant 0 : i32
    %c0_i32_0 = arith.constant 0 : i32
    %c0_i32_1 = arith.constant 0 : i32
    return %c0_i32, %c0_i32_0 : i32, i32
  }
  func.func @transform_5(%arg0: i32) -> (i32, i32) {
    %c0_i32 = arith.constant 0 : i32
    %c0_i32_0 = arith.constant 0 : i32
    return %c0_i32, %arg0 : i32, i32
  }
  func.func @transform_6(%arg0: i32) -> (i32, i32) {
    %c0_i32 = arith.constant 0 : i32
    %c0_i32_0 = arith.constant 0 : i32
    return %arg0, %c0_i32 : i32, i32
  }
}

module attributes {stable_mosaic.version = 14 : i64} {
  func.func @_fin_body(%arg0: i32, %arg1: memref<2x1024x128xf32, #tpu.memory_space<vmem>>, %arg2: memref<2x1024x128xf32, #tpu.memory_space<vmem>>, %arg3: memref<2x1024xf32, #tpu.memory_space<vmem>>, %arg4: memref<1x128xf32, #tpu.memory_space<vmem>>, %arg5: memref<1024x128xf32, #tpu.memory_space<vmem>>) attributes {dimension_semantics = [#tpu.dimension_semantics<arbitrary>], iteration_bounds = array<i64: 10>, scalar_prefetch = 0 : i64, scratch_operands = 0 : i64, tpu.core_type = #tpu.core_type<tc>, window_params = [{transform_indices = @transform_0, window_bounds = array<i64: 2, 1024, 128>}, {transform_indices = @transform_1, window_bounds = array<i64: 2, 1024, 128>}, {transform_indices = @transform_2, window_bounds = array<i64: 2, 1024>}, {pipeline_mode = #tpu.pipeline_mode<synchronous>, transform_indices = @transform_3, window_bounds = array<i64: 1, 128>}, {transform_indices = @transform_4, window_bounds = array<i64: 1024, 128>}]} {
    %get3A = arith.constant 0 : index
    %get3A_0 = arith.constant 0 : index
    %get3A_1 = arith.constant 0 : index
    %get3A_2 = vector.load %arg1[%get3A, %get3A_0, %get3A_1] : memref<2x1024x128xf32, #tpu.memory_space<vmem>>, vector<1x1024x128xf32>
    %get3A_3 = vector.shape_cast %get3A_2 : vector<1x1024x128xf32> to vector<1024x128xf32>
    %get3A_4 = arith.constant 1 : index
    %get3A_5 = arith.constant 0 : index
    %get3A_6 = arith.constant 0 : index
    %get3A_7 = vector.load %arg1[%get3A_4, %get3A_5, %get3A_6] : memref<2x1024x128xf32, #tpu.memory_space<vmem>>, vector<1x1024x128xf32>
    %get3A_8 = vector.shape_cast %get3A_7 : vector<1x1024x128xf32> to vector<1024x128xf32>
    %add3A = arith.addf %get3A_3, %get3A_8 : vector<1024x128xf32>
    %get3A_9 = arith.constant 0 : index
    %get3A_10 = arith.constant 0 : index
    %get3A_11 = arith.constant 0 : index
    %get3A_12 = vector.load %arg2[%get3A_9, %get3A_10, %get3A_11] : memref<2x1024x128xf32, #tpu.memory_space<vmem>>, vector<1x1024x128xf32>
    %get3A_13 = vector.shape_cast %get3A_12 : vector<1x1024x128xf32> to vector<1024x128xf32>
    %add3A_14 = arith.addf %add3A, %get3A_13 : vector<1024x128xf32>
    %get3A_15 = arith.constant 1 : index
    %get3A_16 = arith.constant 0 : index
    %get3A_17 = arith.constant 0 : index
    %get3A_18 = vector.load %arg2[%get3A_15, %get3A_16, %get3A_17] : memref<2x1024x128xf32, #tpu.memory_space<vmem>>, vector<1x1024x128xf32>
    %get3A_19 = vector.shape_cast %get3A_18 : vector<1x1024x128xf32> to vector<1024x128xf32>
    %add3A_20 = arith.addf %add3A_14, %get3A_19 : vector<1024x128xf32>
    %get3A_21 = arith.constant 0 : index
    %get3A_22 = arith.constant 0 : index
    %get3A_23 = vector.load %arg3[%get3A_21, %get3A_22] : memref<2x1024xf32, #tpu.memory_space<vmem>>, vector<1x1024xf32>
    %get3A_24 = vector.shape_cast %get3A_23 : vector<1x1024xf32> to vector<1024xf32>
    %get3A_25 = arith.constant 1 : index
    %get3A_26 = arith.constant 0 : index
    %get3A_27 = vector.load %arg3[%get3A_25, %get3A_26] : memref<2x1024xf32, #tpu.memory_space<vmem>>, vector<1x1024xf32>
    %get3A_28 = vector.shape_cast %get3A_27 : vector<1x1024xf32> to vector<1024xf32>
    %add3A_29 = arith.addf %get3A_24, %get3A_28 : vector<1024xf32>
    %gt3A = arith.constant 0.000000e+00 : f32
    %gt3A_30 = vector.broadcast %gt3A : f32 to vector<1024xf32>
    %gt3A_31 = arith.cmpf ogt, %add3A_29, %gt3A_30 : vector<1024xf32>
    %max3A = arith.constant 1.000000e+00 : f32
    %max3A_32 = vector.broadcast %max3A : f32 to vector<1024xf32>
    %max3A_33 = arith.maximumf %add3A_29, %max3A_32 : vector<1024xf32>
    %rsqrt3A = math.rsqrt %max3A_33 : vector<1024xf32>
    %jit3A = arith.constant 0.000000e+00 : f32
    %broadcast_in_dim3A = vector.broadcast %jit3A : f32 to vector<1024xf32>
    %select_n3A = arith.select %gt3A_31, %rsqrt3A, %broadcast_in_dim3A : vector<1024xi1>, vector<1024xf32>
    %reshape3A = vector.shape_cast %select_n3A : vector<1024xf32> to vector<1024x1xf32>
    %mul3A = vector.broadcast %reshape3A : vector<1024x1xf32> to vector<1024x128xf32>
    %mul3A_34 = arith.mulf %add3A_20, %mul3A : vector<1024x128xf32>
    %get3A_35 = arith.constant 0 : index
    %get3A_36 = arith.constant 0 : index
    %get3A_37 = vector.load %arg4[%get3A_35, %get3A_36] : memref<1x128xf32, #tpu.memory_space<vmem>>, vector<1x128xf32>
    %add3A_38 = vector.broadcast %get3A_37 : vector<1x128xf32> to vector<1024x128xf32>
    %add3A_39 = arith.addf %mul3A_34, %add3A_38 : vector<1024x128xf32>
    %swap3A = arith.constant 0 : index
    %swap3A_40 = arith.constant 0 : index
    %swap3A_41 = vector.load %arg5[%swap3A, %swap3A_40] : memref<1024x128xf32, #tpu.memory_space<vmem>>, vector<1024x128xf32>
    tpu.vector_store %arg5[%swap3A, %swap3A_40], %add3A_39 {strides = array<i32>} : memref<1024x128xf32, #tpu.memory_space<vmem>>, vector<1024x128xf32>,
    return
  }
  func.func @transform_0(%arg0: i32) -> (i32, i32, i32) {
    %c0_i32 = arith.constant 0 : i32
    %c0_i32_0 = arith.constant 0 : i32
    %c0_i32_1 = arith.constant 0 : i32
    return %c0_i32, %arg0, %c0_i32_0 : i32, i32, i32
  }
  func.func @transform_1(%arg0: i32) -> (i32, i32, i32) {
    %c0_i32 = arith.constant 0 : i32
    %c0_i32_0 = arith.constant 0 : i32
    %c0_i32_1 = arith.constant 0 : i32
    return %c0_i32, %arg0, %c0_i32_0 : i32, i32, i32
  }
  func.func @transform_2(%arg0: i32) -> (i32, i32) {
    %c0_i32 = arith.constant 0 : i32
    %c0_i32_0 = arith.constant 0 : i32
    return %c0_i32, %arg0 : i32, i32
  }
  func.func @transform_3(%arg0: i32) -> (i32, i32) {
    %c0_i32 = arith.constant 0 : i32
    %c0_i32_0 = arith.constant 0 : i32
    %c0_i32_1 = arith.constant 0 : i32
    return %c0_i32, %c0_i32_0 : i32, i32
  }
  func.func @transform_4(%arg0: i32) -> (i32, i32) {
    %c0_i32 = arith.constant 0 : i32
    %c0_i32_0 = arith.constant 0 : i32
    return %arg0, %c0_i32 : i32, i32
  }
}

</mosaic_0001>

<sc_bundles>
// kernel: kernel.10.cloned.1.call-start
scs
__scs_entry_jumppad:
0x0: {  	(pc) =	sbr.rel $0x88, $3  }
0x1: {  	(tag) =	ssettag $0x0;
	lr =	simm.s32 $0x1  }
0x2: {  	[smem:$0x3F9A] =	sst lr;
	_ =	strace $0xD0000000  }
0x3: {  	_ = 	snop  }
0x4: {  	_ = 	snop  }
0x5: {  	_ = 	snop  }
0x6: {  	_ = 	snop  }
0x7: {  	_ = 	snop  }
__scs_overlays_trampoline_lowered:
0x8: {  	[smem:$0x3FA9] =	sst s0  }
0x9: {  	[smem:$0x3FAA] =	sst s1  }
0xa: {  	[smem:$0x3FAB] =	sst s2  }
0xb: {  	[smem:$0x3FAC] =	sst s3  }
0xc: {  	[smem:$0x3FAD] =	sst s4  }
0xd: {  	[smem:$0x3FAE] =	sst s5  }
0xe: {  	[smem:$0x3FAF] =	sst s6  }
0xf: {  	[smem:$0x3FB0] =	sst s7  }
0x10: {  	[smem:$0x3FB1] =	sst s8  }
0x11: {  	[smem:$0x3FB2] =	sst s9;
	s0 =	simm.s32 @!p0 $0x0  }
0x12: {  	s1 =	sld [smem:$0x3F98];
	s0 =	simm.s32 @p0 $0x1  }
0x13: {  	[smem:$0x3FB3] =	sst s0;
	s0 =	simm.s32 @!p1 $0x0  }
0x14: {  	s2 =	sld [smem:$0x3F97];
	s0 =	simm.s32 @p1 $0x1  }
0x15: {  	[smem:$0x3FB4] =	sst s0;
	s0 =	simm.s32 @!p2 $0x0  }
0x16: {  	s3 =	sld [smem:$0x3FDB];
	s0 =	simm.s32 @p2 $0x1  }
0x17: {  	s4 =	simm.s32 $0x1BF5;
	[smem:$0x3FB6] =	sst s0  }
0x18: {  	s0 =	sld [smem:$0x3F99];
	_ =	swait.ge [sflag:s4], $0x0  }
0x19: {  	s7 =	sld [smem:$0x3F9A]  }
0x1a: {  	s8 =	sadd.s32 $0xFFFFE003, lr  }
0x1b: {  	s9 =	sadd.s32 $0xFFFFFEF7, lr;
	s5 =	simm.s32 $0xFFFFFFFF;
	p2 =	slt.u32 s8, $0xFFFFF086  }
0x1c: {  	p1 =	slt.u32 s9, $0xF7A;
	s5 =	simm.s32 @!p2 $0x0  }
0x1d: {  	s5 =	simm.s32 @p1 $0x1;
	p0 =	seq.s32 s7, s2  }
0x1e: {  	s7 =	smul.u32 @!p0 $0xF7A, s2;
	p2 =	seq.s32 @!p0 s5, $0x0  }
0x1f: {  	s9 =	smul.u32 $0xF7A, s1;
	s8 =	simm.s32 @!p0 $0x1BF5;
	p2 =	por !p2, p0  }
0x20: {  	[sflag:s8] =	ssyncset.s32 @!p0 $0xFFFFF086;
	s6 =	sadd.s32 @!p0 s3, s7;
	s7 =	simm.s32 @!p0 $0x108  }
0x21: {  	s3 =	sadd.s32 s3, s9;
	s6 =	sadd.s32 @!p0 $0x88, s6;
	s7 =	simm.s32 @p2 $0x1082  }
0x22: {  	[simem:s7], [sflag:s8] =	dma.local @!p0 [hbm:s6], $0xF7A  }
0x23: {  	s9 =	sor.u32 $0xD0000000, s2;
	s6 =	simm.s32 $0x108;
	_ =	swait.ge @!p0 [sflag:s8], $0x0  }
0x24: {  	s3 =	sadd.s32 $0x88, s3;
	s6 =	simm.s32 @!p1 $0x1082;
	[sflag:s4] =	ssyncset.s32 $0xFFFFF086  }
0x25: {  	[simem:s6], [sflag:s4] =	dma.local [hbm:s3], $0xF7A  }
0x26: {  	[smem:$0x3F9A] =	sst s1;
	(tag) =	ssettag s2;
	_ =	strace s9  }
0x27: {  	s1 =	sld [smem:$0x3FAA]  }
0x28: {  	s2 =	sld [smem:$0x3FAB]  }
0x29: {  	s4 =	sld [smem:$0x3FAD]  }
0x2a: {  	p0 =	seq.s32 s5, $0x0;
	s5 =	sld [smem:$0x3FAE]  }
0x2b: {  	s6 =	sld [smem:$0x3FAF]  }
0x2c: {  	s7 =	sld [smem:$0x3FB0]  }
0x2d: {  	s3 =	simm.s32 $0x108;
	s8 =	sld [smem:$0x3FB1]  }
0x2e: {  	s3 =	simm.s32 @!p0 $0x1082;
	s9 =	sld [smem:$0x3FB2]  }
0x2f: {  	lr =	sadd.s32 s0, s3;
	s0 =	sld [smem:$0x3FA9]  }
0x30: {  	s3 =	sld [smem:$0x3FAC]  }
0x31: {  	[smem:$0x3FB5] =	sst s10  }
0x32: {  	s10 =	sld [smem:$0x3FB3];
	_ =	sdelay $0x3  }
0x33: {  	p0 =	seq.s32 s10, $0x1;
	s10 =	sld [smem:$0x3FB5];
	_ =	sdelay $0x3  }
0x34: {  	[smem:$0x3FB5] =	sst s10  }
0x35: {  	s10 =	sld [smem:$0x3FB4];
	_ =	sdelay $0x3  }
0x36: {  	p1 =	seq.s32 s10, $0x1;
	s10 =	sld [smem:$0x3FB5];
	_ =	sdelay $0x3  }
0x37: {  	[smem:$0x3FB5] =	sst s10  }
0x38: {  	s10 =	sld [smem:$0x3FB6]  }
0x39: {  	_ = 	snop;
	(pc) =	sbr.ind lr, $3  }
0x3a: {  	_ = 	snop  }
0x3b: {  	_ = 	snop  }
0x3c: {  	p2 =	seq.s32 s10, $0x1;
	s10 =	sld [smem:$0x3FB5]  }
0x3d: {  	_ =	shalt  }
0x3e: {  	_ =	shalt  }
0x3f: {  	_ =	shalt  }
0x40: {  	_ =	shalt  }
0x41: {  	_ =	shalt  }
0x42: {  	_ =	shalt  }
0x43: {  	_ =	shalt  }
0x44: {  	_ =	shalt  }
0x45: {  	_ =	shalt  }
0x46: {  	_ =	shalt  }
0x47: {  	_ =	shalt  }
0x48: {  	_ =	shalt  }
0x49: {  	_ =	shalt  }
0x4a: {  	_ =	shalt  }
0x4b: {  	_ =	shalt  }
0x4c: {  	_ =	shalt  }
0x4d: {  	_ =	shalt  }
0x4e: {  	_ =	shalt  }
0x4f: {  	_ =	shalt  }
0x50: {  	_ =	shalt  }
0x51: {  	_ =	shalt  }
0x52: {  	_ =	shalt  }
0x53: {  	_ =	shalt  }
0x54: {  	_ =	shalt  }
0x55: {  	_ =	shalt  }
0x56: {  	_ =	shalt  }
0x57: {  	_ =	shalt  }
0x58: {  	_ =	shalt  }
0x59: {  	_ =	shalt  }
0x5a: {  	_ =	shalt  }
0x5b: {  	_ =	shalt  }
0x5c: {  	_ =	shalt  }
0x5d: {  	_ =	shalt  }
0x5e: {  	_ =	shalt  }
0x5f: {  	_ =	shalt  }
0x60: {  	_ =	shalt  }
0x61: {  	_ =	shalt  }
0x62: {  	_ =	shalt  }
0x63: {  	_ =	shalt  }
0x64: {  	_ =	shalt  }
0x65: {  	_ =	shalt  }
0x66: {  	_ =	shalt  }
0x67: {  	_ =	shalt  }
0x68: {  	_ =	shalt  }
0x69: {  	_ =	shalt  }
0x6a: {  	_ =	shalt  }
0x6b: {  	_ =	shalt  }
0x6c: {  	_ =	shalt  }
0x6d: {  	_ =	shalt  }
0x6e: {  	_ =	shalt  }
0x6f: {  	_ =	shalt  }
0x70: {  	_ =	shalt  }
0x71: {  	_ =	shalt  }
0x72: {  	_ =	shalt  }
0x73: {  	_ =	shalt  }
0x74: {  	_ =	shalt  }
0x75: {  	_ =	shalt  }
0x76: {  	_ =	shalt  }
0x77: {  	_ =	shalt  }
0x78: {  	_ =	shalt  }
0x79: {  	_ =	shalt  }
0x7a: {  	_ =	shalt  }
0x7b: {  	_ =	shalt  }
0x7c: {  	_ =	shalt  }
0x7d: {  	_ =	shalt  }
0x7e: {  	_ =	shalt  }
0x7f: {  	_ =	shalt  }
0x80: {  	_ =	shalt  }
0x81: {  	_ =	shalt  }
0x82: {  	_ =	shalt  }
0x83: {  	_ =	shalt  }
0x84: {  	_ =	shalt  }
0x85: {  	_ =	shalt  }
0x86: {  	_ =	shalt  }
0x87: {  	_ =	shalt  }
.Lfunc_end0:
.L_simem_size_0:
called_computation_lowered:
.L_overlay_start_0:
0x88: {  	s2 =	sld [smem:$0x3FD9]  }
0x89: {  	s3 =	sld [smem:$0x3FFE];
	_ =	sdelay $0x1  }
0x8a: {  	s1 =	srdreg.scid  }
0x8b: {  	s0 =	sand.u32 $0x1, s1  }
0x8c: {  	s17 =	sshll.u32 s0, $0xA;
	s2 =	sadd.s32 s3, s2  }
0x8d: {  	s2 =	sadd.s32 s2, s17  }
0x8e: {  	[smem:$0x3FC1] =	sst s2  }
0x8f: {  	_ = 	snop  }
0x90: {  	s2 =	sld [smem:$0x3FD0];
	(tm) =	ssettm $0x1  }
0x91: {  	s18 =	sld [smem:$0x3FFB];
	_ =	sdelay $0x3  }
0x92: {  	_ =	strace s18  }
0x93: {  	s3 =	sld [smem:$0x3FFC];
	_ =	sdelay $0x3  }
0x94: {  	_ =	strace s3  }
0x95: {  	s3 =	sld [smem:$0x3FFD];
	_ =	sdelay $0x3  }
0x96: {  	_ =	strace s3  }
0x97: {  	_ =	strace $0x8FFFFFFF  }
0x98: {  	s19 =	sld [smem:$0x3FDB];
	_ =	sdelay $0x1  }
0x99: {  	s4 =	simm.s32 $_scs_section_size  }
0x9a: {  	s5 =	simm.s32 $_size__tile_overlayer_lowered;
	s6 =	simm.s32 $_tile_overlayer_lowered  }
0x9b: {  	s22 =	simm.s32 $0x1BFF;
	s21 =	sshll.u32 s6, $0x1;
	s3 =	sadd.s32 s4, s19  }
0x9c: {  	s7 =	simm.s32 $0x0;
	s20 =	sshll.u32 s5, $0x1;
	s5 =	sadd.s32 s21, s3  }
0x9d: {  	[timem:s7], [sflag:s22] =	dma.local [hbm:s5], s20  }
0x9e: {  	_ =	swait.ge [sflag:s22], s20  }
0x9f: {  	s4 =	ssub.s32 $0x0, s20;
	[sflag:s22] =	ssyncset.done $0x0  }
0xa0: {  	[sflag:s22] =	ssyncadd.s32 s4;
	_ =	sdelay $0x1  }
0xa1: {  	s23 =	simm.s32 $0x1B8B  }
0xa2: {  	_ =	swait.ge [sflag:s23], $0x1  }
0xa3: {  	[sflag:s23] =	ssyncset.done $0x0  }
0xa4: {  	s25 =	simm.s32 $0x1B8E;
	s24 =	sld [smem:$0x3FFE];
	[sflag:s23] =	ssyncadd.s32 $0xFFFFFFFF  }
0xa5: {  	s26 =	simm.s32 $execute0_lowered;
	[smem:$0x3FD2] =	sst s25  }
0xa6: {  	s5 =	sshll.u32 s26, $0x1;
	_ =	strace $0x80000046;
	[dreg:$0x1] =	wrdreg $0xFFFFFFFF  }
0xa7: {  	s28 =	simm.s32 $_size_execute0_lowered;
	s3 =	sadd.s32 s3, s5;
	[dreg:$0x0] =	wrdreg $0x0  }
0xa8: {  	s5 =	sshll.u32 s28, $0x1;
	[dreg:$0x2] =	wrdreg s3  }
0xa9: {  	[dreg:$0x3] =	wrdreg s5  }
0xaa: {  	[dreg:$0x4] =	wrdreg $0xC0  }
0xab: {  	_ =	task [dreg:s7], $0x5FFFF  }
0xac: {  	[dreg:$0x1] =	wrdreg $0xFFFFFFFF  }
0xad: {  	[dreg:$0x0] =	wrdreg $0x60  }
0xae: {  	[dreg:$0x2] =	wrdreg s24  }
0xaf: {  	[dreg:$0x3] =	wrdreg s2  }
0xb0: {  	[dreg:$0x4] =	wrdreg $0xA3000  }
0xb1: {  	[dreg:$0x5] =	wrdreg $0xA5800  }
0xb2: {  	[dreg:$0x6] =	wrdreg $0xA8000  }
0xb3: {  	[dreg:$0x7] =	wrdreg $0xAA800  }
0xb4: {  	[dreg:$0x8] =	wrdreg $0x9  }
0xb5: {  	_ =	task.clear_ibuf [dreg:s7], $0x9FFFF;
	_ =	strace $0x90000046  }
0xb6: {  	s29 =	simm.s32 $0x9;
	_ =	strace $0x80000048  }
0xb7: {  	_ =	swait.ge [sflag:s29], $0x1  }
0xb8: {  	[sflag:s29] =	ssyncadd.s32 $0xFFFFFFFF  }
0xb9: {  	_ =	strace $0x90000048  }
0xba: {  	_ =	sfence  }
0xbb: {  	s30 =	sld [smem:$0x0];
	_ =	sdelay $0x2  }
0xbc: {  	s31 =	sshll.u32 s1, $0xD;
	s1 =	sshrl.u32 s1, $0x2  }
0xbd: {  	s3 =	sand.u32 $0x4000, s31;
	s1 =	sadd.s32 s1, s30  }
0xbe: {  	s0 =	sor.u32 s3, s0;
	s1 =	sshll.u32 s1, $0x11  }
0xbf: {  	s0 =	sor.u32 s1, s0  }
0xc0: {  	s0 =	sadd.s32 $0x8F2B, s0  }
0xc1: {  	[sflag:s0] =	ssyncadd.remote.s32 $0x1  }
0xc2: {  	_ =	sfence.sel $0xFFFF  }
0xc3: {  	[dreg:$0x0] =	wrdreg $0xFFFFFFFF;
	(pc) =	sbr.abs _section_cstart, $3  }
0xc4: {  	[dreg:$0x1] =	wrdreg $0xFFFFFFFF  }
0xc5: {  	_ =	task.clear_ibuf [dreg:s7], $0x2FFFF;
	_ =	strace $0x9FFFFFFF  }
0xc6: {  	(tm) =	ssettm $0x7FFFFFFF  }
0xc7: {  	_ =	shalt  }
tec
execute0_lowered:
.L_overlay_start_1:
0x0: {  	(tag) =	ssettag $0x1  }
0x1: {  	s7 =	rddreg [dreg:$0x0]  }
0x2: {  	s14 =	rddreg [dreg:$0x1]  }
0x3: {  	s1 =	rddreg [dreg:$0x2]  }
0x4: {  	s3 =	rddreg [dreg:$0x3]  }
0x5: {  	s4 =	rddreg [dreg:$0x4]  }
0x6: {  	s5 =	rddreg [dreg:$0x5];
	s6 =	srdreg.scid  }
0x7: {  	s2 =	stileid.u32;
	s0 =	rddreg [dreg:$0x6];
	s20 =	simm.s32 $0xA080  }
0x8: {  	s21 =	simm.s32 $0x1;
	s22 =	simm.s32 $0x2800;
	s23 =	simm.s32 $0x5000  }
0x9: {  	s24 =	simm.s32 $0x7800;
	s25 =	simm.s32 $0x80;
	s26 =	simm.s32 $0xA000  }
0xa: {  	s28 =	simm.s32 $0x0;
	s8 =	sand.u32 $0x1, s6;
	s10 =	smul.u32 $0x280, s2  }
0xb: {  	s6 =	simm.s32 $0x0;
	s9 =	sshll.u32 s2, $0x1;
	s11 =	smul.u32 $0x2800, s8  }
0xc: {  	[smem:$0x7FF] =	sst s6;
	s9 =	sor.u32 s8, s9;
	s8 =	ssub.s32 $0x2, s8  }
0xd: {  	s15 =	smul.u32 $0x500, s9;
	_ =	strace $0x80000047;
	s31 =	sshrl.u32 s8, $0x1  }
0xe: {  	s30 =	sadd.s32 s10, s11;
	s19 =	ssub.s32 s8, s31;
	s8 =	sadd.s32 s10, s3  }
0xf: {  	s9 =	sshrl.u32 s30, $0x3;
	s13 =	sadd.s32 s15, s7;
	s14 =	sadd.s32 s14, s15  }
0x10: {  	s19 =	smax.u32 s19, $0x1;
	s18 =	sadd.s32 s9, s7;
	s7 =	sadd.s32 s10, s1  }
0x11: {  	s9 =	sadd.s32 s10, s4;
	s10 =	sadd.s32 s10, s5;
	s11 =	sadd.s32 $0xD400, s13  }
0x12: {  	s12 =	sadd.s32 $0x3400, s13;
	s13 =	sadd.s32 $0x17400, s13;
	s15 =	sadd.s32 $0x21400, s18  }
0x13: {  	v0 =	vimm.f32 $1.000000000e+00;
	v1 =	vimm.f32 $0.0e+00;
	s16 =	sadd.s32 $0x21E00, s18;
	s17 =	sadd.s32 $0x22800, s18;
	s18 =	sadd.s32 $0x23200, s18  }
.LBB2_1:
0x14: {  	[tilespmem:$0xA000] =	vst v0  }
0x15: {  	[tilespmem:$0xA010] =	vst v0  }
0x16: {  	[tilespmem:$0xA020] =	vst v0  }
0x17: {  	[tilespmem:$0xA030] =	vst v0  }
0x18: {  	[tilespmem:$0xA040] =	vst v0  }
0x19: {  	[tilespmem:$0xA050] =	vst v0  }
0x1a: {  	[tilespmem:$0xA060] =	vst v0  }
0x1b: {  	[tilespmem:$0xA070] =	vst v0  }
0x1c: {  	[tilespmem:$0xA080] =	vst v1  }
0x1d: {  	[tilespmem:$0xA090] =	vst v1  }
0x1e: {  	[tilespmem:$0xA0A0] =	vst v1  }
0x1f: {  	[tilespmem:$0xA0B0] =	vst v1  }
0x20: {  	[tilespmem:$0xA0C0] =	vst v1  }
0x21: {  	[tilespmem:$0xA0D0] =	vst v1  }
0x22: {  	[tilespmem:$0xA0E0] =	vst v1  }
0x23: {  	[tilespmem:$0xA0F0] =	vst v1  }
0x24: {  	[tilespmem:$0xA100] =	vst v1  }
0x25: {  	[tilespmem:$0xA110] =	vst v1  }
0x26: {  	[tilespmem:$0xA120] =	vst v1  }
0x27: {  	[tilespmem:$0xA130] =	vst v1  }
0x28: {  	[tilespmem:$0xA140] =	vst v1  }
0x29: {  	[tilespmem:$0xA150] =	vst v1  }
0x2a: {  	[tilespmem:$0xA160] =	vst v1  }
0x2b: {  	[tilespmem:$0xA170] =	vst v1  }
0x2c: {  	[tilespmem:$0xA180] =	vst v1  }
0x2d: {  	[tilespmem:$0xA190] =	vst v1  }
0x2e: {  	[tilespmem:$0xA1A0] =	vst v1  }
0x2f: {  	[tilespmem:$0xA1B0] =	vst v1  }
0x30: {  	[tilespmem:$0xA1C0] =	vst v1  }
0x31: {  	[tilespmem:$0xA1D0] =	vst v1  }
0x32: {  	[tilespmem:$0xA1E0] =	vst v1  }
0x33: {  	[tilespmem:$0xA1F0] =	vst v1  }
0x34: {  	[tilespmem:$0xA200] =	vst v1  }
0x35: {  	[tilespmem:$0xA210] =	vst v1  }
0x36: {  	[tilespmem:$0xA220] =	vst v1  }
0x37: {  	[tilespmem:$0xA230] =	vst v1  }
0x38: {  	[tilespmem:$0xA240] =	vst v1  }
0x39: {  	[tilespmem:$0xA250] =	vst v1  }
0x3a: {  	[tilespmem:$0xA260] =	vst v1  }
0x3b: {  	[tilespmem:$0xA270] =	vst v1  }
0x3c: {  	[tilespmem:$0xA280] =	vst v1  }
0x3d: {  	[tilespmem:$0xA290] =	vst v1  }
0x3e: {  	[tilespmem:$0xA2A0] =	vst v1  }
0x3f: {  	[tilespmem:$0xA2B0] =	vst v1  }
0x40: {  	[tilespmem:$0xA2C0] =	vst v1  }
0x41: {  	[tilespmem:$0xA2D0] =	vst v1  }
0x42: {  	[tilespmem:$0xA2E0] =	vst v1  }
0x43: {  	[tilespmem:$0xA2F0] =	vst v1  }
0x44: {  	[spmem:s7] =	stream.linear.scatter [tilespmem:s20], [sflag:$0x1], $0x280, $0x38;
	[tilespmem:$0xAD00] =	vst v63  }
0x45: {  	_ =	swait.ge [sflag:s21], $0x280  }
0x46: {  	[sflag:s21] =	ssyncset.done $0x0  }
0x47: {  	[sflag:s21] =	ssyncadd.s32 $0xFFFFFD80  }
0x48: {  	[spmem:s8] =	stream.linear.scatter [tilespmem:s20], [sflag:$0x1], $0x280, $0x38;
	[tilespmem:$0xAD00] =	vst v63  }
0x49: {  	_ =	swait.ge [sflag:s21], $0x280  }
0x4a: {  	[sflag:s21] =	ssyncset.done $0x0  }
0x4b: {  	[sflag:s21] =	ssyncadd.s32 $0xFFFFFD80  }
0x4c: {  	[spmem:s9] =	stream.linear.scatter [tilespmem:s20], [sflag:$0x1], $0x280, $0x38;
	[tilespmem:$0xAD00] =	vst v63  }
0x4d: {  	_ =	swait.ge [sflag:s21], $0x280  }
0x4e: {  	[sflag:s21] =	ssyncset.done $0x0  }
0x4f: {  	[sflag:s21] =	ssyncadd.s32 $0xFFFFFD80  }
0x50: {  	[spmem:s10] =	stream.linear.scatter [tilespmem:s20], [sflag:$0x1], $0x280, $0x38;
	[tilespmem:$0xAD00] =	vst v63  }
0x51: {  	_ =	swait.ge [sflag:s21], $0x280  }
0x52: {  	[sflag:s21] =	ssyncset.done $0x0  }
0x53: {  	[sflag:s21] =	ssyncadd.s32 $0xFFFFFD80  }
0x54: {  	[tilespmem:s6], [sflag:$0x1] =	stream.linear.gather [hbm4b:s11+s6], $0x2800, $0x38;
	[tilespmem:$0xAD00] =	vst v63  }
0x55: {  	_ =	swait.ge [sflag:s21], $0x2800  }
0x56: {  	[sflag:s21] =	ssyncset.done $0x0  }
0x57: {  	[sflag:s21] =	ssyncadd.s32 $0xFFFFD800  }
0x58: {  	[tilespmem:s22], [sflag:$0x1] =	stream.linear.gather [hbm4b:s12+s6], $0x2800, $0x38;
	[tilespmem:$0xAD00] =	vst v63  }
0x59: {  	_ =	swait.ge [sflag:s21], $0x2800  }
0x5a: {  	[sflag:s21] =	ssyncset.done $0x0  }
0x5b: {  	[sflag:s21] =	ssyncadd.s32 $0xFFFFD800  }
0x5c: {  	[tilespmem:s23], [sflag:$0x1] =	stream.linear.gather [hbm4b:s13+s6], $0x2800, $0x38;
	[tilespmem:$0xAD00] =	vst v63  }
0x5d: {  	_ =	swait.ge [sflag:s21], $0x2800  }
0x5e: {  	[sflag:s21] =	ssyncset.done $0x0  }
0x5f: {  	[sflag:s21] =	ssyncadd.s32 $0xFFFFD800  }
0x60: {  	[tilespmem:s24], [sflag:$0x1] =	stream.linear.gather [hbm4b:s14+s6], $0x2800, $0x38;
	[tilespmem:$0xAD00] =	vst v63  }
0x61: {  	_ =	swait.ge [sflag:s21], $0x2800  }
0x62: {  	[sflag:s21] =	ssyncset.done $0x0  }
0x63: {  	[sflag:s21] =	ssyncadd.s32 $0xFFFFD800  }
0x64: {  	s29 =	simm.s32 $0x0;
	[bflag:$0x0] =	sbarrier.arrive $0xFFFF  }
0x65: {  	[spmem:s1] =	stream.indirect.scatter.add.f32 [tilespmem:s26], [sflag:$0x1], $0x1, s29, s25, $0xb8;
	[tilespmem:$0xAD00] =	vst v63  }
0x66: {  	_ =	swait.ge [sflag:s21], $0x80  }
0x67: {  	s29 =	simm.s32 $0x200;
	[sflag:s21] =	ssyncset.done $0x0  }
.LBB2_2:
0x68: {  	s30 =	sshra.s32 s29, $0x2;
	[sflag:s21] =	ssyncadd.s32 $0xFFFFFF80;
	p0 =	sne.s32 s29, $0x9E00  }
0x69: {  	[spmem:s1] =	stream.indirect.scatter.add.f32 [tilespmem:s26], [sflag:$0x1], $0x1, s30, s25, $0xb8;
	[tilespmem:$0xAD00] =	vst v63  }
.Ltmp0:
0x6a: {  	_ = 	snop;
	(pc) =	sbr.rel @p0 .LBB2_2-.Ltmp0, $4  }
0x6b: {  	_ = 	snop  }
0x6c: {  	s29 =	sadd.s32 $0x200, s29  }
0x6d: {  	_ =	swait.ge [sflag:s21], $0x80  }
0x6e: {  	[sflag:s21] =	ssyncset.done $0x0  }
0x6f: {  	[sflag:s21] =	ssyncadd.s32 $0xFFFFFF80;
	s29 =	simm.s32 $0x2800  }
0x70: {  	[spmem:s3] =	stream.indirect.scatter.add.f32 [tilespmem:s26], [sflag:$0x1], $0x1, s29, s25, $0xb8;
	[tilespmem:$0xAD00] =	vst v63  }
0x71: {  	s29 =	simm.s32 $0x200;
	_ =	swait.ge [sflag:s21], $0x80  }
.LBB2_4:
0x72: {  	s30 =	sshra.s32 s29, $0x2;
	[sflag:s21] =	ssyncset.done $0x0;
	p0 =	sne.s32 s29, $0x9E00  }
.Ltmp1:
0x73: {  	s30 =	sadd.s32 $0x2800, s30;
	[sflag:s21] =	ssyncadd.s32 $0xFFFFFF80;
	(pc) =	sbr.rel @p0 .LBB2_4-.Ltmp1, $3  }
0x74: {  	[spmem:s3] =	stream.indirect.scatter.add.f32 [tilespmem:s26], [sflag:$0x1], $0x1, s30, s25, $0xb8;
	[tilespmem:$0xAD00] =	vst v63  }
0x75: {  	s29 =	sadd.s32 $0x200, s29;
	_ =	sdelay $0x1  }
0x76: {  	_ =	swait.ge [sflag:s21], $0x80  }
0x77: {  	[sflag:s21] =	ssyncset.done $0x0  }
0x78: {  	s29 =	simm.s32 $0x5000;
	[sflag:s21] =	ssyncadd.s32 $0xFFFFFF80  }
0x79: {  	[spmem:s4] =	stream.indirect.scatter.add.f32 [tilespmem:s26], [sflag:$0x1], $0x1, s29, s25, $0xb8;
	[tilespmem:$0xAD00] =	vst v63  }
0x7a: {  	s29 =	simm.s32 $0x200;
	_ =	swait.ge [sflag:s21], $0x80  }
.LBB2_6:
0x7b: {  	s30 =	sshra.s32 s29, $0x2;
	[sflag:s21] =	ssyncset.done $0x0;
	p0 =	sne.s32 s29, $0x9E00  }
.Ltmp2:
0x7c: {  	s30 =	sadd.s32 $0x5000, s30;
	[sflag:s21] =	ssyncadd.s32 $0xFFFFFF80;
	(pc) =	sbr.rel @p0 .LBB2_6-.Ltmp2, $3  }
0x7d: {  	[spmem:s4] =	stream.indirect.scatter.add.f32 [tilespmem:s26], [sflag:$0x1], $0x1, s30, s25, $0xb8;
	[tilespmem:$0xAD00] =	vst v63  }
0x7e: {  	s29 =	sadd.s32 $0x200, s29;
	_ =	sdelay $0x1  }
0x7f: {  	_ =	swait.ge [sflag:s21], $0x80  }
0x80: {  	[sflag:s21] =	ssyncset.done $0x0  }
0x81: {  	s29 =	simm.s32 $0x7800;
	[sflag:s21] =	ssyncadd.s32 $0xFFFFFF80  }
0x82: {  	[spmem:s5] =	stream.indirect.scatter.add.f32 [tilespmem:s26], [sflag:$0x1], $0x1, s29, s25, $0xb8;
	[tilespmem:$0xAD00] =	vst v63  }
0x83: {  	s29 =	simm.s32 $0x200;
	_ =	swait.ge [sflag:s21], $0x80  }
.LBB2_8:
0x84: {  	s30 =	sshra.s32 s29, $0x2;
	[sflag:s21] =	ssyncset.done $0x0;
	p0 =	sne.s32 s29, $0x9E00  }
.Ltmp3:
0x85: {  	s30 =	sadd.s32 $0x7800, s30;
	[sflag:s21] =	ssyncadd.s32 $0xFFFFFF80;
	(pc) =	sbr.rel @p0 .LBB2_8-.Ltmp3, $3  }
0x86: {  	[spmem:s5] =	stream.indirect.scatter.add.f32 [tilespmem:s26], [sflag:$0x1], $0x1, s30, s25, $0xb8;
	[tilespmem:$0xAD00] =	vst v63  }
0x87: {  	s29 =	sadd.s32 $0x200, s29;
	_ =	sdelay $0x1  }
0x88: {  	_ =	swait.ge [sflag:s21], $0x80  }
0x89: {  	[sflag:s21] =	ssyncset.done $0x0  }
0x8a: {  	s29 =	sshll.u32 s2, $0x6;
	[sflag:s21] =	ssyncadd.s32 $0xFFFFFF80  }
0x8b: {  	s30 =	sshrl.u32 s7, $0x3;
	s29 =	sor.u32 $0x1C01, s29;
	[bflag:$0x0] =	sbarrier.arrive $0xFFFF  }
0x8c: {  	[hbm:s15], [sflag:s29] =	dma.local [spmem:s30], $0x50  }
0x8d: {  	_ =	swait.ge [sflag:s21], $0x50  }
0x8e: {  	[sflag:s21] =	ssyncset.done $0x0  }
0x8f: {  	s31 =	sshrl.u32 s8, $0x3;
	[sflag:s21] =	ssyncadd.s32 $0xFFFFFFB0  }
0x90: {  	[hbm:s16], [sflag:s29] =	dma.local [spmem:s31], $0x50  }
0x91: {  	_ =	swait.ge [sflag:s21], $0x50  }
0x92: {  	[sflag:s21] =	ssyncset.done $0x0  }
0x93: {  	s31 =	sshrl.u32 s9, $0x3;
	[sflag:s21] =	ssyncadd.s32 $0xFFFFFFB0  }
0x94: {  	[hbm:s17], [sflag:s29] =	dma.local [spmem:s31], $0x50  }
0x95: {  	s28 =	sadd.s32 $0x1, s28;
	_ =	swait.ge [sflag:s21], $0x50  }
0x96: {  	p0 =	sne.s32 s28, s19;
	[sflag:s21] =	ssyncset.done $0x0  }
.Ltmp4:
0x97: {  	s31 =	sshrl.u32 s10, $0x3;
	[sflag:s21] =	ssyncadd.s32 $0xFFFFFFB0;
	(pc) =	sbr.rel @p0 .LBB2_1-.Ltmp4, $4  }
0x98: {  	[hbm:s18], [sflag:s29] =	dma.local [spmem:s31], $0x50  }
0x99: {  	_ =	swait.ge [sflag:s21], $0x50  }
0x9a: {  	[sflag:s21] =	ssyncset.done $0x0  }
0x9b: {  	[sflag:s21] =	ssyncadd.s32 $0xFFFFFFB0  }
0x9c: {  	_ =	sfence.sel $0x180000  }
0x9d: {  	[bflag:$0x0] =	sbarrier.arrive $0xFFFF  }
0x9e: {  	p0 =	sne.s32 s2, $0x0;
	_ =	strace $0x90000047  }
0x9f: {  	s0 =	sadd.s32 @!p0 $0x100000, s0;
	[bflag:$0x2] =	sbarrier.arrive $0xFFFF  }
0xa0: {  	[sflag:s0] =	ssyncadd.tile.s32 @!p0 $0x1;
	_ =	shalt  }
.Lfunc_end2:
_tile_overlayer_lowered:
.L_overlay_start_2:
0xa1: {  	(tag) =	ssettag $0x2  }
0xa2: {  	s0 =	rddreg [dreg:$0x0];
	s2 =	stileid.u32  }
0xa3: {  	s1 =	rddreg [dreg:$0x1];
	p0 =	sne.s32 s2, $0x0  }
0xa4: {  	s3 =	rddreg [dreg:$0x2];
	[bflag:$0x3] =	sbarrier.arrive $0xFFFF;
	s2 =	simm.s32 @!p0 $0x1C01  }
0xa5: {  	[timem:s3], [sflag:s2] =	dma.local @!p0 [hbm:s0], s1  }
0xa6: {  	s0 =	simm.s32 @!p0 $0x1  }
0xa7: {  	_ =	swait.ge @!p0 [sflag:s0], s1  }
0xa8: {  	s1 =	ssub.s32 @!p0 $0x0, s1;
	[sflag:s0] =	ssyncset.done @!p0 $0x0  }
0xa9: {  	[sflag:s0] =	ssyncadd.s32 @!p0 s1  }
0xaa: {  	[bflag:$0x3] =	sbarrier.arrive $0xFFFF  }
0xab: {  	_ =	shalt  }

// kernel: kernel.13.cloned.1.call-start
scs
__scs_entry_jumppad:
0x0: {  	(pc) =	sbr.rel $0x88, $3  }
0x1: {  	(tag) =	ssettag $0x0;
	lr =	simm.s32 $0x1  }
0x2: {  	[smem:$0x3F9A] =	sst lr;
	_ =	strace $0xD0000000  }
0x3: {  	_ = 	snop  }
0x4: {  	_ = 	snop  }
0x5: {  	_ = 	snop  }
0x6: {  	_ = 	snop  }
0x7: {  	_ = 	snop  }
__scs_overlays_trampoline_lowered:
0x8: {  	[smem:$0x3FA9] =	sst s0  }
0x9: {  	[smem:$0x3FAA] =	sst s1  }
0xa: {  	[smem:$0x3FAB] =	sst s2  }
0xb: {  	[smem:$0x3FAC] =	sst s3  }
0xc: {  	[smem:$0x3FAD] =	sst s4  }
0xd: {  	[smem:$0x3FAE] =	sst s5  }
0xe: {  	[smem:$0x3FAF] =	sst s6  }
0xf: {  	[smem:$0x3FB0] =	sst s7  }
0x10: {  	[smem:$0x3FB1] =	sst s8  }
0x11: {  	[smem:$0x3FB2] =	sst s9;
	s0 =	simm.s32 @!p0 $0x0  }
0x12: {  	s1 =	sld [smem:$0x3F98];
	s0 =	simm.s32 @p0 $0x1  }
0x13: {  	[smem:$0x3FB3] =	sst s0;
	s0 =	simm.s32 @!p1 $0x0  }
0x14: {  	s2 =	sld [smem:$0x3F97];
	s0 =	simm.s32 @p1 $0x1  }
0x15: {  	[smem:$0x3FB4] =	sst s0;
	s0 =	simm.s32 @!p2 $0x0  }
0x16: {  	s3 =	sld [smem:$0x3FDB];
	s0 =	simm.s32 @p2 $0x1  }
0x17: {  	s4 =	simm.s32 $0x1BF5;
	[smem:$0x3FB6] =	sst s0  }
0x18: {  	s0 =	sld [smem:$0x3F99];
	_ =	swait.ge [sflag:s4], $0x0  }
0x19: {  	s7 =	sld [smem:$0x3F9A]  }
0x1a: {  	s8 =	sadd.s32 $0xFFFFE003, lr  }
0x1b: {  	s9 =	sadd.s32 $0xFFFFFEF7, lr;
	s5 =	simm.s32 $0xFFFFFFFF;
	p2 =	slt.u32 s8, $0xFFFFF086  }
0x1c: {  	p1 =	slt.u32 s9, $0xF7A;
	s5 =	simm.s32 @!p2 $0x0  }
0x1d: {  	s5 =	simm.s32 @p1 $0x1;
	p0 =	seq.s32 s7, s2  }
0x1e: {  	s7 =	smul.u32 @!p0 $0xF7A, s2;
	p2 =	seq.s32 @!p0 s5, $0x0  }
0x1f: {  	s9 =	smul.u32 $0xF7A, s1;
	s8 =	simm.s32 @!p0 $0x1BF5;
	p2 =	por !p2, p0  }
0x20: {  	[sflag:s8] =	ssyncset.s32 @!p0 $0xFFFFF086;
	s6 =	sadd.s32 @!p0 s3, s7;
	s7 =	simm.s32 @!p0 $0x108  }
0x21: {  	s3 =	sadd.s32 s3, s9;
	s6 =	sadd.s32 @!p0 $0x88, s6;
	s7 =	simm.s32 @p2 $0x1082  }
0x22: {  	[simem:s7], [sflag:s8] =	dma.local @!p0 [hbm:s6], $0xF7A  }
0x23: {  	s9 =	sor.u32 $0xD0000000, s2;
	s6 =	simm.s32 $0x108;
	_ =	swait.ge @!p0 [sflag:s8], $0x0  }
0x24: {  	s3 =	sadd.s32 $0x88, s3;
	s6 =	simm.s32 @!p1 $0x1082;
	[sflag:s4] =	ssyncset.s32 $0xFFFFF086  }
0x25: {  	[simem:s6], [sflag:s4] =	dma.local [hbm:s3], $0xF7A  }
0x26: {  	[smem:$0x3F9A] =	sst s1;
	(tag) =	ssettag s2;
	_ =	strace s9  }
0x27: {  	s1 =	sld [smem:$0x3FAA]  }
0x28: {  	s2 =	sld [smem:$0x3FAB]  }
0x29: {  	s4 =	sld [smem:$0x3FAD]  }
0x2a: {  	p0 =	seq.s32 s5, $0x0;
	s5 =	sld [smem:$0x3FAE]  }
0x2b: {  	s6 =	sld [smem:$0x3FAF]  }
0x2c: {  	s7 =	sld [smem:$0x3FB0]  }
0x2d: {  	s3 =	simm.s32 $0x108;
	s8 =	sld [smem:$0x3FB1]  }
0x2e: {  	s3 =	simm.s32 @!p0 $0x1082;
	s9 =	sld [smem:$0x3FB2]  }
0x2f: {  	lr =	sadd.s32 s0, s3;
	s0 =	sld [smem:$0x3FA9]  }
0x30: {  	s3 =	sld [smem:$0x3FAC]  }
0x31: {  	[smem:$0x3FB5] =	sst s10  }
0x32: {  	s10 =	sld [smem:$0x3FB3];
	_ =	sdelay $0x3  }
0x33: {  	p0 =	seq.s32 s10, $0x1;
	s10 =	sld [smem:$0x3FB5];
	_ =	sdelay $0x3  }
0x34: {  	[smem:$0x3FB5] =	sst s10  }
0x35: {  	s10 =	sld [smem:$0x3FB4];
	_ =	sdelay $0x3  }
0x36: {  	p1 =	seq.s32 s10, $0x1;
	s10 =	sld [smem:$0x3FB5];
	_ =	sdelay $0x3  }
0x37: {  	[smem:$0x3FB5] =	sst s10  }
0x38: {  	s10 =	sld [smem:$0x3FB6]  }
0x39: {  	_ = 	snop;
	(pc) =	sbr.ind lr, $3  }
0x3a: {  	_ = 	snop  }
0x3b: {  	_ = 	snop  }
0x3c: {  	p2 =	seq.s32 s10, $0x1;
	s10 =	sld [smem:$0x3FB5]  }
0x3d: {  	_ =	shalt  }
0x3e: {  	_ =	shalt  }
0x3f: {  	_ =	shalt  }
0x40: {  	_ =	shalt  }
0x41: {  	_ =	shalt  }
0x42: {  	_ =	shalt  }
0x43: {  	_ =	shalt  }
0x44: {  	_ =	shalt  }
0x45: {  	_ =	shalt  }
0x46: {  	_ =	shalt  }
0x47: {  	_ =	shalt  }
0x48: {  	_ =	shalt  }
0x49: {  	_ =	shalt  }
0x4a: {  	_ =	shalt  }
0x4b: {  	_ =	shalt  }
0x4c: {  	_ =	shalt  }
0x4d: {  	_ =	shalt  }
0x4e: {  	_ =	shalt  }
0x4f: {  	_ =	shalt  }
0x50: {  	_ =	shalt  }
0x51: {  	_ =	shalt  }
0x52: {  	_ =	shalt  }
0x53: {  	_ =	shalt  }
0x54: {  	_ =	shalt  }
0x55: {  	_ =	shalt  }
0x56: {  	_ =	shalt  }
0x57: {  	_ =	shalt  }
0x58: {  	_ =	shalt  }
0x59: {  	_ =	shalt  }
0x5a: {  	_ =	shalt  }
0x5b: {  	_ =	shalt  }
0x5c: {  	_ =	shalt  }
0x5d: {  	_ =	shalt  }
0x5e: {  	_ =	shalt  }
0x5f: {  	_ =	shalt  }
0x60: {  	_ =	shalt  }
0x61: {  	_ =	shalt  }
0x62: {  	_ =	shalt  }
0x63: {  	_ =	shalt  }
0x64: {  	_ =	shalt  }
0x65: {  	_ =	shalt  }
0x66: {  	_ =	shalt  }
0x67: {  	_ =	shalt  }
0x68: {  	_ =	shalt  }
0x69: {  	_ =	shalt  }
0x6a: {  	_ =	shalt  }
0x6b: {  	_ =	shalt  }
0x6c: {  	_ =	shalt  }
0x6d: {  	_ =	shalt  }
0x6e: {  	_ =	shalt  }
0x6f: {  	_ =	shalt  }
0x70: {  	_ =	shalt  }
0x71: {  	_ =	shalt  }
0x72: {  	_ =	shalt  }
0x73: {  	_ =	shalt  }
0x74: {  	_ =	shalt  }
0x75: {  	_ =	shalt  }
0x76: {  	_ =	shalt  }
0x77: {  	_ =	shalt  }
0x78: {  	_ =	shalt  }
0x79: {  	_ =	shalt  }
0x7a: {  	_ =	shalt  }
0x7b: {  	_ =	shalt  }
0x7c: {  	_ =	shalt  }
0x7d: {  	_ =	shalt  }
0x7e: {  	_ =	shalt  }
0x7f: {  	_ =	shalt  }
0x80: {  	_ =	shalt  }
0x81: {  	_ =	shalt  }
0x82: {  	_ =	shalt  }
0x83: {  	_ =	shalt  }
0x84: {  	_ =	shalt  }
0x85: {  	_ =	shalt  }
0x86: {  	_ =	shalt  }
0x87: {  	_ =	shalt  }
.Lfunc_end0:
.L_simem_size_0:
called_computation.1_lowered:
.L_overlay_start_0:
0x88: {  	s2 =	sld [smem:$0x3FD9]  }
0x89: {  	s3 =	sld [smem:$0x3FFE];
	_ =	sdelay $0x1  }
0x8a: {  	s1 =	srdreg.scid  }
0x8b: {  	s0 =	sand.u32 $0x1, s1  }
0x8c: {  	s17 =	sshll.u32 s0, $0xA;
	s2 =	sadd.s32 s3, s2  }
0x8d: {  	s2 =	sadd.s32 s2, s17  }
0x8e: {  	[smem:$0x3FC1] =	sst s2  }
0x8f: {  	_ = 	snop  }
0x90: {  	(tm) =	ssettm $0x1  }
0x91: {  	s18 =	sld [smem:$0x3FFB];
	_ =	sdelay $0x3  }
0x92: {  	_ =	strace s18  }
0x93: {  	s2 =	sld [smem:$0x3FFC];
	_ =	sdelay $0x3  }
0x94: {  	_ =	strace s2  }
0x95: {  	s2 =	sld [smem:$0x3FFD];
	_ =	sdelay $0x3  }
0x96: {  	_ =	strace s2  }
0x97: {  	_ =	strace $0x8FFFFFFF  }
0x98: {  	s19 =	sld [smem:$0x3FDB];
	_ =	sdelay $0x1  }
0x99: {  	s20 =	simm.s32 $_scs_section_size  }
0x9a: {  	s4 =	simm.s32 $_size__tile_overlayer_lowered;
	s5 =	simm.s32 $_tile_overlayer_lowered  }
0x9b: {  	s6 =	simm.s32 $0x1BFF;
	s21 =	sshll.u32 s5, $0x1;
	s3 =	sadd.s32 s20, s19  }
0x9c: {  	s22 =	simm.s32 $0x0;
	s4 =	sshll.u32 s4, $0x1;
	s5 =	sadd.s32 s21, s3  }
0x9d: {  	[timem:s22], [sflag:s6] =	dma.local [hbm:s5], s4  }
0x9e: {  	_ =	swait.ge [sflag:s6], s4  }
0x9f: {  	s4 =	ssub.s32 $0x0, s4;
	[sflag:s6] =	ssyncset.done $0x0  }
0xa0: {  	[sflag:s6] =	ssyncadd.s32 s4;
	_ =	sdelay $0x1  }
0xa1: {  	s23 =	simm.s32 $0x1B8B  }
0xa2: {  	_ =	swait.ge [sflag:s23], $0x1  }
0xa3: {  	[sflag:s23] =	ssyncset.done $0x0  }
0xa4: {  	[sflag:s23] =	ssyncadd.s32 $0xFFFFFFFF  }
0xa5: {  	s4 =	sld [smem:$0x0]  }
0xa6: {  	s5 =	sand.u32 $0xFFFFFFFE, s1  }
0xa7: {  	p0 =	sne.s32 s1, s5  }
0xa8: {  	s5 =	sshll.u32 @p0 s5, $0xE  }
0xa9: {  	s5 =	sadd.s32 @p0 $0x11B8D, s5;
	s6 =	sshll.u32 @p0 s4, $0x11  }
0xaa: {  	s5 =	sor.u32 @p0 s6, s5  }
0xab: {  	[sflag:s5] =	ssyncadd.remote.s32 @p0 $0x1;
	_ =	sdelay $0x1  }
0xac: {  	s5 =	simm.s32 @p0 $0x1B8D  }
0xad: {  	_ =	swait.eq @p0 [sflag:s5], $0x1  }
0xae: {  	[sflag:s5] =	ssyncadd.s32 @p0 $0xFFFFFFFF  }
0xaf: {  	s6 =	sshll.u32 @!p0 s1, $0xE  }
0xb0: {  	s6 =	sor.u32 @!p0 $0x4000, s6;
	s5 =	simm.s32 @!p0 $0x1B8D  }
0xb1: {  	s4 =	sshll.u32 @!p0 s4, $0x11;
	s6 =	sadd.s32 @!p0 $0x11B8D, s6;
	_ =	swait.eq @!p0 [sflag:s5], $0x1  }
0xb2: {  	s4 =	sor.u32 @!p0 s4, s6;
	[sflag:s5] =	ssyncadd.s32 @!p0 $0xFFFFFFFF  }
0xb3: {  	s25 =	simm.s32 $0x1B8E;
	s24 =	sld [smem:$0x3FFE];
	[sflag:s4] =	ssyncadd.remote.s32 @!p0 $0x1  }
0xb4: {  	s26 =	simm.s32 $execute0_lowered;
	[smem:$0x3FD2] =	sst s25  }
0xb5: {  	s5 =	sshll.u32 s26, $0x1;
	_ =	strace $0x8000004C;
	[dreg:$0x1] =	wrdreg $0xFFFFFFFF  }
0xb6: {  	s28 =	simm.s32 $_size_execute0_lowered;
	s3 =	sadd.s32 s3, s5;
	[dreg:$0x0] =	wrdreg $0x0  }
0xb7: {  	s5 =	sshll.u32 s28, $0x1;
	[dreg:$0x2] =	wrdreg s3  }
0xb8: {  	[dreg:$0x3] =	wrdreg s5  }
0xb9: {  	[dreg:$0x4] =	wrdreg $0xC0  }
0xba: {  	_ =	task [dreg:s22], $0x5FFFF  }
0xbb: {  	[dreg:$0x1] =	wrdreg $0xFFFFFFFF  }
0xbc: {  	[dreg:$0x0] =	wrdreg $0x60  }
0xbd: {  	[dreg:$0x2] =	wrdreg s24  }
0xbe: {  	[dreg:$0x3] =	wrdreg $0xA8000  }
0xbf: {  	[dreg:$0x4] =	wrdreg $0x9  }
0xc0: {  	_ =	task.clear_ibuf [dreg:s22], $0x5FFFF;
	_ =	strace $0x9000004C  }
0xc1: {  	s29 =	simm.s32 $0x9;
	_ =	strace $0x8000004E  }
0xc2: {  	_ =	swait.ge [sflag:s29], $0x1  }
0xc3: {  	[sflag:s29] =	ssyncadd.s32 $0xFFFFFFFF  }
0xc4: {  	_ =	strace $0x9000004E  }
0xc5: {  	_ =	sfence  }
0xc6: {  	s30 =	sld [smem:$0x0];
	_ =	sdelay $0x2  }
0xc7: {  	s31 =	sshll.u32 s1, $0xD;
	s1 =	sshrl.u32 s1, $0x2  }
0xc8: {  	s4 =	sand.u32 $0x4000, s31;
	s1 =	sadd.s32 s1, s30  }
0xc9: {  	s0 =	sor.u32 s4, s0;
	s1 =	sshll.u32 s1, $0x11  }
0xca: {  	s0 =	sor.u32 s1, s0  }
0xcb: {  	s0 =	sadd.s32 $0x8F2B, s0  }
0xcc: {  	[sflag:s0] =	ssyncadd.remote.s32 $0x1  }
0xcd: {  	_ =	sfence.sel $0xFFFF  }
0xce: {  	[dreg:$0x0] =	wrdreg $0xFFFFFFFF;
	(pc) =	sbr.abs _section_cstart, $3  }
0xcf: {  	[dreg:$0x1] =	wrdreg $0xFFFFFFFF  }
0xd0: {  	_ =	task.clear_ibuf [dreg:s22], $0x2FFFF;
	_ =	strace $0x9FFFFFFF  }
0xd1: {  	(tm) =	ssettm $0x7FFFFFFF  }
tec
execute0_lowered:
.L_overlay_start_1:
0x0: {  	(tag) =	ssettag $0x1  }
0x1: {  	s5 =	rddreg [dreg:$0x0]  }
0x2: {  	s2 =	rddreg [dreg:$0x1];
	s3 =	srdreg.scid  }
0x3: {  	s0 =	rddreg [dreg:$0x2];
	s1 =	stileid.u32;
	s14 =	simm.s32 $0x2  }
0x4: {  	s15 =	simm.s32 $0x1400;
	s16 =	simm.s32 $0x2800;
	s17 =	simm.s32 $0x80  }
0x5: {  	s18 =	simm.s32 $0x1;
	s19 =	simm.s32 $0x0;
	s9 =	smul.u32 $0x14000, s1  }
0x6: {  	s6 =	sand.u32 $0x1, s3;
	s3 =	simm.s32 $0x0;
	s30 =	smul.u32 $0x50000, s1  }
0x7: {  	s4 =	sshll.u32 s1, $0x1;
	s7 =	smul.u32 $0x140000, s6;
	[smem:$0x7FF] =	sst s3  }
0x8: {  	s8 =	sor.u32 s6, s4;
	s4 =	sadd.s32 $0x2DC00, s5;
	s6 =	ssub.s32 $0x2, s6  }
0x9: {  	_ =	strace $0x8000004D;
	s8 =	smul.u32 $0x280, s8;
	s10 =	sshrl.u32 s6, $0x1  }
0xa: {  	s31 =	sshrl.u32 s30, $0x2;
	s7 =	sadd.s32 s9, s7;
	s10 =	ssub.s32 s6, s10  }
0xb: {  	s8 =	sadd.s32 s8, s5;
	s7 =	sshrl.u32 s7, $0x3;
	s9 =	smax.u32 s10, $0x1  }
0xc: {  	s11 =	sadd.s32 s7, s5;
	s5 =	sadd.s32 $0x8400, s8;
	s7 =	sadd.s32 s31, s2  }
0xd: {  	s6 =	sadd.s32 $0x3400, s8;
	s8 =	sadd.s32 $0xA5C00, s11;
	s10 =	sadd.s32 $0x4000, s7  }
0xe: {  	v0 =	vimm.f32 $0.0e+00;
	s11 =	sadd.s32 $0x8000, s7;
	s12 =	sadd.s32 $0xC000, s7;
	s13 =	sadd.s32 $0x10000, s7  }
.LBB2_1:
0xf: {  	[tilespmem:s3], [sflag:$0x2] =	stream.linear.gather [hbm4b:s5+s3], $0x1400, $0x38;
	[tilespmem:$0x1E800] =	vst v63  }
0x10: {  	_ =	swait.ge [sflag:s14], $0x1400  }
0x11: {  	[sflag:s14] =	ssyncset.done $0x0  }
0x12: {  	[sflag:s14] =	ssyncadd.s32 $0xFFFFEC00  }
0x13: {  	[tilespmem:s15], [sflag:$0x2] =	stream.linear.gather [hbm4b:s6+s3], $0x1400, $0x38;
	[tilespmem:$0x1E800] =	vst v63  }
0x14: {  	_ =	swait.ge [sflag:s14], $0x1400  }
0x15: {  	[sflag:s14] =	ssyncset.done $0x0  }
0x16: {  	s20 =	simm.s32 $0x0;
	s21 =	simm.s32 $0x200;
	[sflag:s14] =	ssyncadd.s32 $0xFFFFEC00  }
.LBB2_2:
0x17: {  	p0 =	sne.s32 s21, $0xFE00;
	[tilespmem:s20+$0x2870] =	vst v0  }
0x18: {  	[tilespmem:s20+$0x2800] =	vst v0  }
0x19: {  	[tilespmem:s20+$0x2810] =	vst v0  }
.Ltmp0:
0x1a: {  	[tilespmem:s20+$0x2820] =	vst v0;
	(pc) =	sbr.rel @p0 .LBB2_2-.Ltmp0, $4  }
0x1b: {  	[tilespmem:s20+$0x2830] =	vst v0  }
0x1c: {  	[tilespmem:s20+$0x2840] =	vst v0  }
0x1d: {  	[tilespmem:s20+$0x2850] =	vst v0  }
0x1e: {  	[tilespmem:s20+$0x2860] =	vst v0;
	s20 =	sshra.s32 s21, $0x2;
	s21 =	sadd.s32 $0x200, s21  }
0x1f: {  	[tilespmem:s20+$0x2870] =	vst v0  }
0x20: {  	[tilespmem:s20+$0x2800] =	vst v0  }
0x21: {  	[tilespmem:s20+$0x2810] =	vst v0  }
0x22: {  	[tilespmem:s20+$0x2820] =	vst v0  }
0x23: {  	[tilespmem:s20+$0x2830] =	vst v0  }
0x24: {  	[tilespmem:s20+$0x2840] =	vst v0  }
0x25: {  	[tilespmem:s20+$0x2850] =	vst v0  }
0x26: {  	[tilespmem:s20+$0x2860] =	vst v0  }
0x27: {  	[spmem:s7] =	stream.linear.scatter [tilespmem:s16], [sflag:$0x2], $0x4000, $0x38;
	[tilespmem:$0x1E800] =	vst v63  }
0x28: {  	_ =	swait.ge [sflag:s14], $0x4000  }
0x29: {  	[sflag:s14] =	ssyncset.done $0x0  }
0x2a: {  	[sflag:s14] =	ssyncadd.s32 $0xFFFFC000  }
0x2b: {  	[spmem:s10] =	stream.linear.scatter [tilespmem:s16], [sflag:$0x2], $0x4000, $0x38;
	[tilespmem:$0x1E800] =	vst v63  }
0x2c: {  	_ =	swait.ge [sflag:s14], $0x4000  }
0x2d: {  	[sflag:s14] =	ssyncset.done $0x0  }
0x2e: {  	[sflag:s14] =	ssyncadd.s32 $0xFFFFC000  }
0x2f: {  	[spmem:s11] =	stream.linear.scatter [tilespmem:s16], [sflag:$0x2], $0x4000, $0x38;
	[tilespmem:$0x1E800] =	vst v63  }
0x30: {  	_ =	swait.ge [sflag:s14], $0x4000  }
0x31: {  	[sflag:s14] =	ssyncset.done $0x0  }
0x32: {  	[sflag:s14] =	ssyncadd.s32 $0xFFFFC000  }
0x33: {  	[spmem:s12] =	stream.linear.scatter [tilespmem:s16], [sflag:$0x2], $0x4000, $0x38;
	[tilespmem:$0x1E800] =	vst v63  }
0x34: {  	_ =	swait.ge [sflag:s14], $0x4000  }
0x35: {  	[sflag:s14] =	ssyncset.done $0x0  }
0x36: {  	[sflag:s14] =	ssyncadd.s32 $0xFFFFC000  }
0x37: {  	[spmem:s13] =	stream.linear.scatter [tilespmem:s16], [sflag:$0x2], $0x4000, $0x38;
	[tilespmem:$0x1E800] =	vst v63  }
0x38: {  	_ =	swait.ge [sflag:s14], $0x4000  }
0x39: {  	[sflag:s14] =	ssyncset.done $0x0  }
0x3a: {  	s21 =	simm.s32 $0x4000;
	[sflag:s14] =	ssyncadd.s32 $0xFFFFC000  }
0x3b: {  	s29 =	simm.s32 $0x80;
	s21 =	sand.u32 $0x4000, s21;
	[bflag:$0x0] =	sbarrier.arrive $0xFFFF  }
0x3c: {  	[tilespmem:s16], [sflag:$0x1] =	stream.indirect.gather [hbm4b:s4+s29], $0x80, s3, s29, $0xb8;
	[tilespmem:$0x1E800] =	vst v63  }
0x3d: {  	s21 =	sor.u32 $0x2800, s21  }
0x3e: {  	[tilespmem:s21], [sflag:$0x1] =	stream.indirect.gather [hbm4b:s4+s17], $0x80, s29, s17, $0xb8;
	[tilespmem:$0x1E800] =	vst v63  }
0x3f: {  	s30 =	simm.s32 $0x0;
	_ =	swait.ge [sflag:s18], $0x4000  }
0x40: {  	s31 =	simm.s32 $0x1400;
	s20 =	sand.u32 $0x4000, s30;
	[sflag:s18] =	ssyncset.done $0x0  }
0x41: {  	s22 =	simm.s32 $0x8000;
	s20 =	sor.u32 $0x2800, s20;
	[sflag:s18] =	ssyncadd.s32 $0xFFFFC000  }
0x42: {  	[spmem:s2] =	stream.indirect.scatter.add.f32 [tilespmem:s20], [sflag:$0x2], $0x80, s31, s17, $0xb8;
	[tilespmem:$0x1E800] =	vst v63  }
0x43: {  	s23 =	simm.s32 $0xC000;
	s24 =	sand.u32 $0x4000, s22;
	_ =	swait.ge [sflag:s14], $0x4000  }
0x44: {  	s21 =	simm.s32 $0x100;
	s20 =	simm.s32 $0x1480;
	[sflag:s14] =	ssyncset.done $0x0  }
.LBB2_4:
0x45: {  	s24 =	sor.u32 $0x2800, s24  }
0x46: {  	[sflag:s14] =	ssyncadd.s32 $0xFFFFC000;
	s25 =	smov.u32 s23;
	s26 =	sadd.s32 $0x4000, s23  }
0x47: {  	[tilespmem:s24], [sflag:$0x1] =	stream.indirect.gather [hbm4b:s4+s17], $0x80, s21, s17, $0xb8;
	[tilespmem:$0x1E800] =	vst v63  }
0x48: {  	p0 =	sne.s32 s23, $0x9C000;
	s22 =	sadd.s32 $0xFFFFC000, s22;
	_ =	swait.ge [sflag:s18], $0x4000  }
.Ltmp1:
0x49: {  	s22 =	sand.u32 $0x4000, s22;
	[sflag:s18] =	ssyncset.done $0x0;
	(pc) =	sbr.rel @p0 .LBB2_4-.Ltmp1, $4  }
0x4a: {  	s23 =	sor.u32 $0x2800, s22;
	s22 =	smov.u32 s25;
	[sflag:s18] =	ssyncadd.s32 $0xFFFFC000  }
0x4b: {  	[spmem:s2] =	stream.indirect.scatter.add.f32 [tilespmem:s23], [sflag:$0x2], $0x80, s20, s17, $0xb8;
	[tilespmem:$0x1E800] =	vst v63  }
0x4c: {  	s21 =	sadd.s32 $0x80, s21;
	s24 =	sand.u32 $0x4000, s22;
	_ =	swait.ge [sflag:s14], $0x4000  }
0x4d: {  	s20 =	sadd.s32 $0x80, s20;
	s23 =	smov.u32 s26;
	[sflag:s14] =	ssyncset.done $0x0  }
0x4e: {  	s23 =	sor.u32 $0x2800, s24;
	[sflag:s14] =	ssyncadd.s32 $0xFFFFC000  }
0x4f: {  	[tilespmem:s23], [sflag:$0x1] =	stream.indirect.gather [hbm4b:s4+s17], $0x80, s21, s17, $0xb8;
	[tilespmem:$0x1E800] =	vst v63  }
0x50: {  	s28 =	sadd.s32 $0xFFFFC000, s22;
	_ =	swait.ge [sflag:s18], $0x4000  }
0x51: {  	s21 =	sand.u32 $0x4000, s28;
	[sflag:s18] =	ssyncset.done $0x0  }
0x52: {  	s21 =	sor.u32 $0x2800, s21;
	[sflag:s18] =	ssyncadd.s32 $0xFFFFC000  }
0x53: {  	[spmem:s2] =	stream.indirect.scatter.add.f32 [tilespmem:s21], [sflag:$0x2], $0x80, s20, s17, $0xb8;
	[tilespmem:$0x1E800] =	vst v63  }
0x54: {  	_ =	swait.ge [sflag:s14], $0x4000  }
0x55: {  	[sflag:s14] =	ssyncset.done $0x0  }
0x56: {  	[sflag:s14] =	ssyncadd.s32 $0xFFFFC000  }
0x57: {  	_ =	swait.ge [sflag:s18], $0x4000  }
0x58: {  	[sflag:s18] =	ssyncset.done $0x0  }
0x59: {  	s29 =	sadd.s32 $0x80, s20;
	[sflag:s18] =	ssyncadd.s32 $0xFFFFC000  }
0x5a: {  	[spmem:s2] =	stream.indirect.scatter.add.f32 [tilespmem:s23], [sflag:$0x2], $0x80, s29, s17, $0xb8;
	[tilespmem:$0x1E800] =	vst v63  }
0x5b: {  	_ =	swait.ge [sflag:s14], $0x4000  }
0x5c: {  	s30 =	sshll.u32 s1, $0x6;
	s19 =	sadd.s32 $0x1, s19;
	[sflag:s14] =	ssyncset.done $0x0  }
0x5d: {  	s31 =	sshrl.u32 s7, $0x3;
	p0 =	sne.s32 s19, s9;
	[sflag:s14] =	ssyncadd.s32 $0xFFFFC000  }
.Ltmp2:
0x5e: {  	s20 =	sor.u32 $0x1C02, s30;
	[bflag:$0x0] =	sbarrier.arrive $0xFFFF;
	(pc) =	sbr.rel @p0 .LBB2_1-.Ltmp2, $4  }
0x5f: {  	[hbm:s8], [sflag:s20] =	dma.local [spmem:s31], $0x2800  }
0x60: {  	_ =	swait.ge [sflag:s14], $0x2800  }
0x61: {  	[sflag:s14] =	ssyncset.done $0x0  }
0x62: {  	[sflag:s14] =	ssyncadd.s32 $0xFFFFD800  }
0x63: {  	_ =	sfence.sel $0x180000  }
0x64: {  	[bflag:$0x0] =	sbarrier.arrive $0xFFFF  }
0x65: {  	p0 =	sne.s32 s1, $0x0;
	_ =	strace $0x9000004D  }
0x66: {  	s0 =	sadd.s32 @!p0 $0x100000, s0;
	[bflag:$0x2] =	sbarrier.arrive $0xFFFF  }
0x67: {  	[sflag:s0] =	ssyncadd.tile.s32 @!p0 $0x1;
	_ =	shalt  }
.Lfunc_end2:
_tile_overlayer_lowered:
.L_overlay_start_2:
0x68: {  	(tag) =	ssettag $0x2  }
0x69: {  	s0 =	rddreg [dreg:$0x0];
	s2 =	stileid.u32  }
0x6a: {  	s1 =	rddreg [dreg:$0x1];
	p0 =	sne.s32 s2, $0x0  }
0x6b: {  	s3 =	rddreg [dreg:$0x2];
	[bflag:$0x3] =	sbarrier.arrive $0xFFFF;
	s2 =	simm.s32 @!p0 $0x1C02  }
0x6c: {  	[timem:s3], [sflag:s2] =	dma.local @!p0 [hbm:s0], s1  }
0x6d: {  	s0 =	simm.s32 @!p0 $0x2  }
0x6e: {  	_ =	swait.ge @!p0 [sflag:s0], s1  }
0x6f: {  	s1 =	ssub.s32 @!p0 $0x0, s1;
	[sflag:s0] =	ssyncset.done @!p0 $0x0  }
0x70: {  	[sflag:s0] =	ssyncadd.s32 @!p0 s1  }
0x71: {  	[bflag:$0x3] =	sbarrier.arrive $0xFFFF  }
0x72: {  	_ =	shalt  }

// kernel: kernel.16.cloned.1.call-start
scs
__scs_entry_jumppad:
0x0: {  	(pc) =	sbr.rel $0x88, $3  }
0x1: {  	(tag) =	ssettag $0x0;
	lr =	simm.s32 $0x1  }
0x2: {  	[smem:$0x3F9A] =	sst lr;
	_ =	strace $0xD0000000  }
0x3: {  	_ = 	snop  }
0x4: {  	_ = 	snop  }
0x5: {  	_ = 	snop  }
0x6: {  	_ = 	snop  }
0x7: {  	_ = 	snop  }
__scs_overlays_trampoline_lowered:
0x8: {  	[smem:$0x3FA9] =	sst s0  }
0x9: {  	[smem:$0x3FAA] =	sst s1  }
0xa: {  	[smem:$0x3FAB] =	sst s2  }
0xb: {  	[smem:$0x3FAC] =	sst s3  }
0xc: {  	[smem:$0x3FAD] =	sst s4  }
0xd: {  	[smem:$0x3FAE] =	sst s5  }
0xe: {  	[smem:$0x3FAF] =	sst s6  }
0xf: {  	[smem:$0x3FB0] =	sst s7  }
0x10: {  	[smem:$0x3FB1] =	sst s8  }
0x11: {  	[smem:$0x3FB2] =	sst s9;
	s0 =	simm.s32 @!p0 $0x0  }
0x12: {  	s1 =	sld [smem:$0x3F98];
	s0 =	simm.s32 @p0 $0x1  }
0x13: {  	[smem:$0x3FB3] =	sst s0;
	s0 =	simm.s32 @!p1 $0x0  }
0x14: {  	s2 =	sld [smem:$0x3F97];
	s0 =	simm.s32 @p1 $0x1  }
0x15: {  	[smem:$0x3FB4] =	sst s0;
	s0 =	simm.s32 @!p2 $0x0  }
0x16: {  	s3 =	sld [smem:$0x3FDB];
	s0 =	simm.s32 @p2 $0x1  }
0x17: {  	s4 =	simm.s32 $0x1BF5;
	[smem:$0x3FB6] =	sst s0  }
0x18: {  	s0 =	sld [smem:$0x3F99];
	_ =	swait.ge [sflag:s4], $0x0  }
0x19: {  	s7 =	sld [smem:$0x3F9A]  }
0x1a: {  	s8 =	sadd.s32 $0xFFFFE003, lr  }
0x1b: {  	s9 =	sadd.s32 $0xFFFFFEF7, lr;
	s5 =	simm.s32 $0xFFFFFFFF;
	p2 =	slt.u32 s8, $0xFFFFF086  }
0x1c: {  	p1 =	slt.u32 s9, $0xF7A;
	s5 =	simm.s32 @!p2 $0x0  }
0x1d: {  	s5 =	simm.s32 @p1 $0x1;
	p0 =	seq.s32 s7, s2  }
0x1e: {  	s7 =	smul.u32 @!p0 $0xF7A, s2;
	p2 =	seq.s32 @!p0 s5, $0x0  }
0x1f: {  	s9 =	smul.u32 $0xF7A, s1;
	s8 =	simm.s32 @!p0 $0x1BF5;
	p2 =	por !p2, p0  }
0x20: {  	[sflag:s8] =	ssyncset.s32 @!p0 $0xFFFFF086;
	s6 =	sadd.s32 @!p0 s3, s7;
	s7 =	simm.s32 @!p0 $0x108  }
0x21: {  	s3 =	sadd.s32 s3, s9;
	s6 =	sadd.s32 @!p0 $0x88, s6;
	s7 =	simm.s32 @p2 $0x1082  }
0x22: {  	[simem:s7], [sflag:s8] =	dma.local @!p0 [hbm:s6], $0xF7A  }
0x23: {  	s9 =	sor.u32 $0xD0000000, s2;
	s6 =	simm.s32 $0x108;
	_ =	swait.ge @!p0 [sflag:s8], $0x0  }
0x24: {  	s3 =	sadd.s32 $0x88, s3;
	s6 =	simm.s32 @!p1 $0x1082;
	[sflag:s4] =	ssyncset.s32 $0xFFFFF086  }
0x25: {  	[simem:s6], [sflag:s4] =	dma.local [hbm:s3], $0xF7A  }
0x26: {  	[smem:$0x3F9A] =	sst s1;
	(tag) =	ssettag s2;
	_ =	strace s9  }
0x27: {  	s1 =	sld [smem:$0x3FAA]  }
0x28: {  	s2 =	sld [smem:$0x3FAB]  }
0x29: {  	s4 =	sld [smem:$0x3FAD]  }
0x2a: {  	p0 =	seq.s32 s5, $0x0;
	s5 =	sld [smem:$0x3FAE]  }
0x2b: {  	s6 =	sld [smem:$0x3FAF]  }
0x2c: {  	s7 =	sld [smem:$0x3FB0]  }
0x2d: {  	s3 =	simm.s32 $0x108;
	s8 =	sld [smem:$0x3FB1]  }
0x2e: {  	s3 =	simm.s32 @!p0 $0x1082;
	s9 =	sld [smem:$0x3FB2]  }
0x2f: {  	lr =	sadd.s32 s0, s3;
	s0 =	sld [smem:$0x3FA9]  }
0x30: {  	s3 =	sld [smem:$0x3FAC]  }
0x31: {  	[smem:$0x3FB5] =	sst s10  }
0x32: {  	s10 =	sld [smem:$0x3FB3];
	_ =	sdelay $0x3  }
0x33: {  	p0 =	seq.s32 s10, $0x1;
	s10 =	sld [smem:$0x3FB5];
	_ =	sdelay $0x3  }
0x34: {  	[smem:$0x3FB5] =	sst s10  }
0x35: {  	s10 =	sld [smem:$0x3FB4];
	_ =	sdelay $0x3  }
0x36: {  	p1 =	seq.s32 s10, $0x1;
	s10 =	sld [smem:$0x3FB5];
	_ =	sdelay $0x3  }
0x37: {  	[smem:$0x3FB5] =	sst s10  }
0x38: {  	s10 =	sld [smem:$0x3FB6]  }
0x39: {  	_ = 	snop;
	(pc) =	sbr.ind lr, $3  }
0x3a: {  	_ = 	snop  }
0x3b: {  	_ = 	snop  }
0x3c: {  	p2 =	seq.s32 s10, $0x1;
	s10 =	sld [smem:$0x3FB5]  }
0x3d: {  	_ =	shalt  }
0x3e: {  	_ =	shalt  }
0x3f: {  	_ =	shalt  }
0x40: {  	_ =	shalt  }
0x41: {  	_ =	shalt  }
0x42: {  	_ =	shalt  }
0x43: {  	_ =	shalt  }
0x44: {  	_ =	shalt  }
0x45: {  	_ =	shalt  }
0x46: {  	_ =	shalt  }
0x47: {  	_ =	shalt  }
0x48: {  	_ =	shalt  }
0x49: {  	_ =	shalt  }
0x4a: {  	_ =	shalt  }
0x4b: {  	_ =	shalt  }
0x4c: {  	_ =	shalt  }
0x4d: {  	_ =	shalt  }
0x4e: {  	_ =	shalt  }
0x4f: {  	_ =	shalt  }
0x50: {  	_ =	shalt  }
0x51: {  	_ =	shalt  }
0x52: {  	_ =	shalt  }
0x53: {  	_ =	shalt  }
0x54: {  	_ =	shalt  }
0x55: {  	_ =	shalt  }
0x56: {  	_ =	shalt  }
0x57: {  	_ =	shalt  }
0x58: {  	_ =	shalt  }
0x59: {  	_ =	shalt  }
0x5a: {  	_ =	shalt  }
0x5b: {  	_ =	shalt  }
0x5c: {  	_ =	shalt  }
0x5d: {  	_ =	shalt  }
0x5e: {  	_ =	shalt  }
0x5f: {  	_ =	shalt  }
0x60: {  	_ =	shalt  }
0x61: {  	_ =	shalt  }
0x62: {  	_ =	shalt  }
0x63: {  	_ =	shalt  }
0x64: {  	_ =	shalt  }
0x65: {  	_ =	shalt  }
0x66: {  	_ =	shalt  }
0x67: {  	_ =	shalt  }
0x68: {  	_ =	shalt  }
0x69: {  	_ =	shalt  }
0x6a: {  	_ =	shalt  }
0x6b: {  	_ =	shalt  }
0x6c: {  	_ =	shalt  }
0x6d: {  	_ =	shalt  }
0x6e: {  	_ =	shalt  }
0x6f: {  	_ =	shalt  }
0x70: {  	_ =	shalt  }
0x71: {  	_ =	shalt  }
0x72: {  	_ =	shalt  }
0x73: {  	_ =	shalt  }
0x74: {  	_ =	shalt  }
0x75: {  	_ =	shalt  }
0x76: {  	_ =	shalt  }
0x77: {  	_ =	shalt  }
0x78: {  	_ =	shalt  }
0x79: {  	_ =	shalt  }
0x7a: {  	_ =	shalt  }
0x7b: {  	_ =	shalt  }
0x7c: {  	_ =	shalt  }
0x7d: {  	_ =	shalt  }
0x7e: {  	_ =	shalt  }
0x7f: {  	_ =	shalt  }
0x80: {  	_ =	shalt  }
0x81: {  	_ =	shalt  }
0x82: {  	_ =	shalt  }
0x83: {  	_ =	shalt  }
0x84: {  	_ =	shalt  }
0x85: {  	_ =	shalt  }
0x86: {  	_ =	shalt  }
0x87: {  	_ =	shalt  }
.Lfunc_end0:
.L_simem_size_0:
called_computation.2_lowered:
.L_overlay_start_0:
0x88: {  	s2 =	sld [smem:$0x3FD9]  }
0x89: {  	s3 =	sld [smem:$0x3FFE];
	_ =	sdelay $0x1  }
0x8a: {  	s1 =	srdreg.scid  }
0x8b: {  	s0 =	sand.u32 $0x1, s1  }
0x8c: {  	s16 =	sshll.u32 s0, $0xA;
	s2 =	sadd.s32 s3, s2  }
0x8d: {  	s2 =	sadd.s32 s2, s16  }
0x8e: {  	[smem:$0x3FC1] =	sst s2  }
0x8f: {  	_ = 	snop  }
0x90: {  	(tm) =	ssettm $0x1  }
0x91: {  	s17 =	sld [smem:$0x3FFB];
	_ =	sdelay $0x3  }
0x92: {  	_ =	strace s17  }
0x93: {  	s2 =	sld [smem:$0x3FFC];
	_ =	sdelay $0x3  }
0x94: {  	_ =	strace s2  }
0x95: {  	s2 =	sld [smem:$0x3FFD];
	_ =	sdelay $0x3  }
0x96: {  	_ =	strace s2  }
0x97: {  	_ =	strace $0x8FFFFFFF  }
0x98: {  	s18 =	sld [smem:$0x3FDB];
	_ =	sdelay $0x1  }
0x99: {  	s19 =	simm.s32 $_scs_section_size  }
0x9a: {  	s4 =	simm.s32 $_size__tile_overlayer_lowered;
	s5 =	simm.s32 $_tile_overlayer_lowered  }
0x9b: {  	s22 =	simm.s32 $0x1BFF;
	s21 =	sshll.u32 s5, $0x1;
	s2 =	sadd.s32 s19, s18  }
0x9c: {  	s6 =	simm.s32 $0x0;
	s20 =	sshll.u32 s4, $0x1;
	s4 =	sadd.s32 s21, s2  }
0x9d: {  	[timem:s6], [sflag:s22] =	dma.local [hbm:s4], s20  }
0x9e: {  	_ =	swait.ge [sflag:s22], s20  }
0x9f: {  	s3 =	ssub.s32 $0x0, s20;
	[sflag:s22] =	ssyncset.done $0x0  }
0xa0: {  	[sflag:s22] =	ssyncadd.s32 s3;
	_ =	sdelay $0x1  }
0xa1: {  	s23 =	simm.s32 $0x1B8B  }
0xa2: {  	_ =	swait.ge [sflag:s23], $0x1  }
0xa3: {  	[sflag:s23] =	ssyncset.done $0x0  }
0xa4: {  	s25 =	simm.s32 $0x1B8E;
	s24 =	sld [smem:$0x3FFE];
	[sflag:s23] =	ssyncadd.s32 $0xFFFFFFFF  }
0xa5: {  	s26 =	simm.s32 $execute0_lowered;
	[smem:$0x3FD2] =	sst s25  }
0xa6: {  	s4 =	sshll.u32 s26, $0x1;
	_ =	strace $0x80000049;
	[dreg:$0x1] =	wrdreg $0xFFFFFFFF  }
0xa7: {  	s28 =	simm.s32 $_size_execute0_lowered;
	s2 =	sadd.s32 s2, s4;
	[dreg:$0x0] =	wrdreg $0x0  }
0xa8: {  	s4 =	sshll.u32 s28, $0x1;
	[dreg:$0x2] =	wrdreg s2  }
0xa9: {  	[dreg:$0x3] =	wrdreg s4  }
0xaa: {  	[dreg:$0x4] =	wrdreg $0xC0  }
0xab: {  	_ =	task [dreg:s6], $0x5FFFF  }
0xac: {  	[dreg:$0x1] =	wrdreg $0xFFFFFFFF  }
0xad: {  	[dreg:$0x0] =	wrdreg $0x60  }
0xae: {  	[dreg:$0x2] =	wrdreg s24  }
0xaf: {  	[dreg:$0x3] =	wrdreg $0xA8000  }
0xb0: {  	[dreg:$0x4] =	wrdreg $0xA  }
0xb1: {  	_ =	task.clear_ibuf [dreg:s6], $0x5FFFF;
	_ =	strace $0x90000049  }
0xb2: {  	s29 =	simm.s32 $0xA;
	_ =	strace $0x8000004B  }
0xb3: {  	_ =	swait.ge [sflag:s29], $0x1  }
0xb4: {  	[sflag:s29] =	ssyncadd.s32 $0xFFFFFFFF  }
0xb5: {  	_ =	strace $0x9000004B  }
0xb6: {  	_ =	sfence  }
0xb7: {  	s30 =	sld [smem:$0x0];
	_ =	sdelay $0x2  }
0xb8: {  	s31 =	sshll.u32 s1, $0xD;
	s1 =	sshrl.u32 s1, $0x2  }
0xb9: {  	s3 =	sand.u32 $0x4000, s31;
	s1 =	sadd.s32 s1, s30  }
0xba: {  	s0 =	sor.u32 s3, s0;
	s1 =	sshll.u32 s1, $0x11  }
0xbb: {  	s0 =	sor.u32 s1, s0  }
0xbc: {  	s0 =	sadd.s32 $0x8F2B, s0  }
0xbd: {  	[sflag:s0] =	ssyncadd.remote.s32 $0x1  }
0xbe: {  	_ =	sfence.sel $0xFFFF  }
0xbf: {  	[dreg:$0x0] =	wrdreg $0xFFFFFFFF;
	(pc) =	sbr.abs _section_cstart, $3  }
0xc0: {  	[dreg:$0x1] =	wrdreg $0xFFFFFFFF  }
0xc1: {  	_ =	task.clear_ibuf [dreg:s6], $0x2FFFF;
	_ =	strace $0x9FFFFFFF  }
0xc2: {  	(tm) =	ssettm $0x7FFFFFFF  }
0xc3: {  	_ =	shalt  }
tec
execute0_lowered:
.L_overlay_start_1:
0x0: {  	(tag) =	ssettag $0x1  }
0x1: {  	s5 =	rddreg [dreg:$0x0]  }
0x2: {  	s2 =	rddreg [dreg:$0x1];
	s3 =	srdreg.scid  }
0x3: {  	s0 =	rddreg [dreg:$0x2];
	s1 =	stileid.u32;
	s14 =	simm.s32 $0x2  }
0x4: {  	s15 =	simm.s32 $0x1400;
	s16 =	simm.s32 $0x2800;
	s17 =	simm.s32 $0x80  }
0x5: {  	s18 =	simm.s32 $0x1;
	s19 =	simm.s32 $0x0;
	s9 =	smul.u32 $0x14000, s1  }
0x6: {  	s6 =	sand.u32 $0x1, s3;
	s3 =	simm.s32 $0x0;
	s30 =	smul.u32 $0x50000, s1  }
0x7: {  	s4 =	sshll.u32 s1, $0x1;
	s7 =	smul.u32 $0x140000, s6;
	[smem:$0x7FF] =	sst s3  }
0x8: {  	s8 =	sor.u32 s6, s4;
	s4 =	sadd.s32 $0x2DC00, s5;
	s6 =	ssub.s32 $0x2, s6  }
0x9: {  	_ =	strace $0x8000004A;
	s8 =	smul.u32 $0x280, s8;
	s10 =	sshrl.u32 s6, $0x1  }
0xa: {  	s31 =	sshrl.u32 s30, $0x2;
	s7 =	sadd.s32 s9, s7;
	s10 =	ssub.s32 s6, s10  }
0xb: {  	s8 =	sadd.s32 s8, s5;
	s7 =	sshrl.u32 s7, $0x3;
	s9 =	smax.u32 s10, $0x1  }
0xc: {  	s11 =	sadd.s32 s7, s5;
	s5 =	sadd.s32 $0x28C00, s8;
	s7 =	sadd.s32 s31, s2  }
0xd: {  	s6 =	sadd.s32 $0x23C00, s8;
	s8 =	sadd.s32 $0x55C00, s11;
	s10 =	sadd.s32 $0x4000, s7  }
0xe: {  	v0 =	vimm.f32 $0.0e+00;
	s11 =	sadd.s32 $0x8000, s7;
	s12 =	sadd.s32 $0xC000, s7;
	s13 =	sadd.s32 $0x10000, s7  }
.LBB2_1:
0xf: {  	[tilespmem:s3], [sflag:$0x2] =	stream.linear.gather [hbm4b:s5+s3], $0x1400, $0x38;
	[tilespmem:$0x1E800] =	vst v63  }
0x10: {  	_ =	swait.ge [sflag:s14], $0x1400  }
0x11: {  	[sflag:s14] =	ssyncset.done $0x0  }
0x12: {  	[sflag:s14] =	ssyncadd.s32 $0xFFFFEC00  }
0x13: {  	[tilespmem:s15], [sflag:$0x2] =	stream.linear.gather [hbm4b:s6+s3], $0x1400, $0x38;
	[tilespmem:$0x1E800] =	vst v63  }
0x14: {  	_ =	swait.ge [sflag:s14], $0x1400  }
0x15: {  	[sflag:s14] =	ssyncset.done $0x0  }
0x16: {  	s20 =	simm.s32 $0x0;
	s21 =	simm.s32 $0x200;
	[sflag:s14] =	ssyncadd.s32 $0xFFFFEC00  }
.LBB2_2:
0x17: {  	p0 =	sne.s32 s21, $0xFE00;
	[tilespmem:s20+$0x2870] =	vst v0  }
0x18: {  	[tilespmem:s20+$0x2800] =	vst v0  }
0x19: {  	[tilespmem:s20+$0x2810] =	vst v0  }
.Ltmp0:
0x1a: {  	[tilespmem:s20+$0x2820] =	vst v0;
	(pc) =	sbr.rel @p0 .LBB2_2-.Ltmp0, $4  }
0x1b: {  	[tilespmem:s20+$0x2830] =	vst v0  }
0x1c: {  	[tilespmem:s20+$0x2840] =	vst v0  }
0x1d: {  	[tilespmem:s20+$0x2850] =	vst v0  }
0x1e: {  	[tilespmem:s20+$0x2860] =	vst v0;
	s20 =	sshra.s32 s21, $0x2;
	s21 =	sadd.s32 $0x200, s21  }
0x1f: {  	[tilespmem:s20+$0x2870] =	vst v0  }
0x20: {  	[tilespmem:s20+$0x2800] =	vst v0  }
0x21: {  	[tilespmem:s20+$0x2810] =	vst v0  }
0x22: {  	[tilespmem:s20+$0x2820] =	vst v0  }
0x23: {  	[tilespmem:s20+$0x2830] =	vst v0  }
0x24: {  	[tilespmem:s20+$0x2840] =	vst v0  }
0x25: {  	[tilespmem:s20+$0x2850] =	vst v0  }
0x26: {  	[tilespmem:s20+$0x2860] =	vst v0  }
0x27: {  	[spmem:s7] =	stream.linear.scatter [tilespmem:s16], [sflag:$0x2], $0x4000, $0x38;
	[tilespmem:$0x1E800] =	vst v63  }
0x28: {  	_ =	swait.ge [sflag:s14], $0x4000  }
0x29: {  	[sflag:s14] =	ssyncset.done $0x0  }
0x2a: {  	[sflag:s14] =	ssyncadd.s32 $0xFFFFC000  }
0x2b: {  	[spmem:s10] =	stream.linear.scatter [tilespmem:s16], [sflag:$0x2], $0x4000, $0x38;
	[tilespmem:$0x1E800] =	vst v63  }
0x2c: {  	_ =	swait.ge [sflag:s14], $0x4000  }
0x2d: {  	[sflag:s14] =	ssyncset.done $0x0  }
0x2e: {  	[sflag:s14] =	ssyncadd.s32 $0xFFFFC000  }
0x2f: {  	[spmem:s11] =	stream.linear.scatter [tilespmem:s16], [sflag:$0x2], $0x4000, $0x38;
	[tilespmem:$0x1E800] =	vst v63  }
0x30: {  	_ =	swait.ge [sflag:s14], $0x4000  }
0x31: {  	[sflag:s14] =	ssyncset.done $0x0  }
0x32: {  	[sflag:s14] =	ssyncadd.s32 $0xFFFFC000  }
0x33: {  	[spmem:s12] =	stream.linear.scatter [tilespmem:s16], [sflag:$0x2], $0x4000, $0x38;
	[tilespmem:$0x1E800] =	vst v63  }
0x34: {  	_ =	swait.ge [sflag:s14], $0x4000  }
0x35: {  	[sflag:s14] =	ssyncset.done $0x0  }
0x36: {  	[sflag:s14] =	ssyncadd.s32 $0xFFFFC000  }
0x37: {  	[spmem:s13] =	stream.linear.scatter [tilespmem:s16], [sflag:$0x2], $0x4000, $0x38;
	[tilespmem:$0x1E800] =	vst v63  }
0x38: {  	_ =	swait.ge [sflag:s14], $0x4000  }
0x39: {  	[sflag:s14] =	ssyncset.done $0x0  }
0x3a: {  	s21 =	simm.s32 $0x4000;
	[sflag:s14] =	ssyncadd.s32 $0xFFFFC000  }
0x3b: {  	s29 =	simm.s32 $0x80;
	s21 =	sand.u32 $0x4000, s21;
	[bflag:$0x0] =	sbarrier.arrive $0xFFFF  }
0x3c: {  	[tilespmem:s16], [sflag:$0x1] =	stream.indirect.gather [hbm4b:s4+s29], $0x80, s3, s29, $0xb8;
	[tilespmem:$0x1E800] =	vst v63  }
0x3d: {  	s21 =	sor.u32 $0x2800, s21  }
0x3e: {  	[tilespmem:s21], [sflag:$0x1] =	stream.indirect.gather [hbm4b:s4+s17], $0x80, s29, s17, $0xb8;
	[tilespmem:$0x1E800] =	vst v63  }
0x3f: {  	s30 =	simm.s32 $0x0;
	_ =	swait.ge [sflag:s18], $0x4000  }
0x40: {  	s31 =	simm.s32 $0x1400;
	s20 =	sand.u32 $0x4000, s30;
	[sflag:s18] =	ssyncset.done $0x0  }
0x41: {  	s22 =	simm.s32 $0x8000;
	s20 =	sor.u32 $0x2800, s20;
	[sflag:s18] =	ssyncadd.s32 $0xFFFFC000  }
0x42: {  	[spmem:s2] =	stream.indirect.scatter.add.f32 [tilespmem:s20], [sflag:$0x2], $0x80, s31, s17, $0xb8;
	[tilespmem:$0x1E800] =	vst v63  }
0x43: {  	s23 =	simm.s32 $0xC000;
	s24 =	sand.u32 $0x4000, s22;
	_ =	swait.ge [sflag:s14], $0x4000  }
0x44: {  	s21 =	simm.s32 $0x100;
	s20 =	simm.s32 $0x1480;
	[sflag:s14] =	ssyncset.done $0x0  }
.LBB2_4:
0x45: {  	s24 =	sor.u32 $0x2800, s24  }
0x46: {  	[sflag:s14] =	ssyncadd.s32 $0xFFFFC000;
	s25 =	smov.u32 s23;
	s26 =	sadd.s32 $0x4000, s23  }
0x47: {  	[tilespmem:s24], [sflag:$0x1] =	stream.indirect.gather [hbm4b:s4+s17], $0x80, s21, s17, $0xb8;
	[tilespmem:$0x1E800] =	vst v63  }
0x48: {  	p0 =	sne.s32 s23, $0x9C000;
	s22 =	sadd.s32 $0xFFFFC000, s22;
	_ =	swait.ge [sflag:s18], $0x4000  }
.Ltmp1:
0x49: {  	s22 =	sand.u32 $0x4000, s22;
	[sflag:s18] =	ssyncset.done $0x0;
	(pc) =	sbr.rel @p0 .LBB2_4-.Ltmp1, $4  }
0x4a: {  	s23 =	sor.u32 $0x2800, s22;
	s22 =	smov.u32 s25;
	[sflag:s18] =	ssyncadd.s32 $0xFFFFC000  }
0x4b: {  	[spmem:s2] =	stream.indirect.scatter.add.f32 [tilespmem:s23], [sflag:$0x2], $0x80, s20, s17, $0xb8;
	[tilespmem:$0x1E800] =	vst v63  }
0x4c: {  	s21 =	sadd.s32 $0x80, s21;
	s24 =	sand.u32 $0x4000, s22;
	_ =	swait.ge [sflag:s14], $0x4000  }
0x4d: {  	s20 =	sadd.s32 $0x80, s20;
	s23 =	smov.u32 s26;
	[sflag:s14] =	ssyncset.done $0x0  }
0x4e: {  	s23 =	sor.u32 $0x2800, s24;
	[sflag:s14] =	ssyncadd.s32 $0xFFFFC000  }
0x4f: {  	[tilespmem:s23], [sflag:$0x1] =	stream.indirect.gather [hbm4b:s4+s17], $0x80, s21, s17, $0xb8;
	[tilespmem:$0x1E800] =	vst v63  }
0x50: {  	s28 =	sadd.s32 $0xFFFFC000, s22;
	_ =	swait.ge [sflag:s18], $0x4000  }
0x51: {  	s21 =	sand.u32 $0x4000, s28;
	[sflag:s18] =	ssyncset.done $0x0  }
0x52: {  	s21 =	sor.u32 $0x2800, s21;
	[sflag:s18] =	ssyncadd.s32 $0xFFFFC000  }
0x53: {  	[spmem:s2] =	stream.indirect.scatter.add.f32 [tilespmem:s21], [sflag:$0x2], $0x80, s20, s17, $0xb8;
	[tilespmem:$0x1E800] =	vst v63  }
0x54: {  	_ =	swait.ge [sflag:s14], $0x4000  }
0x55: {  	[sflag:s14] =	ssyncset.done $0x0  }
0x56: {  	[sflag:s14] =	ssyncadd.s32 $0xFFFFC000  }
0x57: {  	_ =	swait.ge [sflag:s18], $0x4000  }
0x58: {  	[sflag:s18] =	ssyncset.done $0x0  }
0x59: {  	s29 =	sadd.s32 $0x80, s20;
	[sflag:s18] =	ssyncadd.s32 $0xFFFFC000  }
0x5a: {  	[spmem:s2] =	stream.indirect.scatter.add.f32 [tilespmem:s23], [sflag:$0x2], $0x80, s29, s17, $0xb8;
	[tilespmem:$0x1E800] =	vst v63  }
0x5b: {  	_ =	swait.ge [sflag:s14], $0x4000  }
0x5c: {  	s30 =	sshll.u32 s1, $0x6;
	s19 =	sadd.s32 $0x1, s19;
	[sflag:s14] =	ssyncset.done $0x0  }
0x5d: {  	s31 =	sshrl.u32 s7, $0x3;
	p0 =	sne.s32 s19, s9;
	[sflag:s14] =	ssyncadd.s32 $0xFFFFC000  }
.Ltmp2:
0x5e: {  	s20 =	sor.u32 $0x1C02, s30;
	[bflag:$0x0] =	sbarrier.arrive $0xFFFF;
	(pc) =	sbr.rel @p0 .LBB2_1-.Ltmp2, $4  }
0x5f: {  	[hbm:s8], [sflag:s20] =	dma.local [spmem:s31], $0x2800  }
0x60: {  	_ =	swait.ge [sflag:s14], $0x2800  }
0x61: {  	[sflag:s14] =	ssyncset.done $0x0  }
0x62: {  	[sflag:s14] =	ssyncadd.s32 $0xFFFFD800  }
0x63: {  	_ =	sfence.sel $0x180000  }
0x64: {  	[bflag:$0x0] =	sbarrier.arrive $0xFFFF  }
0x65: {  	p0 =	sne.s32 s1, $0x0;
	_ =	strace $0x9000004A  }
0x66: {  	s0 =	sadd.s32 @!p0 $0x100000, s0;
	[bflag:$0x2] =	sbarrier.arrive $0xFFFF  }
0x67: {  	[sflag:s0] =	ssyncadd.tile.s32 @!p0 $0x1;
	_ =	shalt  }
.Lfunc_end2:
_tile_overlayer_lowered:
.L_overlay_start_2:
0x68: {  	(tag) =	ssettag $0x2  }
0x69: {  	s0 =	rddreg [dreg:$0x0];
	s2 =	stileid.u32  }
0x6a: {  	s1 =	rddreg [dreg:$0x1];
	p0 =	sne.s32 s2, $0x0  }
0x6b: {  	s3 =	rddreg [dreg:$0x2];
	[bflag:$0x3] =	sbarrier.arrive $0xFFFF;
	s2 =	simm.s32 @!p0 $0x1C02  }
0x6c: {  	[timem:s3], [sflag:s2] =	dma.local @!p0 [hbm:s0], s1  }
0x6d: {  	s0 =	simm.s32 @!p0 $0x2  }
0x6e: {  	_ =	swait.ge @!p0 [sflag:s0], s1  }
0x6f: {  	s1 =	ssub.s32 @!p0 $0x0, s1;
	[sflag:s0] =	ssyncset.done @!p0 $0x0  }
0x70: {  	[sflag:s0] =	ssyncadd.s32 @!p0 s1  }
0x71: {  	[bflag:$0x3] =	sbarrier.arrive $0xFFFF  }
0x72: {  	_ =	shalt  }

// kernel: kernel.19.cloned.1.call-start
scs
__scs_entry_jumppad:
0x0: {  	(pc) =	sbr.rel $0x88, $3  }
0x1: {  	(tag) =	ssettag $0x0;
	lr =	simm.s32 $0x1  }
0x2: {  	[smem:$0x3F9A] =	sst lr;
	_ =	strace $0xD0000000  }
0x3: {  	_ = 	snop  }
0x4: {  	_ = 	snop  }
0x5: {  	_ = 	snop  }
0x6: {  	_ = 	snop  }
0x7: {  	_ = 	snop  }
__scs_overlays_trampoline_lowered:
0x8: {  	[smem:$0x3FA9] =	sst s0  }
0x9: {  	[smem:$0x3FAA] =	sst s1  }
0xa: {  	[smem:$0x3FAB] =	sst s2  }
0xb: {  	[smem:$0x3FAC] =	sst s3  }
0xc: {  	[smem:$0x3FAD] =	sst s4  }
0xd: {  	[smem:$0x3FAE] =	sst s5  }
0xe: {  	[smem:$0x3FAF] =	sst s6  }
0xf: {  	[smem:$0x3FB0] =	sst s7  }
0x10: {  	[smem:$0x3FB1] =	sst s8  }
0x11: {  	[smem:$0x3FB2] =	sst s9;
	s0 =	simm.s32 @!p0 $0x0  }
0x12: {  	s1 =	sld [smem:$0x3F98];
	s0 =	simm.s32 @p0 $0x1  }
0x13: {  	[smem:$0x3FB3] =	sst s0;
	s0 =	simm.s32 @!p1 $0x0  }
0x14: {  	s2 =	sld [smem:$0x3F97];
	s0 =	simm.s32 @p1 $0x1  }
0x15: {  	[smem:$0x3FB4] =	sst s0;
	s0 =	simm.s32 @!p2 $0x0  }
0x16: {  	s3 =	sld [smem:$0x3FDB];
	s0 =	simm.s32 @p2 $0x1  }
0x17: {  	s4 =	simm.s32 $0x1BF5;
	[smem:$0x3FB6] =	sst s0  }
0x18: {  	s0 =	sld [smem:$0x3F99];
	_ =	swait.ge [sflag:s4], $0x0  }
0x19: {  	s7 =	sld [smem:$0x3F9A]  }
0x1a: {  	s8 =	sadd.s32 $0xFFFFE003, lr  }
0x1b: {  	s9 =	sadd.s32 $0xFFFFFEF7, lr;
	s5 =	simm.s32 $0xFFFFFFFF;
	p2 =	slt.u32 s8, $0xFFFFF086  }
0x1c: {  	p1 =	slt.u32 s9, $0xF7A;
	s5 =	simm.s32 @!p2 $0x0  }
0x1d: {  	s5 =	simm.s32 @p1 $0x1;
	p0 =	seq.s32 s7, s2  }
0x1e: {  	s7 =	smul.u32 @!p0 $0xF7A, s2;
	p2 =	seq.s32 @!p0 s5, $0x0  }
0x1f: {  	s9 =	smul.u32 $0xF7A, s1;
	s8 =	simm.s32 @!p0 $0x1BF5;
	p2 =	por !p2, p0  }
0x20: {  	[sflag:s8] =	ssyncset.s32 @!p0 $0xFFFFF086;
	s6 =	sadd.s32 @!p0 s3, s7;
	s7 =	simm.s32 @!p0 $0x108  }
0x21: {  	s3 =	sadd.s32 s3, s9;
	s6 =	sadd.s32 @!p0 $0x88, s6;
	s7 =	simm.s32 @p2 $0x1082  }
0x22: {  	[simem:s7], [sflag:s8] =	dma.local @!p0 [hbm:s6], $0xF7A  }
0x23: {  	s9 =	sor.u32 $0xD0000000, s2;
	s6 =	simm.s32 $0x108;
	_ =	swait.ge @!p0 [sflag:s8], $0x0  }
0x24: {  	s3 =	sadd.s32 $0x88, s3;
	s6 =	simm.s32 @!p1 $0x1082;
	[sflag:s4] =	ssyncset.s32 $0xFFFFF086  }
0x25: {  	[simem:s6], [sflag:s4] =	dma.local [hbm:s3], $0xF7A  }
0x26: {  	[smem:$0x3F9A] =	sst s1;
	(tag) =	ssettag s2;
	_ =	strace s9  }
0x27: {  	s1 =	sld [smem:$0x3FAA]  }
0x28: {  	s2 =	sld [smem:$0x3FAB]  }
0x29: {  	s4 =	sld [smem:$0x3FAD]  }
0x2a: {  	p0 =	seq.s32 s5, $0x0;
	s5 =	sld [smem:$0x3FAE]  }
0x2b: {  	s6 =	sld [smem:$0x3FAF]  }
0x2c: {  	s7 =	sld [smem:$0x3FB0]  }
0x2d: {  	s3 =	simm.s32 $0x108;
	s8 =	sld [smem:$0x3FB1]  }
0x2e: {  	s3 =	simm.s32 @!p0 $0x1082;
	s9 =	sld [smem:$0x3FB2]  }
0x2f: {  	lr =	sadd.s32 s0, s3;
	s0 =	sld [smem:$0x3FA9]  }
0x30: {  	s3 =	sld [smem:$0x3FAC]  }
0x31: {  	[smem:$0x3FB5] =	sst s10  }
0x32: {  	s10 =	sld [smem:$0x3FB3];
	_ =	sdelay $0x3  }
0x33: {  	p0 =	seq.s32 s10, $0x1;
	s10 =	sld [smem:$0x3FB5];
	_ =	sdelay $0x3  }
0x34: {  	[smem:$0x3FB5] =	sst s10  }
0x35: {  	s10 =	sld [smem:$0x3FB4];
	_ =	sdelay $0x3  }
0x36: {  	p1 =	seq.s32 s10, $0x1;
	s10 =	sld [smem:$0x3FB5];
	_ =	sdelay $0x3  }
0x37: {  	[smem:$0x3FB5] =	sst s10  }
0x38: {  	s10 =	sld [smem:$0x3FB6]  }
0x39: {  	_ = 	snop;
	(pc) =	sbr.ind lr, $3  }
0x3a: {  	_ = 	snop  }
0x3b: {  	_ = 	snop  }
0x3c: {  	p2 =	seq.s32 s10, $0x1;
	s10 =	sld [smem:$0x3FB5]  }
0x3d: {  	_ =	shalt  }
0x3e: {  	_ =	shalt  }
0x3f: {  	_ =	shalt  }
0x40: {  	_ =	shalt  }
0x41: {  	_ =	shalt  }
0x42: {  	_ =	shalt  }
0x43: {  	_ =	shalt  }
0x44: {  	_ =	shalt  }
0x45: {  	_ =	shalt  }
0x46: {  	_ =	shalt  }
0x47: {  	_ =	shalt  }
0x48: {  	_ =	shalt  }
0x49: {  	_ =	shalt  }
0x4a: {  	_ =	shalt  }
0x4b: {  	_ =	shalt  }
0x4c: {  	_ =	shalt  }
0x4d: {  	_ =	shalt  }
0x4e: {  	_ =	shalt  }
0x4f: {  	_ =	shalt  }
0x50: {  	_ =	shalt  }
0x51: {  	_ =	shalt  }
0x52: {  	_ =	shalt  }
0x53: {  	_ =	shalt  }
0x54: {  	_ =	shalt  }
0x55: {  	_ =	shalt  }
0x56: {  	_ =	shalt  }
0x57: {  	_ =	shalt  }
0x58: {  	_ =	shalt  }
0x59: {  	_ =	shalt  }
0x5a: {  	_ =	shalt  }
0x5b: {  	_ =	shalt  }
0x5c: {  	_ =	shalt  }
0x5d: {  	_ =	shalt  }
0x5e: {  	_ =	shalt  }
0x5f: {  	_ =	shalt  }
0x60: {  	_ =	shalt  }
0x61: {  	_ =	shalt  }
0x62: {  	_ =	shalt  }
0x63: {  	_ =	shalt  }
0x64: {  	_ =	shalt  }
0x65: {  	_ =	shalt  }
0x66: {  	_ =	shalt  }
0x67: {  	_ =	shalt  }
0x68: {  	_ =	shalt  }
0x69: {  	_ =	shalt  }
0x6a: {  	_ =	shalt  }
0x6b: {  	_ =	shalt  }
0x6c: {  	_ =	shalt  }
0x6d: {  	_ =	shalt  }
0x6e: {  	_ =	shalt  }
0x6f: {  	_ =	shalt  }
0x70: {  	_ =	shalt  }
0x71: {  	_ =	shalt  }
0x72: {  	_ =	shalt  }
0x73: {  	_ =	shalt  }
0x74: {  	_ =	shalt  }
0x75: {  	_ =	shalt  }
0x76: {  	_ =	shalt  }
0x77: {  	_ =	shalt  }
0x78: {  	_ =	shalt  }
0x79: {  	_ =	shalt  }
0x7a: {  	_ =	shalt  }
0x7b: {  	_ =	shalt  }
0x7c: {  	_ =	shalt  }
0x7d: {  	_ =	shalt  }
0x7e: {  	_ =	shalt  }
0x7f: {  	_ =	shalt  }
0x80: {  	_ =	shalt  }
0x81: {  	_ =	shalt  }
0x82: {  	_ =	shalt  }
0x83: {  	_ =	shalt  }
0x84: {  	_ =	shalt  }
0x85: {  	_ =	shalt  }
0x86: {  	_ =	shalt  }
0x87: {  	_ =	shalt  }
.Lfunc_end0:
.L_simem_size_0:
called_computation.3_lowered:
.L_overlay_start_0:
0x88: {  	s2 =	sld [smem:$0x3FD9]  }
0x89: {  	s3 =	sld [smem:$0x3FFE];
	_ =	sdelay $0x1  }
0x8a: {  	s1 =	srdreg.scid  }
0x8b: {  	s0 =	sand.u32 $0x1, s1  }
0x8c: {  	s17 =	sshll.u32 s0, $0xA;
	s2 =	sadd.s32 s3, s2  }
0x8d: {  	s2 =	sadd.s32 s2, s17  }
0x8e: {  	[smem:$0x3FC1] =	sst s2  }
0x8f: {  	_ = 	snop  }
0x90: {  	s18 =	sld [smem:$0x3FD0];
	(tm) =	ssettm $0x1  }
0x91: {  	s19 =	sld [smem:$0x3FFB];
	_ =	sdelay $0x3  }
0x92: {  	_ =	strace s19  }
0x93: {  	s2 =	sld [smem:$0x3FFC];
	_ =	sdelay $0x3  }
0x94: {  	_ =	strace s2  }
0x95: {  	s2 =	sld [smem:$0x3FFD];
	_ =	sdelay $0x3  }
0x96: {  	_ =	strace s2  }
0x97: {  	_ =	strace $0x8FFFFFFF  }
0x98: {  	s20 =	sld [smem:$0x3FDB];
	_ =	sdelay $0x1  }
0x99: {  	s4 =	simm.s32 $_scs_section_size  }
0x9a: {  	s5 =	simm.s32 $_size__tile_overlayer_lowered;
	s6 =	simm.s32 $_tile_overlayer_lowered  }
0x9b: {  	s7 =	simm.s32 $0x1BFF;
	s21 =	sshll.u32 s6, $0x1;
	s4 =	sadd.s32 s4, s20  }
0x9c: {  	s22 =	simm.s32 $0x0;
	s5 =	sshll.u32 s5, $0x1;
	s6 =	sadd.s32 s21, s4  }
0x9d: {  	[timem:s22], [sflag:s7] =	dma.local [hbm:s6], s5  }
0x9e: {  	_ =	swait.ge [sflag:s7], s5  }
0x9f: {  	s5 =	ssub.s32 $0x0, s5;
	[sflag:s7] =	ssyncset.done $0x0  }
0xa0: {  	[sflag:s7] =	ssyncadd.s32 s5;
	_ =	sdelay $0x1  }
0xa1: {  	s23 =	simm.s32 $0x1B8B  }
0xa2: {  	_ =	swait.ge [sflag:s23], $0x1  }
0xa3: {  	[sflag:s23] =	ssyncset.done $0x0  }
0xa4: {  	[sflag:s23] =	ssyncadd.s32 $0xFFFFFFFF  }
0xa5: {  	s5 =	sld [smem:$0x0]  }
0xa6: {  	s6 =	sand.u32 $0xFFFFFFFE, s1  }
0xa7: {  	p0 =	sne.s32 s1, s6  }
0xa8: {  	s6 =	sshll.u32 @p0 s6, $0xE  }
0xa9: {  	s6 =	sadd.s32 @p0 $0x11B8D, s6;
	s7 =	sshll.u32 @p0 s5, $0x11  }
0xaa: {  	s6 =	sor.u32 @p0 s7, s6  }
0xab: {  	[sflag:s6] =	ssyncadd.remote.s32 @p0 $0x1;
	_ =	sdelay $0x1  }
0xac: {  	s6 =	simm.s32 @p0 $0x1B8D  }
0xad: {  	_ =	swait.eq @p0 [sflag:s6], $0x1  }
0xae: {  	[sflag:s6] =	ssyncadd.s32 @p0 $0xFFFFFFFF  }
0xaf: {  	s7 =	sshll.u32 @!p0 s1, $0xE  }
0xb0: {  	s7 =	sor.u32 @!p0 $0x4000, s7;
	s6 =	simm.s32 @!p0 $0x1B8D  }
0xb1: {  	s5 =	sshll.u32 @!p0 s5, $0x11;
	s7 =	sadd.s32 @!p0 $0x11B8D, s7;
	_ =	swait.eq @!p0 [sflag:s6], $0x1  }
0xb2: {  	s5 =	sor.u32 @!p0 s5, s7;
	[sflag:s6] =	ssyncadd.s32 @!p0 $0xFFFFFFFF  }
0xb3: {  	s25 =	simm.s32 $0x1B8E;
	s24 =	sld [smem:$0x3FFE];
	[sflag:s5] =	ssyncadd.remote.s32 @!p0 $0x1  }
0xb4: {  	s26 =	simm.s32 $execute0_lowered;
	[smem:$0x3FD2] =	sst s25  }
0xb5: {  	s6 =	sshll.u32 s26, $0x1;
	_ =	strace $0x80000052;
	[dreg:$0x1] =	wrdreg $0xFFFFFFFF  }
0xb6: {  	s28 =	simm.s32 $_size_execute0_lowered;
	s4 =	sadd.s32 s4, s6;
	[dreg:$0x0] =	wrdreg $0x0  }
0xb7: {  	s6 =	sshll.u32 s28, $0x1;
	[dreg:$0x2] =	wrdreg s4  }
0xb8: {  	[dreg:$0x3] =	wrdreg s6  }
0xb9: {  	[dreg:$0x4] =	wrdreg $0xC0  }
0xba: {  	_ =	task [dreg:s22], $0x5FFFF  }
0xbb: {  	[dreg:$0x1] =	wrdreg $0xFFFFFFFF  }
0xbc: {  	[dreg:$0x0] =	wrdreg $0x60  }
0xbd: {  	[dreg:$0x2] =	wrdreg s24  }
0xbe: {  	[dreg:$0x3] =	wrdreg s18  }
0xbf: {  	[dreg:$0x4] =	wrdreg $0xA8000  }
0xc0: {  	[dreg:$0x5] =	wrdreg $0x9  }
0xc1: {  	_ =	task.clear_ibuf [dreg:s22], $0x6FFFF;
	_ =	strace $0x90000052  }
0xc2: {  	s29 =	simm.s32 $0x9;
	_ =	strace $0x80000054  }
0xc3: {  	_ =	swait.ge [sflag:s29], $0x1  }
0xc4: {  	[sflag:s29] =	ssyncadd.s32 $0xFFFFFFFF  }
0xc5: {  	_ =	strace $0x90000054  }
0xc6: {  	_ =	sfence  }
0xc7: {  	s30 =	sld [smem:$0x0];
	_ =	sdelay $0x2  }
0xc8: {  	s31 =	sshll.u32 s1, $0xD;
	s1 =	sshrl.u32 s1, $0x2  }
0xc9: {  	s4 =	sand.u32 $0x4000, s31;
	s1 =	sadd.s32 s1, s30  }
0xca: {  	s0 =	sor.u32 s4, s0;
	s1 =	sshll.u32 s1, $0x11  }
0xcb: {  	s0 =	sor.u32 s1, s0  }
0xcc: {  	s0 =	sadd.s32 $0x8F2B, s0  }
0xcd: {  	[sflag:s0] =	ssyncadd.remote.s32 $0x1  }
0xce: {  	_ =	sfence.sel $0xFFFF  }
0xcf: {  	[dreg:$0x0] =	wrdreg $0xFFFFFFFF;
	(pc) =	sbr.abs _section_cstart, $3  }
0xd0: {  	[dreg:$0x1] =	wrdreg $0xFFFFFFFF  }
0xd1: {  	_ =	task.clear_ibuf [dreg:s22], $0x2FFFF;
	_ =	strace $0x9FFFFFFF  }
0xd2: {  	(tm) =	ssettm $0x7FFFFFFF  }
0xd3: {  	_ =	shalt  }
tec
execute0_lowered:
.L_overlay_start_1:
0x0: {  	(tag) =	ssettag $0x1  }
0x1: {  	s5 =	rddreg [dreg:$0x0]  }
0x2: {  	s6 =	rddreg [dreg:$0x1]  }
0x3: {  	s2 =	rddreg [dreg:$0x2];
	s3 =	srdreg.scid  }
0x4: {  	s0 =	rddreg [dreg:$0x3];
	s1 =	stileid.u32;
	s14 =	simm.s32 $0x2  }
0x5: {  	s15 =	simm.s32 $0x1400;
	s16 =	simm.s32 $0x2800;
	s17 =	simm.s32 $0x80  }
0x6: {  	s18 =	simm.s32 $0x1;
	s19 =	simm.s32 $0x0;
	s10 =	smul.u32 $0x14000, s1  }
0x7: {  	s7 =	sand.u32 $0x1, s3;
	s3 =	simm.s32 $0x0;
	s30 =	smul.u32 $0x50000, s1  }
0x8: {  	s4 =	sshll.u32 s1, $0x1;
	s8 =	smul.u32 $0x140000, s7;
	[smem:$0x7FF] =	sst s3  }
0x9: {  	s9 =	sor.u32 s7, s4;
	s4 =	sadd.s32 $0x23C00, s5;
	s7 =	ssub.s32 $0x2, s7  }
0xa: {  	_ =	strace $0x80000053;
	s9 =	smul.u32 $0x280, s9;
	s12 =	sshrl.u32 s7, $0x1  }
0xb: {  	s31 =	sshrl.u32 s30, $0x2;
	s8 =	sadd.s32 s10, s8;
	s12 =	ssub.s32 s7, s12  }
0xc: {  	s7 =	sadd.s32 s31, s2;
	s11 =	sadd.s32 s9, s5;
	s8 =	sshrl.u32 s8, $0x3  }
0xd: {  	s6 =	sadd.s32 s6, s9;
	s9 =	smax.u32 s12, $0x1;
	s10 =	sadd.s32 $0x4000, s7  }
0xe: {  	s12 =	sadd.s32 $0xC000, s7;
	s13 =	sadd.s32 $0x10000, s7;
	s8 =	sadd.s32 s8, s5  }
0xf: {  	v0 =	vimm.f32 $0.0e+00;
	s5 =	sadd.s32 $0x3400, s11;
	s11 =	sadd.s32 $0x8000, s7;
	s8 =	sadd.s32 $0x9BC00, s8  }
.LBB2_1:
0x10: {  	[tilespmem:s3], [sflag:$0x2] =	stream.linear.gather [hbm4b:s5+s3], $0x1400, $0x38;
	[tilespmem:$0x1E800] =	vst v63  }
0x11: {  	_ =	swait.ge [sflag:s14], $0x1400  }
0x12: {  	[sflag:s14] =	ssyncset.done $0x0  }
0x13: {  	[sflag:s14] =	ssyncadd.s32 $0xFFFFEC00  }
0x14: {  	[tilespmem:s15], [sflag:$0x2] =	stream.linear.gather [hbm4b:s6+s3], $0x1400, $0x38;
	[tilespmem:$0x1E800] =	vst v63  }
0x15: {  	_ =	swait.ge [sflag:s14], $0x1400  }
0x16: {  	[sflag:s14] =	ssyncset.done $0x0  }
0x17: {  	s20 =	simm.s32 $0x0;
	s21 =	simm.s32 $0x200;
	[sflag:s14] =	ssyncadd.s32 $0xFFFFEC00  }
.LBB2_2:
0x18: {  	p0 =	sne.s32 s21, $0xFE00;
	[tilespmem:s20+$0x2870] =	vst v0  }
0x19: {  	[tilespmem:s20+$0x2800] =	vst v0  }
0x1a: {  	[tilespmem:s20+$0x2810] =	vst v0  }
.Ltmp0:
0x1b: {  	[tilespmem:s20+$0x2820] =	vst v0;
	(pc) =	sbr.rel @p0 .LBB2_2-.Ltmp0, $4  }
0x1c: {  	[tilespmem:s20+$0x2830] =	vst v0  }
0x1d: {  	[tilespmem:s20+$0x2840] =	vst v0  }
0x1e: {  	[tilespmem:s20+$0x2850] =	vst v0  }
0x1f: {  	[tilespmem:s20+$0x2860] =	vst v0;
	s20 =	sshra.s32 s21, $0x2;
	s21 =	sadd.s32 $0x200, s21  }
0x20: {  	[tilespmem:s20+$0x2870] =	vst v0  }
0x21: {  	[tilespmem:s20+$0x2800] =	vst v0  }
0x22: {  	[tilespmem:s20+$0x2810] =	vst v0  }
0x23: {  	[tilespmem:s20+$0x2820] =	vst v0  }
0x24: {  	[tilespmem:s20+$0x2830] =	vst v0  }
0x25: {  	[tilespmem:s20+$0x2840] =	vst v0  }
0x26: {  	[tilespmem:s20+$0x2850] =	vst v0  }
0x27: {  	[tilespmem:s20+$0x2860] =	vst v0  }
0x28: {  	[spmem:s7] =	stream.linear.scatter [tilespmem:s16], [sflag:$0x2], $0x4000, $0x38;
	[tilespmem:$0x1E800] =	vst v63  }
0x29: {  	_ =	swait.ge [sflag:s14], $0x4000  }
0x2a: {  	[sflag:s14] =	ssyncset.done $0x0  }
0x2b: {  	[sflag:s14] =	ssyncadd.s32 $0xFFFFC000  }
0x2c: {  	[spmem:s10] =	stream.linear.scatter [tilespmem:s16], [sflag:$0x2], $0x4000, $0x38;
	[tilespmem:$0x1E800] =	vst v63  }
0x2d: {  	_ =	swait.ge [sflag:s14], $0x4000  }
0x2e: {  	[sflag:s14] =	ssyncset.done $0x0  }
0x2f: {  	[sflag:s14] =	ssyncadd.s32 $0xFFFFC000  }
0x30: {  	[spmem:s11] =	stream.linear.scatter [tilespmem:s16], [sflag:$0x2], $0x4000, $0x38;
	[tilespmem:$0x1E800] =	vst v63  }
0x31: {  	_ =	swait.ge [sflag:s14], $0x4000  }
0x32: {  	[sflag:s14] =	ssyncset.done $0x0  }
0x33: {  	[sflag:s14] =	ssyncadd.s32 $0xFFFFC000  }
0x34: {  	[spmem:s12] =	stream.linear.scatter [tilespmem:s16], [sflag:$0x2], $0x4000, $0x38;
	[tilespmem:$0x1E800] =	vst v63  }
0x35: {  	_ =	swait.ge [sflag:s14], $0x4000  }
0x36: {  	[sflag:s14] =	ssyncset.done $0x0  }
0x37: {  	[sflag:s14] =	ssyncadd.s32 $0xFFFFC000  }
0x38: {  	[spmem:s13] =	stream.linear.scatter [tilespmem:s16], [sflag:$0x2], $0x4000, $0x38;
	[tilespmem:$0x1E800] =	vst v63  }
0x39: {  	_ =	swait.ge [sflag:s14], $0x4000  }
0x3a: {  	[sflag:s14] =	ssyncset.done $0x0  }
0x3b: {  	s21 =	simm.s32 $0x4000;
	[sflag:s14] =	ssyncadd.s32 $0xFFFFC000  }
0x3c: {  	s29 =	simm.s32 $0x80;
	s21 =	sand.u32 $0x4000, s21;
	[bflag:$0x0] =	sbarrier.arrive $0xFFFF  }
0x3d: {  	[tilespmem:s16], [sflag:$0x1] =	stream.indirect.gather [hbm4b:s4+s29], $0x80, s3, s29, $0xb8;
	[tilespmem:$0x1E800] =	vst v63  }
0x3e: {  	s21 =	sor.u32 $0x2800, s21  }
0x3f: {  	[tilespmem:s21], [sflag:$0x1] =	stream.indirect.gather [hbm4b:s4+s17], $0x80, s29, s17, $0xb8;
	[tilespmem:$0x1E800] =	vst v63  }
0x40: {  	s30 =	simm.s32 $0x0;
	_ =	swait.ge [sflag:s18], $0x4000  }
0x41: {  	s31 =	simm.s32 $0x1400;
	s20 =	sand.u32 $0x4000, s30;
	[sflag:s18] =	ssyncset.done $0x0  }
0x42: {  	s22 =	simm.s32 $0x8000;
	s20 =	sor.u32 $0x2800, s20;
	[sflag:s18] =	ssyncadd.s32 $0xFFFFC000  }
0x43: {  	[spmem:s2] =	stream.indirect.scatter.add.f32 [tilespmem:s20], [sflag:$0x2], $0x80, s31, s17, $0xb8;
	[tilespmem:$0x1E800] =	vst v63  }
0x44: {  	s23 =	simm.s32 $0xC000;
	s24 =	sand.u32 $0x4000, s22;
	_ =	swait.ge [sflag:s14], $0x4000  }
0x45: {  	s21 =	simm.s32 $0x100;
	s20 =	simm.s32 $0x1480;
	[sflag:s14] =	ssyncset.done $0x0  }
.LBB2_4:
0x46: {  	s24 =	sor.u32 $0x2800, s24  }
0x47: {  	[sflag:s14] =	ssyncadd.s32 $0xFFFFC000;
	s25 =	smov.u32 s23;
	s26 =	sadd.s32 $0x4000, s23  }
0x48: {  	[tilespmem:s24], [sflag:$0x1] =	stream.indirect.gather [hbm4b:s4+s17], $0x80, s21, s17, $0xb8;
	[tilespmem:$0x1E800] =	vst v63  }
0x49: {  	p0 =	sne.s32 s23, $0x9C000;
	s22 =	sadd.s32 $0xFFFFC000, s22;
	_ =	swait.ge [sflag:s18], $0x4000  }
.Ltmp1:
0x4a: {  	s22 =	sand.u32 $0x4000, s22;
	[sflag:s18] =	ssyncset.done $0x0;
	(pc) =	sbr.rel @p0 .LBB2_4-.Ltmp1, $4  }
0x4b: {  	s23 =	sor.u32 $0x2800, s22;
	s22 =	smov.u32 s25;
	[sflag:s18] =	ssyncadd.s32 $0xFFFFC000  }
0x4c: {  	[spmem:s2] =	stream.indirect.scatter.add.f32 [tilespmem:s23], [sflag:$0x2], $0x80, s20, s17, $0xb8;
	[tilespmem:$0x1E800] =	vst v63  }
0x4d: {  	s21 =	sadd.s32 $0x80, s21;
	s24 =	sand.u32 $0x4000, s22;
	_ =	swait.ge [sflag:s14], $0x4000  }
0x4e: {  	s20 =	sadd.s32 $0x80, s20;
	s23 =	smov.u32 s26;
	[sflag:s14] =	ssyncset.done $0x0  }
0x4f: {  	s23 =	sor.u32 $0x2800, s24;
	[sflag:s14] =	ssyncadd.s32 $0xFFFFC000  }
0x50: {  	[tilespmem:s23], [sflag:$0x1] =	stream.indirect.gather [hbm4b:s4+s17], $0x80, s21, s17, $0xb8;
	[tilespmem:$0x1E800] =	vst v63  }
0x51: {  	s28 =	sadd.s32 $0xFFFFC000, s22;
	_ =	swait.ge [sflag:s18], $0x4000  }
0x52: {  	s21 =	sand.u32 $0x4000, s28;
	[sflag:s18] =	ssyncset.done $0x0  }
0x53: {  	s21 =	sor.u32 $0x2800, s21;
	[sflag:s18] =	ssyncadd.s32 $0xFFFFC000  }
0x54: {  	[spmem:s2] =	stream.indirect.scatter.add.f32 [tilespmem:s21], [sflag:$0x2], $0x80, s20, s17, $0xb8;
	[tilespmem:$0x1E800] =	vst v63  }
0x55: {  	_ =	swait.ge [sflag:s14], $0x4000  }
0x56: {  	[sflag:s14] =	ssyncset.done $0x0  }
0x57: {  	[sflag:s14] =	ssyncadd.s32 $0xFFFFC000  }
0x58: {  	_ =	swait.ge [sflag:s18], $0x4000  }
0x59: {  	[sflag:s18] =	ssyncset.done $0x0  }
0x5a: {  	s29 =	sadd.s32 $0x80, s20;
	[sflag:s18] =	ssyncadd.s32 $0xFFFFC000  }
0x5b: {  	[spmem:s2] =	stream.indirect.scatter.add.f32 [tilespmem:s23], [sflag:$0x2], $0x80, s29, s17, $0xb8;
	[tilespmem:$0x1E800] =	vst v63  }
0x5c: {  	_ =	swait.ge [sflag:s14], $0x4000  }
0x5d: {  	s30 =	sshll.u32 s1, $0x6;
	s19 =	sadd.s32 $0x1, s19;
	[sflag:s14] =	ssyncset.done $0x0  }
0x5e: {  	s31 =	sshrl.u32 s7, $0x3;
	p0 =	sne.s32 s19, s9;
	[sflag:s14] =	ssyncadd.s32 $0xFFFFC000  }
.Ltmp2:
0x5f: {  	s20 =	sor.u32 $0x1C02, s30;
	[bflag:$0x0] =	sbarrier.arrive $0xFFFF;
	(pc) =	sbr.rel @p0 .LBB2_1-.Ltmp2, $4  }
0x60: {  	[hbm:s8], [sflag:s20] =	dma.local [spmem:s31], $0x2800  }
0x61: {  	_ =	swait.ge [sflag:s14], $0x2800  }
0x62: {  	[sflag:s14] =	ssyncset.done $0x0  }
0x63: {  	[sflag:s14] =	ssyncadd.s32 $0xFFFFD800  }
0x64: {  	_ =	sfence.sel $0x180000  }
0x65: {  	[bflag:$0x0] =	sbarrier.arrive $0xFFFF  }
0x66: {  	p0 =	sne.s32 s1, $0x0;
	_ =	strace $0x90000053  }
0x67: {  	s0 =	sadd.s32 @!p0 $0x100000, s0;
	[bflag:$0x2] =	sbarrier.arrive $0xFFFF  }
0x68: {  	[sflag:s0] =	ssyncadd.tile.s32 @!p0 $0x1;
	_ =	shalt  }
.Lfunc_end2:
_tile_overlayer_lowered:
.L_overlay_start_2:
0x69: {  	(tag) =	ssettag $0x2  }
0x6a: {  	s0 =	rddreg [dreg:$0x0];
	s2 =	stileid.u32  }
0x6b: {  	s1 =	rddreg [dreg:$0x1];
	p0 =	sne.s32 s2, $0x0  }
0x6c: {  	s3 =	rddreg [dreg:$0x2];
	[bflag:$0x3] =	sbarrier.arrive $0xFFFF;
	s2 =	simm.s32 @!p0 $0x1C02  }
0x6d: {  	[timem:s3], [sflag:s2] =	dma.local @!p0 [hbm:s0], s1  }
0x6e: {  	s0 =	simm.s32 @!p0 $0x2  }
0x6f: {  	_ =	swait.ge @!p0 [sflag:s0], s1  }
0x70: {  	s1 =	ssub.s32 @!p0 $0x0, s1;
	[sflag:s0] =	ssyncset.done @!p0 $0x0  }
0x71: {  	[sflag:s0] =	ssyncadd.s32 @!p0 s1  }
0x72: {  	[bflag:$0x3] =	sbarrier.arrive $0xFFFF  }
0x73: {  	_ =	shalt  }

// kernel: kernel.22.cloned.1.call-start
scs
__scs_entry_jumppad:
0x0: {  	(pc) =	sbr.rel $0x88, $3  }
0x1: {  	(tag) =	ssettag $0x0;
	lr =	simm.s32 $0x1  }
0x2: {  	[smem:$0x3F9A] =	sst lr;
	_ =	strace $0xD0000000  }
0x3: {  	_ = 	snop  }
0x4: {  	_ = 	snop  }
0x5: {  	_ = 	snop  }
0x6: {  	_ = 	snop  }
0x7: {  	_ = 	snop  }
__scs_overlays_trampoline_lowered:
0x8: {  	[smem:$0x3FA9] =	sst s0  }
0x9: {  	[smem:$0x3FAA] =	sst s1  }
0xa: {  	[smem:$0x3FAB] =	sst s2  }
0xb: {  	[smem:$0x3FAC] =	sst s3  }
0xc: {  	[smem:$0x3FAD] =	sst s4  }
0xd: {  	[smem:$0x3FAE] =	sst s5  }
0xe: {  	[smem:$0x3FAF] =	sst s6  }
0xf: {  	[smem:$0x3FB0] =	sst s7  }
0x10: {  	[smem:$0x3FB1] =	sst s8  }
0x11: {  	[smem:$0x3FB2] =	sst s9;
	s0 =	simm.s32 @!p0 $0x0  }
0x12: {  	s1 =	sld [smem:$0x3F98];
	s0 =	simm.s32 @p0 $0x1  }
0x13: {  	[smem:$0x3FB3] =	sst s0;
	s0 =	simm.s32 @!p1 $0x0  }
0x14: {  	s2 =	sld [smem:$0x3F97];
	s0 =	simm.s32 @p1 $0x1  }
0x15: {  	[smem:$0x3FB4] =	sst s0;
	s0 =	simm.s32 @!p2 $0x0  }
0x16: {  	s3 =	sld [smem:$0x3FDB];
	s0 =	simm.s32 @p2 $0x1  }
0x17: {  	s4 =	simm.s32 $0x1BF5;
	[smem:$0x3FB6] =	sst s0  }
0x18: {  	s0 =	sld [smem:$0x3F99];
	_ =	swait.ge [sflag:s4], $0x0  }
0x19: {  	s7 =	sld [smem:$0x3F9A]  }
0x1a: {  	s8 =	sadd.s32 $0xFFFFE003, lr  }
0x1b: {  	s9 =	sadd.s32 $0xFFFFFEF7, lr;
	s5 =	simm.s32 $0xFFFFFFFF;
	p2 =	slt.u32 s8, $0xFFFFF086  }
0x1c: {  	p1 =	slt.u32 s9, $0xF7A;
	s5 =	simm.s32 @!p2 $0x0  }
0x1d: {  	s5 =	simm.s32 @p1 $0x1;
	p0 =	seq.s32 s7, s2  }
0x1e: {  	s7 =	smul.u32 @!p0 $0xF7A, s2;
	p2 =	seq.s32 @!p0 s5, $0x0  }
0x1f: {  	s9 =	smul.u32 $0xF7A, s1;
	s8 =	simm.s32 @!p0 $0x1BF5;
	p2 =	por !p2, p0  }
0x20: {  	[sflag:s8] =	ssyncset.s32 @!p0 $0xFFFFF086;
	s6 =	sadd.s32 @!p0 s3, s7;
	s7 =	simm.s32 @!p0 $0x108  }
0x21: {  	s3 =	sadd.s32 s3, s9;
	s6 =	sadd.s32 @!p0 $0x88, s6;
	s7 =	simm.s32 @p2 $0x1082  }
0x22: {  	[simem:s7], [sflag:s8] =	dma.local @!p0 [hbm:s6], $0xF7A  }
0x23: {  	s9 =	sor.u32 $0xD0000000, s2;
	s6 =	simm.s32 $0x108;
	_ =	swait.ge @!p0 [sflag:s8], $0x0  }
0x24: {  	s3 =	sadd.s32 $0x88, s3;
	s6 =	simm.s32 @!p1 $0x1082;
	[sflag:s4] =	ssyncset.s32 $0xFFFFF086  }
0x25: {  	[simem:s6], [sflag:s4] =	dma.local [hbm:s3], $0xF7A  }
0x26: {  	[smem:$0x3F9A] =	sst s1;
	(tag) =	ssettag s2;
	_ =	strace s9  }
0x27: {  	s1 =	sld [smem:$0x3FAA]  }
0x28: {  	s2 =	sld [smem:$0x3FAB]  }
0x29: {  	s4 =	sld [smem:$0x3FAD]  }
0x2a: {  	p0 =	seq.s32 s5, $0x0;
	s5 =	sld [smem:$0x3FAE]  }
0x2b: {  	s6 =	sld [smem:$0x3FAF]  }
0x2c: {  	s7 =	sld [smem:$0x3FB0]  }
0x2d: {  	s3 =	simm.s32 $0x108;
	s8 =	sld [smem:$0x3FB1]  }
0x2e: {  	s3 =	simm.s32 @!p0 $0x1082;
	s9 =	sld [smem:$0x3FB2]  }
0x2f: {  	lr =	sadd.s32 s0, s3;
	s0 =	sld [smem:$0x3FA9]  }
0x30: {  	s3 =	sld [smem:$0x3FAC]  }
0x31: {  	[smem:$0x3FB5] =	sst s10  }
0x32: {  	s10 =	sld [smem:$0x3FB3];
	_ =	sdelay $0x3  }
0x33: {  	p0 =	seq.s32 s10, $0x1;
	s10 =	sld [smem:$0x3FB5];
	_ =	sdelay $0x3  }
0x34: {  	[smem:$0x3FB5] =	sst s10  }
0x35: {  	s10 =	sld [smem:$0x3FB4];
	_ =	sdelay $0x3  }
0x36: {  	p1 =	seq.s32 s10, $0x1;
	s10 =	sld [smem:$0x3FB5];
	_ =	sdelay $0x3  }
0x37: {  	[smem:$0x3FB5] =	sst s10  }
0x38: {  	s10 =	sld [smem:$0x3FB6]  }
0x39: {  	_ = 	snop;
	(pc) =	sbr.ind lr, $3  }
0x3a: {  	_ = 	snop  }
0x3b: {  	_ = 	snop  }
0x3c: {  	p2 =	seq.s32 s10, $0x1;
	s10 =	sld [smem:$0x3FB5]  }
0x3d: {  	_ =	shalt  }
0x3e: {  	_ =	shalt  }
0x3f: {  	_ =	shalt  }
0x40: {  	_ =	shalt  }
0x41: {  	_ =	shalt  }
0x42: {  	_ =	shalt  }
0x43: {  	_ =	shalt  }
0x44: {  	_ =	shalt  }
0x45: {  	_ =	shalt  }
0x46: {  	_ =	shalt  }
0x47: {  	_ =	shalt  }
0x48: {  	_ =	shalt  }
0x49: {  	_ =	shalt  }
0x4a: {  	_ =	shalt  }
0x4b: {  	_ =	shalt  }
0x4c: {  	_ =	shalt  }
0x4d: {  	_ =	shalt  }
0x4e: {  	_ =	shalt  }
0x4f: {  	_ =	shalt  }
0x50: {  	_ =	shalt  }
0x51: {  	_ =	shalt  }
0x52: {  	_ =	shalt  }
0x53: {  	_ =	shalt  }
0x54: {  	_ =	shalt  }
0x55: {  	_ =	shalt  }
0x56: {  	_ =	shalt  }
0x57: {  	_ =	shalt  }
0x58: {  	_ =	shalt  }
0x59: {  	_ =	shalt  }
0x5a: {  	_ =	shalt  }
0x5b: {  	_ =	shalt  }
0x5c: {  	_ =	shalt  }
0x5d: {  	_ =	shalt  }
0x5e: {  	_ =	shalt  }
0x5f: {  	_ =	shalt  }
0x60: {  	_ =	shalt  }
0x61: {  	_ =	shalt  }
0x62: {  	_ =	shalt  }
0x63: {  	_ =	shalt  }
0x64: {  	_ =	shalt  }
0x65: {  	_ =	shalt  }
0x66: {  	_ =	shalt  }
0x67: {  	_ =	shalt  }
0x68: {  	_ =	shalt  }
0x69: {  	_ =	shalt  }
0x6a: {  	_ =	shalt  }
0x6b: {  	_ =	shalt  }
0x6c: {  	_ =	shalt  }
0x6d: {  	_ =	shalt  }
0x6e: {  	_ =	shalt  }
0x6f: {  	_ =	shalt  }
0x70: {  	_ =	shalt  }
0x71: {  	_ =	shalt  }
0x72: {  	_ =	shalt  }
0x73: {  	_ =	shalt  }
0x74: {  	_ =	shalt  }
0x75: {  	_ =	shalt  }
0x76: {  	_ =	shalt  }
0x77: {  	_ =	shalt  }
0x78: {  	_ =	shalt  }
0x79: {  	_ =	shalt  }
0x7a: {  	_ =	shalt  }
0x7b: {  	_ =	shalt  }
0x7c: {  	_ =	shalt  }
0x7d: {  	_ =	shalt  }
0x7e: {  	_ =	shalt  }
0x7f: {  	_ =	shalt  }
0x80: {  	_ =	shalt  }
0x81: {  	_ =	shalt  }
0x82: {  	_ =	shalt  }
0x83: {  	_ =	shalt  }
0x84: {  	_ =	shalt  }
0x85: {  	_ =	shalt  }
0x86: {  	_ =	shalt  }
0x87: {  	_ =	shalt  }
.Lfunc_end0:
.L_simem_size_0:
called_computation.4_lowered:
.L_overlay_start_0:
0x88: {  	s2 =	sld [smem:$0x3FD9]  }
0x89: {  	s3 =	sld [smem:$0x3FFE];
	_ =	sdelay $0x1  }
0x8a: {  	s1 =	srdreg.scid  }
0x8b: {  	s0 =	sand.u32 $0x1, s1  }
0x8c: {  	s16 =	sshll.u32 s0, $0xA;
	s2 =	sadd.s32 s3, s2  }
0x8d: {  	s2 =	sadd.s32 s2, s16  }
0x8e: {  	[smem:$0x3FC1] =	sst s2  }
0x8f: {  	_ = 	snop  }
0x90: {  	(tm) =	ssettm $0x1  }
0x91: {  	s17 =	sld [smem:$0x3FFB];
	_ =	sdelay $0x3  }
0x92: {  	_ =	strace s17  }
0x93: {  	s2 =	sld [smem:$0x3FFC];
	_ =	sdelay $0x3  }
0x94: {  	_ =	strace s2  }
0x95: {  	s2 =	sld [smem:$0x3FFD];
	_ =	sdelay $0x3  }
0x96: {  	_ =	strace s2  }
0x97: {  	_ =	strace $0x8FFFFFFF  }
0x98: {  	s18 =	sld [smem:$0x3FDB];
	_ =	sdelay $0x1  }
0x99: {  	s19 =	simm.s32 $_scs_section_size  }
0x9a: {  	s4 =	simm.s32 $_size__tile_overlayer_lowered;
	s5 =	simm.s32 $_tile_overlayer_lowered  }
0x9b: {  	s22 =	simm.s32 $0x1BFF;
	s21 =	sshll.u32 s5, $0x1;
	s2 =	sadd.s32 s19, s18  }
0x9c: {  	s6 =	simm.s32 $0x0;
	s20 =	sshll.u32 s4, $0x1;
	s4 =	sadd.s32 s21, s2  }
0x9d: {  	[timem:s6], [sflag:s22] =	dma.local [hbm:s4], s20  }
0x9e: {  	_ =	swait.ge [sflag:s22], s20  }
0x9f: {  	s3 =	ssub.s32 $0x0, s20;
	[sflag:s22] =	ssyncset.done $0x0  }
0xa0: {  	[sflag:s22] =	ssyncadd.s32 s3;
	_ =	sdelay $0x1  }
0xa1: {  	s23 =	simm.s32 $0x1B8B  }
0xa2: {  	_ =	swait.ge [sflag:s23], $0x1  }
0xa3: {  	[sflag:s23] =	ssyncset.done $0x0  }
0xa4: {  	s25 =	simm.s32 $0x1B8E;
	s24 =	sld [smem:$0x3FFE];
	[sflag:s23] =	ssyncadd.s32 $0xFFFFFFFF  }
0xa5: {  	s26 =	simm.s32 $execute0_lowered;
	[smem:$0x3FD2] =	sst s25  }
0xa6: {  	s4 =	sshll.u32 s26, $0x1;
	_ =	strace $0x8000004F;
	[dreg:$0x1] =	wrdreg $0xFFFFFFFF  }
0xa7: {  	s28 =	simm.s32 $_size_execute0_lowered;
	s2 =	sadd.s32 s2, s4;
	[dreg:$0x0] =	wrdreg $0x0  }
0xa8: {  	s4 =	sshll.u32 s28, $0x1;
	[dreg:$0x2] =	wrdreg s2  }
0xa9: {  	[dreg:$0x3] =	wrdreg s4  }
0xaa: {  	[dreg:$0x4] =	wrdreg $0xC0  }
0xab: {  	_ =	task [dreg:s6], $0x5FFFF  }
0xac: {  	[dreg:$0x1] =	wrdreg $0xFFFFFFFF  }
0xad: {  	[dreg:$0x0] =	wrdreg $0x60  }
0xae: {  	[dreg:$0x2] =	wrdreg s24  }
0xaf: {  	[dreg:$0x3] =	wrdreg $0xA8000  }
0xb0: {  	[dreg:$0x4] =	wrdreg $0xA  }
0xb1: {  	_ =	task.clear_ibuf [dreg:s6], $0x5FFFF;
	_ =	strace $0x9000004F  }
0xb2: {  	s29 =	simm.s32 $0xA;
	_ =	strace $0x80000051  }
0xb3: {  	_ =	swait.ge [sflag:s29], $0x1  }
0xb4: {  	[sflag:s29] =	ssyncadd.s32 $0xFFFFFFFF  }
0xb5: {  	_ =	strace $0x90000051  }
0xb6: {  	_ =	sfence  }
0xb7: {  	s30 =	sld [smem:$0x0];
	_ =	sdelay $0x2  }
0xb8: {  	s31 =	sshll.u32 s1, $0xD;
	s1 =	sshrl.u32 s1, $0x2  }
0xb9: {  	s3 =	sand.u32 $0x4000, s31;
	s1 =	sadd.s32 s1, s30  }
0xba: {  	s0 =	sor.u32 s3, s0;
	s1 =	sshll.u32 s1, $0x11  }
0xbb: {  	s0 =	sor.u32 s1, s0  }
0xbc: {  	s0 =	sadd.s32 $0x8F2B, s0  }
0xbd: {  	[sflag:s0] =	ssyncadd.remote.s32 $0x1  }
0xbe: {  	_ =	sfence.sel $0xFFFF  }
0xbf: {  	[dreg:$0x0] =	wrdreg $0xFFFFFFFF;
	(pc) =	sbr.abs _section_cstart, $3  }
0xc0: {  	[dreg:$0x1] =	wrdreg $0xFFFFFFFF  }
0xc1: {  	_ =	task.clear_ibuf [dreg:s6], $0x2FFFF;
	_ =	strace $0x9FFFFFFF  }
0xc2: {  	(tm) =	ssettm $0x7FFFFFFF  }
0xc3: {  	_ =	shalt  }
tec
execute0_lowered:
.L_overlay_start_1:
0x0: {  	(tag) =	ssettag $0x1  }
0x1: {  	s5 =	rddreg [dreg:$0x0]  }
0x2: {  	s2 =	rddreg [dreg:$0x1];
	s3 =	srdreg.scid  }
0x3: {  	s0 =	rddreg [dreg:$0x2];
	s1 =	stileid.u32;
	s14 =	simm.s32 $0x2  }
0x4: {  	s15 =	simm.s32 $0x1400;
	s16 =	simm.s32 $0x2800;
	s17 =	simm.s32 $0x80  }
0x5: {  	s18 =	simm.s32 $0x1;
	s19 =	simm.s32 $0x0;
	s9 =	smul.u32 $0x14000, s1  }
0x6: {  	s6 =	sand.u32 $0x1, s3;
	s3 =	simm.s32 $0x0;
	s30 =	smul.u32 $0x50000, s1  }
0x7: {  	s4 =	sshll.u32 s1, $0x1;
	s7 =	smul.u32 $0x140000, s6;
	[smem:$0x7FF] =	sst s3  }
0x8: {  	s8 =	sor.u32 s6, s4;
	s4 =	sadd.s32 $0x23C00, s5;
	s6 =	ssub.s32 $0x2, s6  }
0x9: {  	_ =	strace $0x80000050;
	s8 =	smul.u32 $0x280, s8;
	s10 =	sshrl.u32 s6, $0x1  }
0xa: {  	s31 =	sshrl.u32 s30, $0x2;
	s7 =	sadd.s32 s9, s7;
	s10 =	ssub.s32 s6, s10  }
0xb: {  	s8 =	sadd.s32 s8, s5;
	s7 =	sshrl.u32 s7, $0x3;
	s9 =	smax.u32 s10, $0x1  }
0xc: {  	s11 =	sadd.s32 s7, s5;
	s5 =	sadd.s32 $0x12400, s8;
	s7 =	sadd.s32 s31, s2  }
0xd: {  	s6 =	sadd.s32 $0xD400, s8;
	s8 =	sadd.s32 $0x4BC00, s11;
	s10 =	sadd.s32 $0x4000, s7  }
0xe: {  	v0 =	vimm.f32 $0.0e+00;
	s11 =	sadd.s32 $0x8000, s7;
	s12 =	sadd.s32 $0xC000, s7;
	s13 =	sadd.s32 $0x10000, s7  }
.LBB2_1:
0xf: {  	[tilespmem:s3], [sflag:$0x2] =	stream.linear.gather [hbm4b:s5+s3], $0x1400, $0x38;
	[tilespmem:$0x1E800] =	vst v63  }
0x10: {  	_ =	swait.ge [sflag:s14], $0x1400  }
0x11: {  	[sflag:s14] =	ssyncset.done $0x0  }
0x12: {  	[sflag:s14] =	ssyncadd.s32 $0xFFFFEC00  }
0x13: {  	[tilespmem:s15], [sflag:$0x2] =	stream.linear.gather [hbm4b:s6+s3], $0x1400, $0x38;
	[tilespmem:$0x1E800] =	vst v63  }
0x14: {  	_ =	swait.ge [sflag:s14], $0x1400  }
0x15: {  	[sflag:s14] =	ssyncset.done $0x0  }
0x16: {  	s20 =	simm.s32 $0x0;
	s21 =	simm.s32 $0x200;
	[sflag:s14] =	ssyncadd.s32 $0xFFFFEC00  }
.LBB2_2:
0x17: {  	p0 =	sne.s32 s21, $0xFE00;
	[tilespmem:s20+$0x2870] =	vst v0  }
0x18: {  	[tilespmem:s20+$0x2800] =	vst v0  }
0x19: {  	[tilespmem:s20+$0x2810] =	vst v0  }
.Ltmp0:
0x1a: {  	[tilespmem:s20+$0x2820] =	vst v0;
	(pc) =	sbr.rel @p0 .LBB2_2-.Ltmp0, $4  }
0x1b: {  	[tilespmem:s20+$0x2830] =	vst v0  }
0x1c: {  	[tilespmem:s20+$0x2840] =	vst v0  }
0x1d: {  	[tilespmem:s20+$0x2850] =	vst v0  }
0x1e: {  	[tilespmem:s20+$0x2860] =	vst v0;
	s20 =	sshra.s32 s21, $0x2;
	s21 =	sadd.s32 $0x200, s21  }
0x1f: {  	[tilespmem:s20+$0x2870] =	vst v0  }
0x20: {  	[tilespmem:s20+$0x2800] =	vst v0  }
0x21: {  	[tilespmem:s20+$0x2810] =	vst v0  }
0x22: {  	[tilespmem:s20+$0x2820] =	vst v0  }
0x23: {  	[tilespmem:s20+$0x2830] =	vst v0  }
0x24: {  	[tilespmem:s20+$0x2840] =	vst v0  }
0x25: {  	[tilespmem:s20+$0x2850] =	vst v0  }
0x26: {  	[tilespmem:s20+$0x2860] =	vst v0  }
0x27: {  	[spmem:s7] =	stream.linear.scatter [tilespmem:s16], [sflag:$0x2], $0x4000, $0x38;
	[tilespmem:$0x1E800] =	vst v63  }
0x28: {  	_ =	swait.ge [sflag:s14], $0x4000  }
0x29: {  	[sflag:s14] =	ssyncset.done $0x0  }
0x2a: {  	[sflag:s14] =	ssyncadd.s32 $0xFFFFC000  }
0x2b: {  	[spmem:s10] =	stream.linear.scatter [tilespmem:s16], [sflag:$0x2], $0x4000, $0x38;
	[tilespmem:$0x1E800] =	vst v63  }
0x2c: {  	_ =	swait.ge [sflag:s14], $0x4000  }
0x2d: {  	[sflag:s14] =	ssyncset.done $0x0  }
0x2e: {  	[sflag:s14] =	ssyncadd.s32 $0xFFFFC000  }
0x2f: {  	[spmem:s11] =	stream.linear.scatter [tilespmem:s16], [sflag:$0x2], $0x4000, $0x38;
	[tilespmem:$0x1E800] =	vst v63  }
0x30: {  	_ =	swait.ge [sflag:s14], $0x4000  }
0x31: {  	[sflag:s14] =	ssyncset.done $0x0  }
0x32: {  	[sflag:s14] =	ssyncadd.s32 $0xFFFFC000  }
0x33: {  	[spmem:s12] =	stream.linear.scatter [tilespmem:s16], [sflag:$0x2], $0x4000, $0x38;
	[tilespmem:$0x1E800] =	vst v63  }
0x34: {  	_ =	swait.ge [sflag:s14], $0x4000  }
0x35: {  	[sflag:s14] =	ssyncset.done $0x0  }
0x36: {  	[sflag:s14] =	ssyncadd.s32 $0xFFFFC000  }
0x37: {  	[spmem:s13] =	stream.linear.scatter [tilespmem:s16], [sflag:$0x2], $0x4000, $0x38;
	[tilespmem:$0x1E800] =	vst v63  }
0x38: {  	_ =	swait.ge [sflag:s14], $0x4000  }
0x39: {  	[sflag:s14] =	ssyncset.done $0x0  }
0x3a: {  	s21 =	simm.s32 $0x4000;
	[sflag:s14] =	ssyncadd.s32 $0xFFFFC000  }
0x3b: {  	s29 =	simm.s32 $0x80;
	s21 =	sand.u32 $0x4000, s21;
	[bflag:$0x0] =	sbarrier.arrive $0xFFFF  }
0x3c: {  	[tilespmem:s16], [sflag:$0x1] =	stream.indirect.gather [hbm4b:s4+s29], $0x80, s3, s29, $0xb8;
	[tilespmem:$0x1E800] =	vst v63  }
0x3d: {  	s21 =	sor.u32 $0x2800, s21  }
0x3e: {  	[tilespmem:s21], [sflag:$0x1] =	stream.indirect.gather [hbm4b:s4+s17], $0x80, s29, s17, $0xb8;
	[tilespmem:$0x1E800] =	vst v63  }
0x3f: {  	s30 =	simm.s32 $0x0;
	_ =	swait.ge [sflag:s18], $0x4000  }
0x40: {  	s31 =	simm.s32 $0x1400;
	s20 =	sand.u32 $0x4000, s30;
	[sflag:s18] =	ssyncset.done $0x0  }
0x41: {  	s22 =	simm.s32 $0x8000;
	s20 =	sor.u32 $0x2800, s20;
	[sflag:s18] =	ssyncadd.s32 $0xFFFFC000  }
0x42: {  	[spmem:s2] =	stream.indirect.scatter.add.f32 [tilespmem:s20], [sflag:$0x2], $0x80, s31, s17, $0xb8;
	[tilespmem:$0x1E800] =	vst v63  }
0x43: {  	s23 =	simm.s32 $0xC000;
	s24 =	sand.u32 $0x4000, s22;
	_ =	swait.ge [sflag:s14], $0x4000  }
0x44: {  	s21 =	simm.s32 $0x100;
	s20 =	simm.s32 $0x1480;
	[sflag:s14] =	ssyncset.done $0x0  }
.LBB2_4:
0x45: {  	s24 =	sor.u32 $0x2800, s24  }
0x46: {  	[sflag:s14] =	ssyncadd.s32 $0xFFFFC000;
	s25 =	smov.u32 s23;
	s26 =	sadd.s32 $0x4000, s23  }
0x47: {  	[tilespmem:s24], [sflag:$0x1] =	stream.indirect.gather [hbm4b:s4+s17], $0x80, s21, s17, $0xb8;
	[tilespmem:$0x1E800] =	vst v63  }
0x48: {  	p0 =	sne.s32 s23, $0x9C000;
	s22 =	sadd.s32 $0xFFFFC000, s22;
	_ =	swait.ge [sflag:s18], $0x4000  }
.Ltmp1:
0x49: {  	s22 =	sand.u32 $0x4000, s22;
	[sflag:s18] =	ssyncset.done $0x0;
	(pc) =	sbr.rel @p0 .LBB2_4-.Ltmp1, $4  }
0x4a: {  	s23 =	sor.u32 $0x2800, s22;
	s22 =	smov.u32 s25;
	[sflag:s18] =	ssyncadd.s32 $0xFFFFC000  }
0x4b: {  	[spmem:s2] =	stream.indirect.scatter.add.f32 [tilespmem:s23], [sflag:$0x2], $0x80, s20, s17, $0xb8;
	[tilespmem:$0x1E800] =	vst v63  }
0x4c: {  	s21 =	sadd.s32 $0x80, s21;
	s24 =	sand.u32 $0x4000, s22;
	_ =	swait.ge [sflag:s14], $0x4000  }
0x4d: {  	s20 =	sadd.s32 $0x80, s20;
	s23 =	smov.u32 s26;
	[sflag:s14] =	ssyncset.done $0x0  }
0x4e: {  	s23 =	sor.u32 $0x2800, s24;
	[sflag:s14] =	ssyncadd.s32 $0xFFFFC000  }
0x4f: {  	[tilespmem:s23], [sflag:$0x1] =	stream.indirect.gather [hbm4b:s4+s17], $0x80, s21, s17, $0xb8;
	[tilespmem:$0x1E800] =	vst v63  }
0x50: {  	s28 =	sadd.s32 $0xFFFFC000, s22;
	_ =	swait.ge [sflag:s18], $0x4000  }
0x51: {  	s21 =	sand.u32 $0x4000, s28;
	[sflag:s18] =	ssyncset.done $0x0  }
0x52: {  	s21 =	sor.u32 $0x2800, s21;
	[sflag:s18] =	ssyncadd.s32 $0xFFFFC000  }
0x53: {  	[spmem:s2] =	stream.indirect.scatter.add.f32 [tilespmem:s21], [sflag:$0x2], $0x80, s20, s17, $0xb8;
	[tilespmem:$0x1E800] =	vst v63  }
0x54: {  	_ =	swait.ge [sflag:s14], $0x4000  }
0x55: {  	[sflag:s14] =	ssyncset.done $0x0  }
0x56: {  	[sflag:s14] =	ssyncadd.s32 $0xFFFFC000  }
0x57: {  	_ =	swait.ge [sflag:s18], $0x4000  }
0x58: {  	[sflag:s18] =	ssyncset.done $0x0  }
0x59: {  	s29 =	sadd.s32 $0x80, s20;
	[sflag:s18] =	ssyncadd.s32 $0xFFFFC000  }
0x5a: {  	[spmem:s2] =	stream.indirect.scatter.add.f32 [tilespmem:s23], [sflag:$0x2], $0x80, s29, s17, $0xb8;
	[tilespmem:$0x1E800] =	vst v63  }
0x5b: {  	_ =	swait.ge [sflag:s14], $0x4000  }
0x5c: {  	s30 =	sshll.u32 s1, $0x6;
	s19 =	sadd.s32 $0x1, s19;
	[sflag:s14] =	ssyncset.done $0x0  }
0x5d: {  	s31 =	sshrl.u32 s7, $0x3;
	p0 =	sne.s32 s19, s9;
	[sflag:s14] =	ssyncadd.s32 $0xFFFFC000  }
.Ltmp2:
0x5e: {  	s20 =	sor.u32 $0x1C02, s30;
	[bflag:$0x0] =	sbarrier.arrive $0xFFFF;
	(pc) =	sbr.rel @p0 .LBB2_1-.Ltmp2, $4  }
0x5f: {  	[hbm:s8], [sflag:s20] =	dma.local [spmem:s31], $0x2800  }
0x60: {  	_ =	swait.ge [sflag:s14], $0x2800  }
0x61: {  	[sflag:s14] =	ssyncset.done $0x0  }
0x62: {  	[sflag:s14] =	ssyncadd.s32 $0xFFFFD800  }
0x63: {  	_ =	sfence.sel $0x180000  }
0x64: {  	[bflag:$0x0] =	sbarrier.arrive $0xFFFF  }
0x65: {  	p0 =	sne.s32 s1, $0x0;
	_ =	strace $0x90000050  }
0x66: {  	s0 =	sadd.s32 @!p0 $0x100000, s0;
	[bflag:$0x2] =	sbarrier.arrive $0xFFFF  }
0x67: {  	[sflag:s0] =	ssyncadd.tile.s32 @!p0 $0x1;
	_ =	shalt  }
.Lfunc_end2:
_tile_overlayer_lowered:
.L_overlay_start_2:
0x68: {  	(tag) =	ssettag $0x2  }
0x69: {  	s0 =	rddreg [dreg:$0x0];
	s2 =	stileid.u32  }
0x6a: {  	s1 =	rddreg [dreg:$0x1];
	p0 =	sne.s32 s2, $0x0  }
0x6b: {  	s3 =	rddreg [dreg:$0x2];
	[bflag:$0x3] =	sbarrier.arrive $0xFFFF;
	s2 =	simm.s32 @!p0 $0x1C02  }
0x6c: {  	[timem:s3], [sflag:s2] =	dma.local @!p0 [hbm:s0], s1  }
0x6d: {  	s0 =	simm.s32 @!p0 $0x2  }
0x6e: {  	_ =	swait.ge @!p0 [sflag:s0], s1  }
0x6f: {  	s1 =	ssub.s32 @!p0 $0x0, s1;
	[sflag:s0] =	ssyncset.done @!p0 $0x0  }
0x70: {  	[sflag:s0] =	ssyncadd.s32 @!p0 s1  }
0x71: {  	[bflag:$0x3] =	sbarrier.arrive $0xFFFF  }
0x72: {  	_ =	shalt  }

</sc_bundles>
